<compile_context>
chip_gen: v7x
topology: tpu7x:2x2x1
jax: 0.10.2.dev20260603
libtpu: 0.0.44.dev20260713+nightly
codegen_flags: <defaults>
</compile_context>

<pallas_src>
import functools

import jax
import jax.numpy as jnp
from jax import lax
from jax.experimental import pallas as pl
from jax.experimental.pallas import tpu as pltpu
from jax.experimental.pallas import tpu_sc as plsc

N = 10000
NP = 10240
E = 320000
D = 128
G = 128
NC = 2
NS = 16
NW = NC * NS
CHUNK = 128
CHF = 80
CHS = 80
EP = NS * (CHF + CHS) * CHUNK
SLAB = NP // NS
RB = 10
BR = NP // RB



def _sc_mesh():
    return plsc.VectorSubcoreMesh(core_axis_name="c", subcore_axis_name="s")


def _sc_degree(dst_idx):

    @functools.partial(
        pl.kernel,
        out_type=jax.ShapeDtypeStruct((NC, NP, 16), jnp.float32),
        mesh=_sc_mesh(),
        scratch_types=[
            pltpu.VMEM((CHF, CHUNK), jnp.int32),
            pltpu.VMEM((CHUNK, 16), jnp.float32),
            pltpu.VMEM((CHUNK, 16), jnp.float32),
            pltpu.VMEM_SHARED((NP, 16), jnp.float32),
        ],
    )
    def deg_kernel(dst_hbm, out_hbm, dst_v, ones_v, zero_v, acc):
        cid = lax.axis_index("c")
        sid = lax.axis_index("s")
        wid = cid * NS + sid

        def fill(i, carry):
            ones_v[i, :] = jnp.ones((16,), jnp.float32)
            zero_v[i, :] = jnp.zeros((16,), jnp.float32)
            return carry

        lax.fori_loop(0, CHUNK, fill, 0)
        for r in range(SLAB // CHUNK):
            pltpu.sync_copy(zero_v, acc.at[pl.ds(sid * SLAB + r * CHUNK, CHUNK)])
        pltpu.sync_copy(dst_hbm.at[wid], dst_v)
        plsc.subcore_barrier()

        def step(j, carry):
            pltpu.sync_copy(ones_v, acc.at[dst_v.at[j]], add=True)
            return carry

        lax.fori_loop(0, CHF, step, 0)
        plsc.subcore_barrier()
        pltpu.sync_copy(acc.at[pl.ds(sid * SLAB, SLAB)],
                        out_hbm.at[cid, pl.ds(sid * SLAB, SLAB)])

    return deg_kernel(dst_idx)


def _sc_spmm(u, src_idx, dst_idx):

    @functools.partial(
        pl.kernel,
        out_type=jax.ShapeDtypeStruct((NC, NP, D), jnp.float32),
        mesh=_sc_mesh(),
        scratch_types=[
            pltpu.VMEM((CHF, CHUNK), jnp.int32),
            pltpu.VMEM((CHF, CHUNK), jnp.int32),
            pltpu.VMEM((CHUNK, D), jnp.float32),
            pltpu.VMEM_SHARED((NP, D), jnp.float32),
            pltpu.SemaphoreType.DMA,
        ],
    )
    def spmm_kernel(u_hbm, src_hbm, dst_hbm, out_hbm, src_v, dst_v, rows, acc,
                    sem):
        cid = lax.axis_index("c")
        sid = lax.axis_index("s")
        wid = cid * NS + sid

        def fill(i, carry):
            for k in range(D // 16):
                rows[i, pl.ds(k * 16, 16)] = jnp.zeros((16,), jnp.float32)
            return carry

        lax.fori_loop(0, CHUNK, fill, 0)
        for r in range(SLAB // CHUNK):
            pltpu.sync_copy(rows, acc.at[pl.ds(sid * SLAB + r * CHUNK, CHUNK)])
        pltpu.sync_copy(src_hbm.at[wid], src_v)
        pltpu.sync_copy(dst_hbm.at[wid], dst_v)
        plsc.subcore_barrier()

        def step(j, carry):
            pltpu.async_copy(u_hbm.at[src_v.at[j]], rows, sem).wait()
            pltpu.sync_copy(rows, acc.at[dst_v.at[j]], add=True)
            return carry

        lax.fori_loop(0, CHF, step, 0)
        plsc.subcore_barrier()
        pltpu.sync_copy(acc.at[pl.ds(sid * SLAB, SLAB)],
                        out_hbm.at[cid, pl.ds(sid * SLAB, SLAB)])

    return spmm_kernel(u, src_idx, dst_idx)



def _tcA_body(deg_ref, x_ref, w_ref, dinv_ref, u_ref):
    i = pl.program_id(0)
    d = deg_ref[0, :, 0:1] + deg_ref[1, :, 0:1] + 1.0
    rowid = i * BR + lax.broadcasted_iota(jnp.int32, (BR, 1), 0)
    dinv = jnp.where(rowid < N, lax.rsqrt(d), 0.0)
    dinv_ref[...] = dinv
    u_ref[...] = dinv * jnp.dot(x_ref[...], w_ref[...],
                                preferred_element_type=jnp.float32)


def _tc_prelayer(deg2, x_pad, W0):
    return pl.pallas_call(
        _tcA_body,
        grid=(RB,),
        in_specs=[
            pl.BlockSpec((NC, BR, 16), lambda i: (0, i, 0)),
            pl.BlockSpec((BR, D), lambda i: (i, 0)),
            pl.BlockSpec((D, D), lambda i: (0, 0)),
        ],
        out_specs=[
            pl.BlockSpec((BR, 1), lambda i: (i, 0)),
            pl.BlockSpec((BR, D), lambda i: (i, 0)),
        ],
        out_shape=[
            jax.ShapeDtypeStruct((NP, 1), jnp.float32),
            jax.ShapeDtypeStruct((NP, D), jnp.float32),
        ],
    )(deg2, x_pad, W0)


def _post_mid_body(s2_ref, u_ref, dinv_ref, b_ref, w_ref, out_ref, un_ref):
    s = s2_ref[0] + s2_ref[1]
    o = jnp.maximum(dinv_ref[...] * (s + u_ref[...]) + b_ref[...][None, :], 0.0)
    out_ref[...] = o
    un_ref[...] = dinv_ref[...] * jnp.dot(o, w_ref[...],
                                          preferred_element_type=jnp.float32)


def _tc_post_mid(s2, u, dinv, b, Wn):
    return pl.pallas_call(
        _post_mid_body,
        grid=(RB,),
        in_specs=[
            pl.BlockSpec((NC, BR, D), lambda i: (0, i, 0)),
            pl.BlockSpec((BR, D), lambda i: (i, 0)),
            pl.BlockSpec((BR, 1), lambda i: (i, 0)),
            pl.BlockSpec((D,), lambda i: (0,)),
            pl.BlockSpec((D, D), lambda i: (0, 0)),
        ],
        out_specs=[
            pl.BlockSpec((BR, D), lambda i: (i, 0)),
            pl.BlockSpec((BR, D), lambda i: (i, 0)),
        ],
        out_shape=[
            jax.ShapeDtypeStruct((NP, D), jnp.float32),
            jax.ShapeDtypeStruct((NP, D), jnp.float32),
        ],
    )(s2, u, dinv, b, Wn)


def _post_last_body(s2_ref, u_ref, dinv_ref, b_ref, out_ref):
    s = s2_ref[0] + s2_ref[1]
    out_ref[...] = jnp.maximum(dinv_ref[...] * (s + u_ref[...]) + b_ref[...][None, :], 0.0)


def _tc_post_last(s2, u, dinv, b):
    return pl.pallas_call(
        _post_last_body,
        grid=(RB,),
        in_specs=[
            pl.BlockSpec((NC, BR, D), lambda i: (0, i, 0)),
            pl.BlockSpec((BR, D), lambda i: (i, 0)),
            pl.BlockSpec((BR, 1), lambda i: (i, 0)),
            pl.BlockSpec((D,), lambda i: (0,)),
        ],
        out_specs=pl.BlockSpec((BR, D), lambda i: (i, 0)),
        out_shape=jax.ShapeDtypeStruct((NP, D), jnp.float32),
    )(s2, u, dinv, b)


def _pool_body(b3_ref, h_ref, pool_ref, acc, cnt):
    i = pl.program_id(0)
    m = (lax.broadcasted_iota(jnp.int32, (G, BR), 0) == b3_ref[0]).astype(jnp.float32)
    part = jnp.dot(m, h_ref[...], preferred_element_type=jnp.float32)
    c = jnp.sum(m, axis=1, keepdims=True)

    @pl.when(i == 0)
    def _():
        acc[...] = part
        cnt[...] = c

    @pl.when(i > 0)
    def _():
        acc[...] += part
        cnt[...] += c

    @pl.when(i == RB - 1)
    def _():
        pool_ref[...] = acc[...] / jnp.maximum(cnt[...], 1.0)


def _tc_pool(batch3, h):
    return pl.pallas_call(
        _pool_body,
        grid=(RB,),
        in_specs=[
            pl.BlockSpec((1, 1, BR), lambda i: (i, 0, 0)),
            pl.BlockSpec((BR, 3 * D), lambda i: (i, 0)),
        ],
        out_specs=pl.BlockSpec((G, 3 * D), lambda i: (0, 0)),
        out_shape=jax.ShapeDtypeStruct((G, 3 * D), jnp.float32),
        scratch_shapes=[
            pltpu.VMEM((G, 3 * D), jnp.float32),
            pltpu.VMEM((G, 1), jnp.float32),
        ],
    )(batch3, h)



def kernel(x, edge_index, batch, W0, b0, W1, b1, W2, b2):
    def split_blocks(flat):
        return flat.reshape(NW, CHF, CHUNK)

    src = edge_index[0].astype(jnp.int32)
    dst = edge_index[1].astype(jnp.int32)
    pad = jnp.full((EP - E,), N, jnp.int32)
    src_idx = split_blocks(jnp.concatenate([src, pad]))
    dst_idx = split_blocks(jnp.concatenate([dst, pad]))
    x_pad = jnp.pad(x, ((0, NP - N), (0, 0)))
    batch3 = jnp.concatenate(
        [batch.astype(jnp.int32), jnp.full((NP - N,), G, jnp.int32)]
    ).reshape(RB, 1, BR)

    deg2 = _sc_degree(dst_idx)
    dinv, u = _tc_prelayer(deg2, x_pad, W0)

    outs = []
    for Wn, b in ((W1, b0), (W2, b1), (None, b2)):
        s2 = _sc_spmm(u, src_idx, dst_idx)
        if Wn is None:
            o = _tc_post_last(s2, u, dinv, b)
        else:
            o, u = _tc_post_mid(s2, u, dinv, b, Wn)
        outs.append(o)

    h = jnp.concatenate(outs, axis=1)
    pool = _tc_pool(batch3, h)
    return (pool, h[:N])

# --- scband reference (transcript-rebuilt; emitter-appended) ---
"""Pipeline reference for scband-encoder-gcn-30013231464613 (READ-ONLY COPY).

The authoritative reference and input builder live on the scoring server;
editing this copy changes nothing except your own understanding.
"""

import jax, jax.numpy as jnp
import numpy as np

N_NODES = 10000
N_EDGES = 320000
D_IN = 128
DIM = 128
N_LAYERS = 3
N_GRAPHS = 128


def gcn_layer(x, W, b, edge_index, num_nodes):
    # PyG GCNConv: x' = D^{-1/2} (A + I) D^{-1/2} X W + b
    src = edge_index[0]
    dst = edge_index[1]
    loop = jnp.arange(num_nodes, dtype=src.dtype)
    src = jnp.concatenate([src, loop])
    dst = jnp.concatenate([dst, loop])
    deg = jax.ops.segment_sum(jnp.ones_like(dst, dtype=x.dtype), dst, num_segments=num_nodes)
    dinv = jnp.where(deg > 0, 1.0 / jnp.sqrt(deg), 0.0)
    norm = dinv[src] * dinv[dst]
    h = x @ W
    msg = h[src] * norm[:, None]
    out = jax.ops.segment_sum(msg, dst, num_segments=num_nodes)
    return out + b


def setup_inputs(seed: int = 0) -> dict:
    key = jax.random.key(seed)
    ks = jax.random.split(key, 12)
    x = jax.random.normal(ks[0], (N_NODES, D_IN), dtype=jnp.float32)
    edge_index = jax.random.randint(ks[1], (2, N_EDGES), 0, N_NODES, dtype=jnp.int64) if jax.config.jax_enable_x64 else jax.random.randint(ks[1], (2, N_EDGES), 0, N_NODES).astype(jnp.int32)
    batch = jnp.sort(jax.random.randint(ks[2], (N_NODES,), 0, N_GRAPHS)).astype(jnp.int32)
    W0 = jax.random.normal(ks[3], (D_IN, DIM), dtype=jnp.float32) * (1.0 / np.sqrt(D_IN))
    b0 = jnp.zeros((DIM,), dtype=jnp.float32)
    W1 = jax.random.normal(ks[4], (DIM, DIM), dtype=jnp.float32) * (1.0 / np.sqrt(DIM))
    b1 = jnp.zeros((DIM,), dtype=jnp.float32)
    W2 = jax.random.normal(ks[5], (DIM, DIM), dtype=jnp.float32) * (1.0 / np.sqrt(DIM))
    b2 = jnp.zeros((DIM,), dtype=jnp.float32)
    return {"x": x, "edge_index": edge_index, "batch": batch,
            "W0": W0, "b0": b0, "W1": W1, "b1": b1, "W2": W2, "b2": b2}


def reference(x, edge_index, batch, W0, b0, W1, b1, W2, b2):
    xs = []
    h = x
    for W, b in ((W0, b0), (W1, b1), (W2, b2)):
        h = jax.nn.relu(gcn_layer(h, W, b, edge_index, N_NODES))
        xs.append(h)
    counts = jax.ops.segment_sum(jnp.ones((N_NODES,), dtype=jnp.float32), batch, num_segments=N_GRAPHS)
    denom = jnp.maximum(counts, 1.0)[:, None]
    xpool = [jax.ops.segment_sum(h_, batch, num_segments=N_GRAPHS) / denom for h_ in xs]
    return (jnp.concatenate(xpool, axis=1), jnp.concatenate(xs, axis=1))

if __name__ == "__main__":
    import jax
    _d = setup_inputs()
    print(jax.jit(kernel)(*tuple(_d.values())))

</pallas_src>

<mosaic_0001>
#map = affine_map<(d0, d1) -> (0, 0, 0)>
module attributes {stable_mosaic.version = 14 : i64} {
  func.func @deg_kernel(%arg0: i32, %arg1: i32, %arg2: memref<32x80x128xi32, #tpu.memory_space<hbm>>, %arg3: memref<2x10240x16xf32, #tpu.memory_space<hbm>>, %arg4: memref<80x128xi32, #tpu.memory_space<vmem>>, %arg5: memref<128x16xf32, #tpu.memory_space<vmem>>, %arg6: memref<128x16xf32, #tpu.memory_space<vmem>>, %arg7: memref<10240x16xf32, #tpu.memory_space<vmem_shared>>) attributes {dimension_semantics = [#tpu.dimension_semantics<core_parallel>, #tpu.dimension_semantics<subcore_parallel>], iteration_bounds = array<i64: 2, 16>, scalar_prefetch = 0 : i64, scratch_operands = 4 : i64, tpu.core_type = #tpu.core_type<sc_vector_subcore>, window_params = [{transform_indices = #map}, {transform_indices = #map}]} {
    %mul3A = arith.constant 16 : i32
    %mul3A_0 = arith.muli %arg0, %mul3A : i32
    %add3A = arith.addi %mul3A_0, %arg1 : i32
    %scan3A = arith.constant 0 : i32
    %scan3A_1 = arith.constant 0 : i32
    %scan3A_2 = arith.constant 128 : i32
    %scan3A_3 = arith.addi %scan3A_1, %scan3A_2 : i32
    %scan3A_4 = arith.constant 1 : i32
    scf.for %scan3A_37 = %scan3A_1 to %scan3A_3 step %scan3A_4  : i32 {
      %broadcast_in_dim3A = arith.constant 1.000000e+00 : f32
      %broadcast_in_dim3A_38 = vector.broadcast %broadcast_in_dim3A : f32 to vector<16xf32>
      %swap3A = arith.index_cast %scan3A_37 : i32 to index
      %swap3A_39 = arith.constant 0 : index
      %swap3A_40 = tpu.vector_load %arg5[%swap3A, %swap3A_39] {strides = array<i32>} : memref<128x16xf32, #tpu.memory_space<vmem>>, vector<1x16xf32>,
      %swap3A_41 = vector.shape_cast %swap3A_40 : vector<1x16xf32> to vector<16xf32>
      %swap3A_42 = vector.shape_cast %broadcast_in_dim3A_38 : vector<16xf32> to vector<1x16xf32>
      tpu.vector_store %arg5[%swap3A, %swap3A_39], %swap3A_42 {strides = array<i32>} : memref<128x16xf32, #tpu.memory_space<vmem>>, vector<1x16xf32>,
      %broadcast_in_dim3A_43 = arith.constant 0.000000e+00 : f32
      %broadcast_in_dim3A_44 = vector.broadcast %broadcast_in_dim3A_43 : f32 to vector<16xf32>
      %swap3A_45 = arith.index_cast %scan3A_37 : i32 to index
      %swap3A_46 = arith.constant 0 : index
      %swap3A_47 = tpu.vector_load %arg6[%swap3A_45, %swap3A_46] {strides = array<i32>} : memref<128x16xf32, #tpu.memory_space<vmem>>, vector<1x16xf32>,
      %swap3A_48 = vector.shape_cast %swap3A_47 : vector<1x16xf32> to vector<16xf32>
      %swap3A_49 = vector.shape_cast %broadcast_in_dim3A_44 : vector<16xf32> to vector<1x16xf32>
      tpu.vector_store %arg6[%swap3A_45, %swap3A_46], %swap3A_49 {strides = array<i32>} : memref<128x16xf32, #tpu.memory_space<vmem>>, vector<1x16xf32>,
    }
    %scan3A_5 = arith.constant 128 : i32
    %mul3A_6 = arith.constant 640 : i32
    %mul3A_7 = arith.muli %arg1, %mul3A_6 : i32
    %add3A_8 = arith.constant 0 : i32
    %add3A_9 = arith.addi %mul3A_7, %add3A_8 : i32
    "tpu.region"() ({
      %run_scoped3A = tpu.sem_alloc : memref<!tpu.dma_semaphore, #tpu.memory_space<semaphore_mem>>
      %dma_start3A = arith.constant 0 : i32
      %dma_start3A_37 = tpu.memref_slice %arg7[%add3A_9, %dma_start3A] : memref<10240x16xf32, #tpu.memory_space<vmem_shared>> -> memref<128x16xf32, #tpu.memory_space<vmem_shared>>
      %dma_start3A_38 = arith.constant 0 : i32
      %dma_start3A_39 = tpu.memref_slice %arg7[%add3A_9, %dma_start3A_38] : memref<10240x16xf32, #tpu.memory_space<vmem_shared>> -> memref<128x16xf32, #tpu.memory_space<vmem_shared>>
      tpu.enqueue_dma source(%arg6 : memref<128x16xf32, #tpu.memory_space<vmem>>) target(%dma_start3A_39 : memref<128x16xf32, #tpu.memory_space<vmem_shared>>) target_semaphore(%run_scoped3A : memref<!tpu.dma_semaphore, #tpu.memory_space<semaphore_mem>>)
      %dma_wait3A = arith.constant 0 : i32
      %dma_wait3A_40 = tpu.memref_slice %arg7[%add3A_9, %dma_wait3A] : memref<10240x16xf32, #tpu.memory_space<vmem_shared>> -> memref<128x16xf32, #tpu.memory_space<vmem_shared>>
      %dma_wait3A_41 = arith.constant 0 : i32
      %dma_wait3A_42 = tpu.memref_slice %arg7[%add3A_9, %dma_wait3A_41] : memref<10240x16xf32, #tpu.memory_space<vmem_shared>> -> memref<128x16xf32, #tpu.memory_space<vmem_shared>>
      tpu.wait_dma2 semaphore(%run_scoped3A : memref<!tpu.dma_semaphore, #tpu.memory_space<semaphore_mem>>) src(%arg6 : memref<128x16xf32, #tpu.memory_space<vmem>>) dst(%dma_wait3A_42 : memref<128x16xf32, #tpu.memory_space<vmem_shared>>)
      tpu.yield
    }) : () -> ()
    %mul3A_10 = arith.constant 640 : i32
    %mul3A_11 = arith.muli %arg1, %mul3A_10 : i32
    %add3A_12 = arith.constant 128 : i32
    %add3A_13 = arith.addi %mul3A_11, %add3A_12 : i32
    "tpu.region"() ({
      %run_scoped3A = tpu.sem_alloc : memref<!tpu.dma_semaphore, #tpu.memory_space<semaphore_mem>>
      %dma_start3A = arith.constant 0 : i32
      %dma_start3A_37 = tpu.memref_slice %arg7[%add3A_13, %dma_start3A] : memref<10240x16xf32, #tpu.memory_space<vmem_shared>> -> memref<128x16xf32, #tpu.memory_space<vmem_shared>>
      %dma_start3A_38 = arith.constant 0 : i32
      %dma_start3A_39 = tpu.memref_slice %arg7[%add3A_13, %dma_start3A_38] : memref<10240x16xf32, #tpu.memory_space<vmem_shared>> -> memref<128x16xf32, #tpu.memory_space<vmem_shared>>
      tpu.enqueue_dma source(%arg6 : memref<128x16xf32, #tpu.memory_space<vmem>>) target(%dma_start3A_39 : memref<128x16xf32, #tpu.memory_space<vmem_shared>>) target_semaphore(%run_scoped3A : memref<!tpu.dma_semaphore, #tpu.memory_space<semaphore_mem>>)
      %dma_wait3A = arith.constant 0 : i32
      %dma_wait3A_40 = tpu.memref_slice %arg7[%add3A_13, %dma_wait3A] : memref<10240x16xf32, #tpu.memory_space<vmem_shared>> -> memref<128x16xf32, #tpu.memory_space<vmem_shared>>
      %dma_wait3A_41 = arith.constant 0 : i32
      %dma_wait3A_42 = tpu.memref_slice %arg7[%add3A_13, %dma_wait3A_41] : memref<10240x16xf32, #tpu.memory_space<vmem_shared>> -> memref<128x16xf32, #tpu.memory_space<vmem_shared>>
      tpu.wait_dma2 semaphore(%run_scoped3A : memref<!tpu.dma_semaphore, #tpu.memory_space<semaphore_mem>>) src(%arg6 : memref<128x16xf32, #tpu.memory_space<vmem>>) dst(%dma_wait3A_42 : memref<128x16xf32, #tpu.memory_space<vmem_shared>>)
      tpu.yield
    }) : () -> ()
    %mul3A_14 = arith.constant 640 : i32
    %mul3A_15 = arith.muli %arg1, %mul3A_14 : i32
    %add3A_16 = arith.constant 256 : i32
    %add3A_17 = arith.addi %mul3A_15, %add3A_16 : i32
    "tpu.region"() ({
      %run_scoped3A = tpu.sem_alloc : memref<!tpu.dma_semaphore, #tpu.memory_space<semaphore_mem>>
      %dma_start3A = arith.constant 0 : i32
      %dma_start3A_37 = tpu.memref_slice %arg7[%add3A_17, %dma_start3A] : memref<10240x16xf32, #tpu.memory_space<vmem_shared>> -> memref<128x16xf32, #tpu.memory_space<vmem_shared>>
      %dma_start3A_38 = arith.constant 0 : i32
      %dma_start3A_39 = tpu.memref_slice %arg7[%add3A_17, %dma_start3A_38] : memref<10240x16xf32, #tpu.memory_space<vmem_shared>> -> memref<128x16xf32, #tpu.memory_space<vmem_shared>>
      tpu.enqueue_dma source(%arg6 : memref<128x16xf32, #tpu.memory_space<vmem>>) target(%dma_start3A_39 : memref<128x16xf32, #tpu.memory_space<vmem_shared>>) target_semaphore(%run_scoped3A : memref<!tpu.dma_semaphore, #tpu.memory_space<semaphore_mem>>)
      %dma_wait3A = arith.constant 0 : i32
      %dma_wait3A_40 = tpu.memref_slice %arg7[%add3A_17, %dma_wait3A] : memref<10240x16xf32, #tpu.memory_space<vmem_shared>> -> memref<128x16xf32, #tpu.memory_space<vmem_shared>>
      %dma_wait3A_41 = arith.constant 0 : i32
      %dma_wait3A_42 = tpu.memref_slice %arg7[%add3A_17, %dma_wait3A_41] : memref<10240x16xf32, #tpu.memory_space<vmem_shared>> -> memref<128x16xf32, #tpu.memory_space<vmem_shared>>
      tpu.wait_dma2 semaphore(%run_scoped3A : memref<!tpu.dma_semaphore, #tpu.memory_space<semaphore_mem>>) src(%arg6 : memref<128x16xf32, #tpu.memory_space<vmem>>) dst(%dma_wait3A_42 : memref<128x16xf32, #tpu.memory_space<vmem_shared>>)
      tpu.yield
    }) : () -> ()
    %mul3A_18 = arith.constant 640 : i32
    %mul3A_19 = arith.muli %arg1, %mul3A_18 : i32
    %add3A_20 = arith.constant 384 : i32
    %add3A_21 = arith.addi %mul3A_19, %add3A_20 : i32
    "tpu.region"() ({
      %run_scoped3A = tpu.sem_alloc : memref<!tpu.dma_semaphore, #tpu.memory_space<semaphore_mem>>
      %dma_start3A = arith.constant 0 : i32
      %dma_start3A_37 = tpu.memref_slice %arg7[%add3A_21, %dma_start3A] : memref<10240x16xf32, #tpu.memory_space<vmem_shared>> -> memref<128x16xf32, #tpu.memory_space<vmem_shared>>
      %dma_start3A_38 = arith.constant 0 : i32
      %dma_start3A_39 = tpu.memref_slice %arg7[%add3A_21, %dma_start3A_38] : memref<10240x16xf32, #tpu.memory_space<vmem_shared>> -> memref<128x16xf32, #tpu.memory_space<vmem_shared>>
      tpu.enqueue_dma source(%arg6 : memref<128x16xf32, #tpu.memory_space<vmem>>) target(%dma_start3A_39 : memref<128x16xf32, #tpu.memory_space<vmem_shared>>) target_semaphore(%run_scoped3A : memref<!tpu.dma_semaphore, #tpu.memory_space<semaphore_mem>>)
      %dma_wait3A = arith.constant 0 : i32
      %dma_wait3A_40 = tpu.memref_slice %arg7[%add3A_21, %dma_wait3A] : memref<10240x16xf32, #tpu.memory_space<vmem_shared>> -> memref<128x16xf32, #tpu.memory_space<vmem_shared>>
      %dma_wait3A_41 = arith.constant 0 : i32
      %dma_wait3A_42 = tpu.memref_slice %arg7[%add3A_21, %dma_wait3A_41] : memref<10240x16xf32, #tpu.memory_space<vmem_shared>> -> memref<128x16xf32, #tpu.memory_space<vmem_shared>>
      tpu.wait_dma2 semaphore(%run_scoped3A : memref<!tpu.dma_semaphore, #tpu.memory_space<semaphore_mem>>) src(%arg6 : memref<128x16xf32, #tpu.memory_space<vmem>>) dst(%dma_wait3A_42 : memref<128x16xf32, #tpu.memory_space<vmem_shared>>)
      tpu.yield
    }) : () -> ()
    %mul3A_22 = arith.constant 640 : i32
    %mul3A_23 = arith.muli %arg1, %mul3A_22 : i32
    %add3A_24 = arith.constant 512 : i32
    %add3A_25 = arith.addi %mul3A_23, %add3A_24 : i32
    "tpu.region"() ({
      %run_scoped3A = tpu.sem_alloc : memref<!tpu.dma_semaphore, #tpu.memory_space<semaphore_mem>>
      %dma_start3A = arith.constant 0 : i32
      %dma_start3A_37 = tpu.memref_slice %arg7[%add3A_25, %dma_start3A] : memref<10240x16xf32, #tpu.memory_space<vmem_shared>> -> memref<128x16xf32, #tpu.memory_space<vmem_shared>>
      %dma_start3A_38 = arith.constant 0 : i32
      %dma_start3A_39 = tpu.memref_slice %arg7[%add3A_25, %dma_start3A_38] : memref<10240x16xf32, #tpu.memory_space<vmem_shared>> -> memref<128x16xf32, #tpu.memory_space<vmem_shared>>
      tpu.enqueue_dma source(%arg6 : memref<128x16xf32, #tpu.memory_space<vmem>>) target(%dma_start3A_39 : memref<128x16xf32, #tpu.memory_space<vmem_shared>>) target_semaphore(%run_scoped3A : memref<!tpu.dma_semaphore, #tpu.memory_space<semaphore_mem>>)
      %dma_wait3A = arith.constant 0 : i32
      %dma_wait3A_40 = tpu.memref_slice %arg7[%add3A_25, %dma_wait3A] : memref<10240x16xf32, #tpu.memory_space<vmem_shared>> -> memref<128x16xf32, #tpu.memory_space<vmem_shared>>
      %dma_wait3A_41 = arith.constant 0 : i32
      %dma_wait3A_42 = tpu.memref_slice %arg7[%add3A_25, %dma_wait3A_41] : memref<10240x16xf32, #tpu.memory_space<vmem_shared>> -> memref<128x16xf32, #tpu.memory_space<vmem_shared>>
      tpu.wait_dma2 semaphore(%run_scoped3A : memref<!tpu.dma_semaphore, #tpu.memory_space<semaphore_mem>>) src(%arg6 : memref<128x16xf32, #tpu.memory_space<vmem>>) dst(%dma_wait3A_42 : memref<128x16xf32, #tpu.memory_space<vmem_shared>>)
      tpu.yield
    }) : () -> ()
    "tpu.region"() ({
      %run_scoped3A = tpu.sem_alloc : memref<!tpu.dma_semaphore, #tpu.memory_space<semaphore_mem>>
      %dma_start3A = arith.constant 0 : i32
      %dma_start3A_37 = arith.constant 0 : i32
      %dma_start3A_38 = tpu.memref_slice %arg2[%add3A, %dma_start3A, %dma_start3A_37] : memref<32x80x128xi32, #tpu.memory_space<hbm>> -> memref<1x80x128xi32, #tpu.memory_space<hbm>>
      %dma_start3A_39 = tpu.memref_squeeze %dma_start3A_38 : memref<1x80x128xi32, #tpu.memory_space<hbm>> -> memref<80x128xi32, #tpu.memory_space<hbm>>
      %dma_start3A_40 = arith.constant 0 : i32
      %dma_start3A_41 = arith.constant 0 : i32
      %dma_start3A_42 = tpu.memref_slice %arg2[%add3A, %dma_start3A_40, %dma_start3A_41] : memref<32x80x128xi32, #tpu.memory_space<hbm>> -> memref<1x80x128xi32, #tpu.memory_space<hbm>>
      %dma_start3A_43 = tpu.memref_squeeze %dma_start3A_42 : memref<1x80x128xi32, #tpu.memory_space<hbm>> -> memref<80x128xi32, #tpu.memory_space<hbm>>
      tpu.enqueue_dma source(%dma_start3A_43 : memref<80x128xi32, #tpu.memory_space<hbm>>) target(%arg4 : memref<80x128xi32, #tpu.memory_space<vmem>>) target_semaphore(%run_scoped3A : memref<!tpu.dma_semaphore, #tpu.memory_space<semaphore_mem>>)
      %dma_wait3A = arith.constant 0 : i32
      %dma_wait3A_44 = arith.constant 0 : i32
      %dma_wait3A_45 = tpu.memref_slice %arg2[%add3A, %dma_wait3A, %dma_wait3A_44] : memref<32x80x128xi32, #tpu.memory_space<hbm>> -> memref<1x80x128xi32, #tpu.memory_space<hbm>>
      %dma_wait3A_46 = tpu.memref_squeeze %dma_wait3A_45 : memref<1x80x128xi32, #tpu.memory_space<hbm>> -> memref<80x128xi32, #tpu.memory_space<hbm>>
      %dma_wait3A_47 = arith.constant 0 : i32
      %dma_wait3A_48 = arith.constant 0 : i32
      %dma_wait3A_49 = tpu.memref_slice %arg2[%add3A, %dma_wait3A_47, %dma_wait3A_48] : memref<32x80x128xi32, #tpu.memory_space<hbm>> -> memref<1x80x128xi32, #tpu.memory_space<hbm>>
      %dma_wait3A_50 = tpu.memref_squeeze %dma_wait3A_49 : memref<1x80x128xi32, #tpu.memory_space<hbm>> -> memref<80x128xi32, #tpu.memory_space<hbm>>
      tpu.wait_dma2 semaphore(%run_scoped3A : memref<!tpu.dma_semaphore, #tpu.memory_space<semaphore_mem>>) src(%dma_wait3A_50 : memref<80x128xi32, #tpu.memory_space<hbm>>) dst(%arg4 : memref<80x128xi32, #tpu.memory_space<vmem>>)
      tpu.yield
    }) : () -> ()
    %barrier3A = arith.constant 0 : index
    tpu.barrier barrier_id(%barrier3A)
    %scan3A_26 = arith.constant 0 : i32
    %scan3A_27 = arith.constant 0 : i32
    %scan3A_28 = arith.constant 80 : i32
    %scan3A_29 = arith.addi %scan3A_27, %scan3A_28 : i32
    %scan3A_30 = arith.constant 1 : i32
    scf.for %scan3A_37 = %scan3A_27 to %scan3A_29 step %scan3A_30  : i32 {
      "tpu.region"() ({
        %run_scoped3A = tpu.sem_alloc : memref<!tpu.dma_semaphore, #tpu.memory_space<semaphore_mem>>
        %dma_start3A = arith.constant 0 : i32
        %dma_start3A_38 = tpu.memref_slice %arg4[%scan3A_37, %dma_start3A] : memref<80x128xi32, #tpu.memory_space<vmem>> -> memref<1x128xi32, #tpu.memory_space<vmem>>
        %dma_start3A_39 = tpu.memref_squeeze %dma_start3A_38 : memref<1x128xi32, #tpu.memory_space<vmem>> -> memref<128xi32, #tpu.memory_space<vmem>>
        %dma_start3A_40 = arith.constant 0 : i32
        %dma_start3A_41 = arith.constant 0 : i32
        %dma_start3A_42 = tpu.memref_slice %arg7[%dma_start3A_40, %dma_start3A_41] : memref<10240x16xf32, #tpu.memory_space<vmem_shared>> -> memref<10240x16xf32, #tpu.memory_space<vmem_shared>>
        tpu.enqueue_indirect_dma source(%arg5 : memref<128x16xf32, #tpu.memory_space<vmem>>) target(%dma_start3A_42 : memref<10240x16xf32, #tpu.memory_space<vmem_shared>>) offsets(%dma_start3A_39 : memref<128xi32, #tpu.memory_space<vmem>>) semaphore(%run_scoped3A : memref<!tpu.dma_semaphore, #tpu.memory_space<semaphore_mem>>) {add = true}
        %dma_wait3A = arith.constant 0 : i32
        %dma_wait3A_43 = tpu.memref_slice %arg4[%scan3A_37, %dma_wait3A] : memref<80x128xi32, #tpu.memory_space<vmem>> -> memref<1x128xi32, #tpu.memory_space<vmem>>
        %dma_wait3A_44 = tpu.memref_squeeze %dma_wait3A_43 : memref<1x128xi32, #tpu.memory_space<vmem>> -> memref<128xi32, #tpu.memory_space<vmem>>
        %dma_wait3A_45 = arith.constant 0 : i32
        %dma_wait3A_46 = arith.constant 0 : i32
        %dma_wait3A_47 = tpu.memref_slice %arg7[%dma_wait3A_45, %dma_wait3A_46] : memref<10240x16xf32, #tpu.memory_space<vmem_shared>> -> memref<10240x16xf32, #tpu.memory_space<vmem_shared>>
        tpu.wait_indirect_dma semaphore(%run_scoped3A : memref<!tpu.dma_semaphore, #tpu.memory_space<semaphore_mem>>) src(%arg5 : memref<128x16xf32, #tpu.memory_space<vmem>>) dst(%dma_wait3A_47 : memref<10240x16xf32, #tpu.memory_space<vmem_shared>>)
        tpu.yield
      }) : () -> ()
    }
    %scan3A_31 = arith.constant 80 : i32
    %barrier3A_32 = arith.constant 0 : index
    tpu.barrier barrier_id(%barrier3A_32)
    %mul3A_33 = arith.constant 640 : i32
    %mul3A_34 = arith.muli %arg1, %mul3A_33 : i32
    %mul3A_35 = arith.constant 640 : i32
    %mul3A_36 = arith.muli %arg1, %mul3A_35 : i32
    "tpu.region"() ({
      %run_scoped3A = tpu.sem_alloc : memref<!tpu.dma_semaphore, #tpu.memory_space<semaphore_mem>>
      %dma_start3A = arith.constant 0 : i32
      %dma_start3A_37 = tpu.memref_slice %arg3[%arg0, %mul3A_36, %dma_start3A] : memref<2x10240x16xf32, #tpu.memory_space<hbm>> -> memref<1x640x16xf32, #tpu.memory_space<hbm>>
      %dma_start3A_38 = tpu.memref_squeeze %dma_start3A_37 : memref<1x640x16xf32, #tpu.memory_space<hbm>> -> memref<640x16xf32, #tpu.memory_space<hbm>>
      %dma_start3A_39 = arith.constant 0 : i32
      %dma_start3A_40 = tpu.memref_slice %arg7[%mul3A_34, %dma_start3A_39] : memref<10240x16xf32, #tpu.memory_space<vmem_shared>> -> memref<640x16xf32, #tpu.memory_space<vmem_shared>>
      tpu.enqueue_dma source(%dma_start3A_40 : memref<640x16xf32, #tpu.memory_space<vmem_shared>>) target(%dma_start3A_38 : memref<640x16xf32, #tpu.memory_space<hbm>>) target_semaphore(%run_scoped3A : memref<!tpu.dma_semaphore, #tpu.memory_space<semaphore_mem>>)
      %dma_wait3A = arith.constant 0 : i32
      %dma_wait3A_41 = tpu.memref_slice %arg3[%arg0, %mul3A_36, %dma_wait3A] : memref<2x10240x16xf32, #tpu.memory_space<hbm>> -> memref<1x640x16xf32, #tpu.memory_space<hbm>>
      %dma_wait3A_42 = tpu.memref_squeeze %dma_wait3A_41 : memref<1x640x16xf32, #tpu.memory_space<hbm>> -> memref<640x16xf32, #tpu.memory_space<hbm>>
      %dma_wait3A_43 = arith.constant 0 : i32
      %dma_wait3A_44 = tpu.memref_slice %arg7[%mul3A_34, %dma_wait3A_43] : memref<10240x16xf32, #tpu.memory_space<vmem_shared>> -> memref<640x16xf32, #tpu.memory_space<vmem_shared>>
      tpu.wait_dma2 semaphore(%run_scoped3A : memref<!tpu.dma_semaphore, #tpu.memory_space<semaphore_mem>>) src(%dma_wait3A_44 : memref<640x16xf32, #tpu.memory_space<vmem_shared>>) dst(%dma_wait3A_42 : memref<640x16xf32, #tpu.memory_space<hbm>>)
      tpu.yield
    }) : () -> ()
    return
  }
}

#map = affine_map<(d0, d1) -> (0, 0)>
#map1 = affine_map<(d0, d1) -> (0, 0, 0)>
module attributes {stable_mosaic.version = 14 : i64} {
  func.func @spmm_kernel(%arg0: i32, %arg1: i32, %arg2: memref<10240x128xf32, #tpu.memory_space<hbm>>, %arg3: memref<32x80x128xi32, #tpu.memory_space<hbm>>, %arg4: memref<32x80x128xi32, #tpu.memory_space<hbm>>, %arg5: memref<2x10240x128xf32, #tpu.memory_space<hbm>>, %arg6: memref<80x128xi32, #tpu.memory_space<vmem>>, %arg7: memref<80x128xi32, #tpu.memory_space<vmem>>, %arg8: memref<128x128xf32, #tpu.memory_space<vmem>>, %arg9: memref<10240x128xf32, #tpu.memory_space<vmem_shared>>, %arg10: memref<!tpu.dma_semaphore, #tpu.memory_space<semaphore_mem>>) attributes {dimension_semantics = [#tpu.dimension_semantics<core_parallel>, #tpu.dimension_semantics<subcore_parallel>], iteration_bounds = array<i64: 2, 16>, scalar_prefetch = 0 : i64, scratch_operands = 5 : i64, tpu.core_type = #tpu.core_type<sc_vector_subcore>, window_params = [{transform_indices = #map}, {transform_indices = #map1}, {transform_indices = #map1}, {transform_indices = #map1}]} {
    %mul3A = arith.constant 16 : i32
    %mul3A_0 = arith.muli %arg0, %mul3A : i32
    %add3A = arith.addi %mul3A_0, %arg1 : i32
    %scan3A = arith.constant 0 : i32
    %scan3A_1 = arith.constant 0 : i32
    %scan3A_2 = arith.constant 128 : i32
    %scan3A_3 = arith.addi %scan3A_1, %scan3A_2 : i32
    %scan3A_4 = arith.constant 1 : i32
    scf.for %scan3A_37 = %scan3A_1 to %scan3A_3 step %scan3A_4  : i32 {
      %broadcast_in_dim3A = arith.constant 0.000000e+00 : f32
      %broadcast_in_dim3A_38 = vector.broadcast %broadcast_in_dim3A : f32 to vector<16xf32>
      %swap3A = arith.index_cast %scan3A_37 : i32 to index
      %swap3A_39 = arith.constant 0 : index
      %swap3A_40 = tpu.vector_load %arg8[%swap3A, %swap3A_39] {strides = array<i32>} : memref<128x128xf32, #tpu.memory_space<vmem>>, vector<1x16xf32>,
      %swap3A_41 = vector.shape_cast %swap3A_40 : vector<1x16xf32> to vector<16xf32>
      %swap3A_42 = vector.shape_cast %broadcast_in_dim3A_38 : vector<16xf32> to vector<1x16xf32>
      tpu.vector_store %arg8[%swap3A, %swap3A_39], %swap3A_42 {strides = array<i32>} : memref<128x128xf32, #tpu.memory_space<vmem>>, vector<1x16xf32>,
      %broadcast_in_dim3A_43 = arith.constant 0.000000e+00 : f32
      %broadcast_in_dim3A_44 = vector.broadcast %broadcast_in_dim3A_43 : f32 to vector<16xf32>
      %swap3A_45 = arith.index_cast %scan3A_37 : i32 to index
      %swap3A_46 = arith.constant 16 : index
      %swap3A_47 = tpu.vector_load %arg8[%swap3A_45, %swap3A_46] {strides = array<i32>} : memref<128x128xf32, #tpu.memory_space<vmem>>, vector<1x16xf32>,
      %swap3A_48 = vector.shape_cast %swap3A_47 : vector<1x16xf32> to vector<16xf32>
      %swap3A_49 = vector.shape_cast %broadcast_in_dim3A_44 : vector<16xf32> to vector<1x16xf32>
      tpu.vector_store %arg8[%swap3A_45, %swap3A_46], %swap3A_49 {strides = array<i32>} : memref<128x128xf32, #tpu.memory_space<vmem>>, vector<1x16xf32>,
      %broadcast_in_dim3A_50 = arith.constant 0.000000e+00 : f32
      %broadcast_in_dim3A_51 = vector.broadcast %broadcast_in_dim3A_50 : f32 to vector<16xf32>
      %swap3A_52 = arith.index_cast %scan3A_37 : i32 to index
      %swap3A_53 = arith.constant 32 : index
      %swap3A_54 = tpu.vector_load %arg8[%swap3A_52, %swap3A_53] {strides = array<i32>} : memref<128x128xf32, #tpu.memory_space<vmem>>, vector<1x16xf32>,
      %swap3A_55 = vector.shape_cast %swap3A_54 : vector<1x16xf32> to vector<16xf32>
      %swap3A_56 = vector.shape_cast %broadcast_in_dim3A_51 : vector<16xf32> to vector<1x16xf32>
      tpu.vector_store %arg8[%swap3A_52, %swap3A_53], %swap3A_56 {strides = array<i32>} : memref<128x128xf32, #tpu.memory_space<vmem>>, vector<1x16xf32>,
      %broadcast_in_dim3A_57 = arith.constant 0.000000e+00 : f32
      %broadcast_in_dim3A_58 = vector.broadcast %broadcast_in_dim3A_57 : f32 to vector<16xf32>
      %swap3A_59 = arith.index_cast %scan3A_37 : i32 to index
      %swap3A_60 = arith.constant 48 : index
      %swap3A_61 = tpu.vector_load %arg8[%swap3A_59, %swap3A_60] {strides = array<i32>} : memref<128x128xf32, #tpu.memory_space<vmem>>, vector<1x16xf32>,
      %swap3A_62 = vector.shape_cast %swap3A_61 : vector<1x16xf32> to vector<16xf32>
      %swap3A_63 = vector.shape_cast %broadcast_in_dim3A_58 : vector<16xf32> to vector<1x16xf32>
      tpu.vector_store %arg8[%swap3A_59, %swap3A_60], %swap3A_63 {strides = array<i32>} : memref<128x128xf32, #tpu.memory_space<vmem>>, vector<1x16xf32>,
      %broadcast_in_dim3A_64 = arith.constant 0.000000e+00 : f32
      %broadcast_in_dim3A_65 = vector.broadcast %broadcast_in_dim3A_64 : f32 to vector<16xf32>
      %swap3A_66 = arith.index_cast %scan3A_37 : i32 to index
      %swap3A_67 = arith.constant 64 : index
      %swap3A_68 = tpu.vector_load %arg8[%swap3A_66, %swap3A_67] {strides = array<i32>} : memref<128x128xf32, #tpu.memory_space<vmem>>, vector<1x16xf32>,
      %swap3A_69 = vector.shape_cast %swap3A_68 : vector<1x16xf32> to vector<16xf32>
      %swap3A_70 = vector.shape_cast %broadcast_in_dim3A_65 : vector<16xf32> to vector<1x16xf32>
      tpu.vector_store %arg8[%swap3A_66, %swap3A_67], %swap3A_70 {strides = array<i32>} : memref<128x128xf32, #tpu.memory_space<vmem>>, vector<1x16xf32>,
      %broadcast_in_dim3A_71 = arith.constant 0.000000e+00 : f32
      %broadcast_in_dim3A_72 = vector.broadcast %broadcast_in_dim3A_71 : f32 to vector<16xf32>
      %swap3A_73 = arith.index_cast %scan3A_37 : i32 to index
      %swap3A_74 = arith.constant 80 : index
      %swap3A_75 = tpu.vector_load %arg8[%swap3A_73, %swap3A_74] {strides = array<i32>} : memref<128x128xf32, #tpu.memory_space<vmem>>, vector<1x16xf32>,
      %swap3A_76 = vector.shape_cast %swap3A_75 : vector<1x16xf32> to vector<16xf32>
      %swap3A_77 = vector.shape_cast %broadcast_in_dim3A_72 : vector<16xf32> to vector<1x16xf32>
      tpu.vector_store %arg8[%swap3A_73, %swap3A_74], %swap3A_77 {strides = array<i32>} : memref<128x128xf32, #tpu.memory_space<vmem>>, vector<1x16xf32>,
      %broadcast_in_dim3A_78 = arith.constant 0.000000e+00 : f32
      %broadcast_in_dim3A_79 = vector.broadcast %broadcast_in_dim3A_78 : f32 to vector<16xf32>
      %swap3A_80 = arith.index_cast %scan3A_37 : i32 to index
      %swap3A_81 = arith.constant 96 : index
      %swap3A_82 = tpu.vector_load %arg8[%swap3A_80, %swap3A_81] {strides = array<i32>} : memref<128x128xf32, #tpu.memory_space<vmem>>, vector<1x16xf32>,
      %swap3A_83 = vector.shape_cast %swap3A_82 : vector<1x16xf32> to vector<16xf32>
      %swap3A_84 = vector.shape_cast %broadcast_in_dim3A_79 : vector<16xf32> to vector<1x16xf32>
      tpu.vector_store %arg8[%swap3A_80, %swap3A_81], %swap3A_84 {strides = array<i32>} : memref<128x128xf32, #tpu.memory_space<vmem>>, vector<1x16xf32>,
      %broadcast_in_dim3A_85 = arith.constant 0.000000e+00 : f32
      %broadcast_in_dim3A_86 = vector.broadcast %broadcast_in_dim3A_85 : f32 to vector<16xf32>
      %swap3A_87 = arith.index_cast %scan3A_37 : i32 to index
      %swap3A_88 = arith.constant 112 : index
      %swap3A_89 = tpu.vector_load %arg8[%swap3A_87, %swap3A_88] {strides = array<i32>} : memref<128x128xf32, #tpu.memory_space<vmem>>, vector<1x16xf32>,
      %swap3A_90 = vector.shape_cast %swap3A_89 : vector<1x16xf32> to vector<16xf32>
      %swap3A_91 = vector.shape_cast %broadcast_in_dim3A_86 : vector<16xf32> to vector<1x16xf32>
      tpu.vector_store %arg8[%swap3A_87, %swap3A_88], %swap3A_91 {strides = array<i32>} : memref<128x128xf32, #tpu.memory_space<vmem>>, vector<1x16xf32>,
    }
    %scan3A_5 = arith.constant 128 : i32
    %mul3A_6 = arith.constant 640 : i32
    %mul3A_7 = arith.muli %arg1, %mul3A_6 : i32
    %add3A_8 = arith.constant 0 : i32
    %add3A_9 = arith.addi %mul3A_7, %add3A_8 : i32
    "tpu.region"() ({
      %run_scoped3A = tpu.sem_alloc : memref<!tpu.dma_semaphore, #tpu.memory_space<semaphore_mem>>
      %dma_start3A = arith.constant 0 : i32
      %dma_start3A_37 = tpu.memref_slice %arg9[%add3A_9, %dma_start3A] : memref<10240x128xf32, #tpu.memory_space<vmem_shared>> -> memref<128x128xf32, #tpu.memory_space<vmem_shared>>
      %dma_start3A_38 = arith.constant 0 : i32
      %dma_start3A_39 = tpu.memref_slice %arg9[%add3A_9, %dma_start3A_38] : memref<10240x128xf32, #tpu.memory_space<vmem_shared>> -> memref<128x128xf32, #tpu.memory_space<vmem_shared>>
      tpu.enqueue_dma source(%arg8 : memref<128x128xf32, #tpu.memory_space<vmem>>) target(%dma_start3A_39 : memref<128x128xf32, #tpu.memory_space<vmem_shared>>) target_semaphore(%run_scoped3A : memref<!tpu.dma_semaphore, #tpu.memory_space<semaphore_mem>>)
      %dma_wait3A = arith.constant 0 : i32
      %dma_wait3A_40 = tpu.memref_slice %arg9[%add3A_9, %dma_wait3A] : memref<10240x128xf32, #tpu.memory_space<vmem_shared>> -> memref<128x128xf32, #tpu.memory_space<vmem_shared>>
      %dma_wait3A_41 = arith.constant 0 : i32
      %dma_wait3A_42 = tpu.memref_slice %arg9[%add3A_9, %dma_wait3A_41] : memref<10240x128xf32, #tpu.memory_space<vmem_shared>> -> memref<128x128xf32, #tpu.memory_space<vmem_shared>>
      tpu.wait_dma2 semaphore(%run_scoped3A : memref<!tpu.dma_semaphore, #tpu.memory_space<semaphore_mem>>) src(%arg8 : memref<128x128xf32, #tpu.memory_space<vmem>>) dst(%dma_wait3A_42 : memref<128x128xf32, #tpu.memory_space<vmem_shared>>)
      tpu.yield
    }) : () -> ()
    %mul3A_10 = arith.constant 640 : i32
    %mul3A_11 = arith.muli %arg1, %mul3A_10 : i32
    %add3A_12 = arith.constant 128 : i32
    %add3A_13 = arith.addi %mul3A_11, %add3A_12 : i32
    "tpu.region"() ({
      %run_scoped3A = tpu.sem_alloc : memref<!tpu.dma_semaphore, #tpu.memory_space<semaphore_mem>>
      %dma_start3A = arith.constant 0 : i32
      %dma_start3A_37 = tpu.memref_slice %arg9[%add3A_13, %dma_start3A] : memref<10240x128xf32, #tpu.memory_space<vmem_shared>> -> memref<128x128xf32, #tpu.memory_space<vmem_shared>>
      %dma_start3A_38 = arith.constant 0 : i32
      %dma_start3A_39 = tpu.memref_slice %arg9[%add3A_13, %dma_start3A_38] : memref<10240x128xf32, #tpu.memory_space<vmem_shared>> -> memref<128x128xf32, #tpu.memory_space<vmem_shared>>
      tpu.enqueue_dma source(%arg8 : memref<128x128xf32, #tpu.memory_space<vmem>>) target(%dma_start3A_39 : memref<128x128xf32, #tpu.memory_space<vmem_shared>>) target_semaphore(%run_scoped3A : memref<!tpu.dma_semaphore, #tpu.memory_space<semaphore_mem>>)
      %dma_wait3A = arith.constant 0 : i32
      %dma_wait3A_40 = tpu.memref_slice %arg9[%add3A_13, %dma_wait3A] : memref<10240x128xf32, #tpu.memory_space<vmem_shared>> -> memref<128x128xf32, #tpu.memory_space<vmem_shared>>
      %dma_wait3A_41 = arith.constant 0 : i32
      %dma_wait3A_42 = tpu.memref_slice %arg9[%add3A_13, %dma_wait3A_41] : memref<10240x128xf32, #tpu.memory_space<vmem_shared>> -> memref<128x128xf32, #tpu.memory_space<vmem_shared>>
      tpu.wait_dma2 semaphore(%run_scoped3A : memref<!tpu.dma_semaphore, #tpu.memory_space<semaphore_mem>>) src(%arg8 : memref<128x128xf32, #tpu.memory_space<vmem>>) dst(%dma_wait3A_42 : memref<128x128xf32, #tpu.memory_space<vmem_shared>>)
      tpu.yield
    }) : () -> ()
    %mul3A_14 = arith.constant 640 : i32
    %mul3A_15 = arith.muli %arg1, %mul3A_14 : i32
    %add3A_16 = arith.constant 256 : i32
    %add3A_17 = arith.addi %mul3A_15, %add3A_16 : i32
    "tpu.region"() ({
      %run_scoped3A = tpu.sem_alloc : memref<!tpu.dma_semaphore, #tpu.memory_space<semaphore_mem>>
      %dma_start3A = arith.constant 0 : i32
      %dma_start3A_37 = tpu.memref_slice %arg9[%add3A_17, %dma_start3A] : memref<10240x128xf32, #tpu.memory_space<vmem_shared>> -> memref<128x128xf32, #tpu.memory_space<vmem_shared>>
      %dma_start3A_38 = arith.constant 0 : i32
      %dma_start3A_39 = tpu.memref_slice %arg9[%add3A_17, %dma_start3A_38] : memref<10240x128xf32, #tpu.memory_space<vmem_shared>> -> memref<128x128xf32, #tpu.memory_space<vmem_shared>>
      tpu.enqueue_dma source(%arg8 : memref<128x128xf32, #tpu.memory_space<vmem>>) target(%dma_start3A_39 : memref<128x128xf32, #tpu.memory_space<vmem_shared>>) target_semaphore(%run_scoped3A : memref<!tpu.dma_semaphore, #tpu.memory_space<semaphore_mem>>)
      %dma_wait3A = arith.constant 0 : i32
      %dma_wait3A_40 = tpu.memref_slice %arg9[%add3A_17, %dma_wait3A] : memref<10240x128xf32, #tpu.memory_space<vmem_shared>> -> memref<128x128xf32, #tpu.memory_space<vmem_shared>>
      %dma_wait3A_41 = arith.constant 0 : i32
      %dma_wait3A_42 = tpu.memref_slice %arg9[%add3A_17, %dma_wait3A_41] : memref<10240x128xf32, #tpu.memory_space<vmem_shared>> -> memref<128x128xf32, #tpu.memory_space<vmem_shared>>
      tpu.wait_dma2 semaphore(%run_scoped3A : memref<!tpu.dma_semaphore, #tpu.memory_space<semaphore_mem>>) src(%arg8 : memref<128x128xf32, #tpu.memory_space<vmem>>) dst(%dma_wait3A_42 : memref<128x128xf32, #tpu.memory_space<vmem_shared>>)
      tpu.yield
    }) : () -> ()
    %mul3A_18 = arith.constant 640 : i32
    %mul3A_19 = arith.muli %arg1, %mul3A_18 : i32
    %add3A_20 = arith.constant 384 : i32
    %add3A_21 = arith.addi %mul3A_19, %add3A_20 : i32
    "tpu.region"() ({
      %run_scoped3A = tpu.sem_alloc : memref<!tpu.dma_semaphore, #tpu.memory_space<semaphore_mem>>
      %dma_start3A = arith.constant 0 : i32
      %dma_start3A_37 = tpu.memref_slice %arg9[%add3A_21, %dma_start3A] : memref<10240x128xf32, #tpu.memory_space<vmem_shared>> -> memref<128x128xf32, #tpu.memory_space<vmem_shared>>
      %dma_start3A_38 = arith.constant 0 : i32
      %dma_start3A_39 = tpu.memref_slice %arg9[%add3A_21, %dma_start3A_38] : memref<10240x128xf32, #tpu.memory_space<vmem_shared>> -> memref<128x128xf32, #tpu.memory_space<vmem_shared>>
      tpu.enqueue_dma source(%arg8 : memref<128x128xf32, #tpu.memory_space<vmem>>) target(%dma_start3A_39 : memref<128x128xf32, #tpu.memory_space<vmem_shared>>) target_semaphore(%run_scoped3A : memref<!tpu.dma_semaphore, #tpu.memory_space<semaphore_mem>>)
      %dma_wait3A = arith.constant 0 : i32
      %dma_wait3A_40 = tpu.memref_slice %arg9[%add3A_21, %dma_wait3A] : memref<10240x128xf32, #tpu.memory_space<vmem_shared>> -> memref<128x128xf32, #tpu.memory_space<vmem_shared>>
      %dma_wait3A_41 = arith.constant 0 : i32
      %dma_wait3A_42 = tpu.memref_slice %arg9[%add3A_21, %dma_wait3A_41] : memref<10240x128xf32, #tpu.memory_space<vmem_shared>> -> memref<128x128xf32, #tpu.memory_space<vmem_shared>>
      tpu.wait_dma2 semaphore(%run_scoped3A : memref<!tpu.dma_semaphore, #tpu.memory_space<semaphore_mem>>) src(%arg8 : memref<128x128xf32, #tpu.memory_space<vmem>>) dst(%dma_wait3A_42 : memref<128x128xf32, #tpu.memory_space<vmem_shared>>)
      tpu.yield
    }) : () -> ()
    %mul3A_22 = arith.constant 640 : i32
    %mul3A_23 = arith.muli %arg1, %mul3A_22 : i32
    %add3A_24 = arith.constant 512 : i32
    %add3A_25 = arith.addi %mul3A_23, %add3A_24 : i32
    "tpu.region"() ({
      %run_scoped3A = tpu.sem_alloc : memref<!tpu.dma_semaphore, #tpu.memory_space<semaphore_mem>>
      %dma_start3A = arith.constant 0 : i32
      %dma_start3A_37 = tpu.memref_slice %arg9[%add3A_25, %dma_start3A] : memref<10240x128xf32, #tpu.memory_space<vmem_shared>> -> memref<128x128xf32, #tpu.memory_space<vmem_shared>>
      %dma_start3A_38 = arith.constant 0 : i32
      %dma_start3A_39 = tpu.memref_slice %arg9[%add3A_25, %dma_start3A_38] : memref<10240x128xf32, #tpu.memory_space<vmem_shared>> -> memref<128x128xf32, #tpu.memory_space<vmem_shared>>
      tpu.enqueue_dma source(%arg8 : memref<128x128xf32, #tpu.memory_space<vmem>>) target(%dma_start3A_39 : memref<128x128xf32, #tpu.memory_space<vmem_shared>>) target_semaphore(%run_scoped3A : memref<!tpu.dma_semaphore, #tpu.memory_space<semaphore_mem>>)
      %dma_wait3A = arith.constant 0 : i32
      %dma_wait3A_40 = tpu.memref_slice %arg9[%add3A_25, %dma_wait3A] : memref<10240x128xf32, #tpu.memory_space<vmem_shared>> -> memref<128x128xf32, #tpu.memory_space<vmem_shared>>
      %dma_wait3A_41 = arith.constant 0 : i32
      %dma_wait3A_42 = tpu.memref_slice %arg9[%add3A_25, %dma_wait3A_41] : memref<10240x128xf32, #tpu.memory_space<vmem_shared>> -> memref<128x128xf32, #tpu.memory_space<vmem_shared>>
      tpu.wait_dma2 semaphore(%run_scoped3A : memref<!tpu.dma_semaphore, #tpu.memory_space<semaphore_mem>>) src(%arg8 : memref<128x128xf32, #tpu.memory_space<vmem>>) dst(%dma_wait3A_42 : memref<128x128xf32, #tpu.memory_space<vmem_shared>>)
      tpu.yield
    }) : () -> ()
    "tpu.region"() ({
      %run_scoped3A = tpu.sem_alloc : memref<!tpu.dma_semaphore, #tpu.memory_space<semaphore_mem>>
      %dma_start3A = arith.constant 0 : i32
      %dma_start3A_37 = arith.constant 0 : i32
      %dma_start3A_38 = tpu.memref_slice %arg3[%add3A, %dma_start3A, %dma_start3A_37] : memref<32x80x128xi32, #tpu.memory_space<hbm>> -> memref<1x80x128xi32, #tpu.memory_space<hbm>>
      %dma_start3A_39 = tpu.memref_squeeze %dma_start3A_38 : memref<1x80x128xi32, #tpu.memory_space<hbm>> -> memref<80x128xi32, #tpu.memory_space<hbm>>
      %dma_start3A_40 = arith.constant 0 : i32
      %dma_start3A_41 = arith.constant 0 : i32
      %dma_start3A_42 = tpu.memref_slice %arg3[%add3A, %dma_start3A_40, %dma_start3A_41] : memref<32x80x128xi32, #tpu.memory_space<hbm>> -> memref<1x80x128xi32, #tpu.memory_space<hbm>>
      %dma_start3A_43 = tpu.memref_squeeze %dma_start3A_42 : memref<1x80x128xi32, #tpu.memory_space<hbm>> -> memref<80x128xi32, #tpu.memory_space<hbm>>
      tpu.enqueue_dma source(%dma_start3A_43 : memref<80x128xi32, #tpu.memory_space<hbm>>) target(%arg6 : memref<80x128xi32, #tpu.memory_space<vmem>>) target_semaphore(%run_scoped3A : memref<!tpu.dma_semaphore, #tpu.memory_space<semaphore_mem>>)
      %dma_wait3A = arith.constant 0 : i32
      %dma_wait3A_44 = arith.constant 0 : i32
      %dma_wait3A_45 = tpu.memref_slice %arg3[%add3A, %dma_wait3A, %dma_wait3A_44] : memref<32x80x128xi32, #tpu.memory_space<hbm>> -> memref<1x80x128xi32, #tpu.memory_space<hbm>>
      %dma_wait3A_46 = tpu.memref_squeeze %dma_wait3A_45 : memref<1x80x128xi32, #tpu.memory_space<hbm>> -> memref<80x128xi32, #tpu.memory_space<hbm>>
      %dma_wait3A_47 = arith.constant 0 : i32
      %dma_wait3A_48 = arith.constant 0 : i32
      %dma_wait3A_49 = tpu.memref_slice %arg3[%add3A, %dma_wait3A_47, %dma_wait3A_48] : memref<32x80x128xi32, #tpu.memory_space<hbm>> -> memref<1x80x128xi32, #tpu.memory_space<hbm>>
      %dma_wait3A_50 = tpu.memref_squeeze %dma_wait3A_49 : memref<1x80x128xi32, #tpu.memory_space<hbm>> -> memref<80x128xi32, #tpu.memory_space<hbm>>
      tpu.wait_dma2 semaphore(%run_scoped3A : memref<!tpu.dma_semaphore, #tpu.memory_space<semaphore_mem>>) src(%dma_wait3A_50 : memref<80x128xi32, #tpu.memory_space<hbm>>) dst(%arg6 : memref<80x128xi32, #tpu.memory_space<vmem>>)
      tpu.yield
    }) : () -> ()
    "tpu.region"() ({
      %run_scoped3A = tpu.sem_alloc : memref<!tpu.dma_semaphore, #tpu.memory_space<semaphore_mem>>
      %dma_start3A = arith.constant 0 : i32
      %dma_start3A_37 = arith.constant 0 : i32
      %dma_start3A_38 = tpu.memref_slice %arg4[%add3A, %dma_start3A, %dma_start3A_37] : memref<32x80x128xi32, #tpu.memory_space<hbm>> -> memref<1x80x128xi32, #tpu.memory_space<hbm>>
      %dma_start3A_39 = tpu.memref_squeeze %dma_start3A_38 : memref<1x80x128xi32, #tpu.memory_space<hbm>> -> memref<80x128xi32, #tpu.memory_space<hbm>>
      %dma_start3A_40 = arith.constant 0 : i32
      %dma_start3A_41 = arith.constant 0 : i32
      %dma_start3A_42 = tpu.memref_slice %arg4[%add3A, %dma_start3A_40, %dma_start3A_41] : memref<32x80x128xi32, #tpu.memory_space<hbm>> -> memref<1x80x128xi32, #tpu.memory_space<hbm>>
      %dma_start3A_43 = tpu.memref_squeeze %dma_start3A_42 : memref<1x80x128xi32, #tpu.memory_space<hbm>> -> memref<80x128xi32, #tpu.memory_space<hbm>>
      tpu.enqueue_dma source(%dma_start3A_43 : memref<80x128xi32, #tpu.memory_space<hbm>>) target(%arg7 : memref<80x128xi32, #tpu.memory_space<vmem>>) target_semaphore(%run_scoped3A : memref<!tpu.dma_semaphore, #tpu.memory_space<semaphore_mem>>)
      %dma_wait3A = arith.constant 0 : i32
      %dma_wait3A_44 = arith.constant 0 : i32
      %dma_wait3A_45 = tpu.memref_slice %arg4[%add3A, %dma_wait3A, %dma_wait3A_44] : memref<32x80x128xi32, #tpu.memory_space<hbm>> -> memref<1x80x128xi32, #tpu.memory_space<hbm>>
      %dma_wait3A_46 = tpu.memref_squeeze %dma_wait3A_45 : memref<1x80x128xi32, #tpu.memory_space<hbm>> -> memref<80x128xi32, #tpu.memory_space<hbm>>
      %dma_wait3A_47 = arith.constant 0 : i32
      %dma_wait3A_48 = arith.constant 0 : i32
      %dma_wait3A_49 = tpu.memref_slice %arg4[%add3A, %dma_wait3A_47, %dma_wait3A_48] : memref<32x80x128xi32, #tpu.memory_space<hbm>> -> memref<1x80x128xi32, #tpu.memory_space<hbm>>
      %dma_wait3A_50 = tpu.memref_squeeze %dma_wait3A_49 : memref<1x80x128xi32, #tpu.memory_space<hbm>> -> memref<80x128xi32, #tpu.memory_space<hbm>>
      tpu.wait_dma2 semaphore(%run_scoped3A : memref<!tpu.dma_semaphore, #tpu.memory_space<semaphore_mem>>) src(%dma_wait3A_50 : memref<80x128xi32, #tpu.memory_space<hbm>>) dst(%arg7 : memref<80x128xi32, #tpu.memory_space<vmem>>)
      tpu.yield
    }) : () -> ()
    %barrier3A = arith.constant 0 : index
    tpu.barrier barrier_id(%barrier3A)
    %scan3A_26 = arith.constant 0 : i32
    %scan3A_27 = arith.constant 0 : i32
    %scan3A_28 = arith.constant 80 : i32
    %scan3A_29 = arith.addi %scan3A_27, %scan3A_28 : i32
    %scan3A_30 = arith.constant 1 : i32
    scf.for %scan3A_37 = %scan3A_27 to %scan3A_29 step %scan3A_30  : i32 {
      %dma_start3A = arith.constant 0 : i32
      %dma_start3A_38 = tpu.memref_slice %arg6[%scan3A_37, %dma_start3A] : memref<80x128xi32, #tpu.memory_space<vmem>> -> memref<1x128xi32, #tpu.memory_space<vmem>>
      %dma_start3A_39 = tpu.memref_squeeze %dma_start3A_38 : memref<1x128xi32, #tpu.memory_space<vmem>> -> memref<128xi32, #tpu.memory_space<vmem>>
      %dma_start3A_40 = arith.constant 0 : i32
      %dma_start3A_41 = arith.constant 0 : i32
      %dma_start3A_42 = tpu.memref_slice %arg2[%dma_start3A_40, %dma_start3A_41] : memref<10240x128xf32, #tpu.memory_space<hbm>> -> memref<10240x128xf32, #tpu.memory_space<hbm>>
      tpu.enqueue_indirect_dma source(%dma_start3A_42 : memref<10240x128xf32, #tpu.memory_space<hbm>>) target(%arg8 : memref<128x128xf32, #tpu.memory_space<vmem>>) offsets(%dma_start3A_39 : memref<128xi32, #tpu.memory_space<vmem>>) semaphore(%arg10 : memref<!tpu.dma_semaphore, #tpu.memory_space<semaphore_mem>>)
      %dma_wait3A = arith.constant 0 : i32
      %dma_wait3A_43 = tpu.memref_slice %arg6[%scan3A_37, %dma_wait3A] : memref<80x128xi32, #tpu.memory_space<vmem>> -> memref<1x128xi32, #tpu.memory_space<vmem>>
      %dma_wait3A_44 = tpu.memref_squeeze %dma_wait3A_43 : memref<1x128xi32, #tpu.memory_space<vmem>> -> memref<128xi32, #tpu.memory_space<vmem>>
      %dma_wait3A_45 = arith.constant 0 : i32
      %dma_wait3A_46 = arith.constant 0 : i32
      %dma_wait3A_47 = tpu.memref_slice %arg2[%dma_wait3A_45, %dma_wait3A_46] : memref<10240x128xf32, #tpu.memory_space<hbm>> -> memref<10240x128xf32, #tpu.memory_space<hbm>>
      tpu.wait_indirect_dma semaphore(%arg10 : memref<!tpu.dma_semaphore, #tpu.memory_space<semaphore_mem>>) src(%dma_wait3A_47 : memref<10240x128xf32, #tpu.memory_space<hbm>>) dst(%arg8 : memref<128x128xf32, #tpu.memory_space<vmem>>)
      "tpu.region"() ({
        %run_scoped3A = tpu.sem_alloc : memref<!tpu.dma_semaphore, #tpu.memory_space<semaphore_mem>>
        %dma_start3A_48 = arith.constant 0 : i32
        %dma_start3A_49 = tpu.memref_slice %arg7[%scan3A_37, %dma_start3A_48] : memref<80x128xi32, #tpu.memory_space<vmem>> -> memref<1x128xi32, #tpu.memory_space<vmem>>
        %dma_start3A_50 = tpu.memref_squeeze %dma_start3A_49 : memref<1x128xi32, #tpu.memory_space<vmem>> -> memref<128xi32, #tpu.memory_space<vmem>>
        %dma_start3A_51 = arith.constant 0 : i32
        %dma_start3A_52 = arith.constant 0 : i32
        %dma_start3A_53 = tpu.memref_slice %arg9[%dma_start3A_51, %dma_start3A_52] : memref<10240x128xf32, #tpu.memory_space<vmem_shared>> -> memref<10240x128xf32, #tpu.memory_space<vmem_shared>>
        tpu.enqueue_indirect_dma source(%arg8 : memref<128x128xf32, #tpu.memory_space<vmem>>) target(%dma_start3A_53 : memref<10240x128xf32, #tpu.memory_space<vmem_shared>>) offsets(%dma_start3A_50 : memref<128xi32, #tpu.memory_space<vmem>>) semaphore(%run_scoped3A : memref<!tpu.dma_semaphore, #tpu.memory_space<semaphore_mem>>) {add = true}
        %dma_wait3A_54 = arith.constant 0 : i32
        %dma_wait3A_55 = tpu.memref_slice %arg7[%scan3A_37, %dma_wait3A_54] : memref<80x128xi32, #tpu.memory_space<vmem>> -> memref<1x128xi32, #tpu.memory_space<vmem>>
        %dma_wait3A_56 = tpu.memref_squeeze %dma_wait3A_55 : memref<1x128xi32, #tpu.memory_space<vmem>> -> memref<128xi32, #tpu.memory_space<vmem>>
        %dma_wait3A_57 = arith.constant 0 : i32
        %dma_wait3A_58 = arith.constant 0 : i32
        %dma_wait3A_59 = tpu.memref_slice %arg9[%dma_wait3A_57, %dma_wait3A_58] : memref<10240x128xf32, #tpu.memory_space<vmem_shared>> -> memref<10240x128xf32, #tpu.memory_space<vmem_shared>>
        tpu.wait_indirect_dma semaphore(%run_scoped3A : memref<!tpu.dma_semaphore, #tpu.memory_space<semaphore_mem>>) src(%arg8 : memref<128x128xf32, #tpu.memory_space<vmem>>) dst(%dma_wait3A_59 : memref<10240x128xf32, #tpu.memory_space<vmem_shared>>)
        tpu.yield
      }) : () -> ()
    }
    %scan3A_31 = arith.constant 80 : i32
    %barrier3A_32 = arith.constant 0 : index
    tpu.barrier barrier_id(%barrier3A_32)
    %mul3A_33 = arith.constant 640 : i32
    %mul3A_34 = arith.muli %arg1, %mul3A_33 : i32
    %mul3A_35 = arith.constant 640 : i32
    %mul3A_36 = arith.muli %arg1, %mul3A_35 : i32
    "tpu.region"() ({
      %run_scoped3A = tpu.sem_alloc : memref<!tpu.dma_semaphore, #tpu.memory_space<semaphore_mem>>
      %dma_start3A = arith.constant 0 : i32
      %dma_start3A_37 = tpu.memref_slice %arg5[%arg0, %mul3A_36, %dma_start3A] : memref<2x10240x128xf32, #tpu.memory_space<hbm>> -> memref<1x640x128xf32, #tpu.memory_space<hbm>>
      %dma_start3A_38 = tpu.memref_squeeze %dma_start3A_37 : memref<1x640x128xf32, #tpu.memory_space<hbm>> -> memref<640x128xf32, #tpu.memory_space<hbm>>
      %dma_start3A_39 = arith.constant 0 : i32
      %dma_start3A_40 = tpu.memref_slice %arg9[%mul3A_34, %dma_start3A_39] : memref<10240x128xf32, #tpu.memory_space<vmem_shared>> -> memref<640x128xf32, #tpu.memory_space<vmem_shared>>
      tpu.enqueue_dma source(%dma_start3A_40 : memref<640x128xf32, #tpu.memory_space<vmem_shared>>) target(%dma_start3A_38 : memref<640x128xf32, #tpu.memory_space<hbm>>) target_semaphore(%run_scoped3A : memref<!tpu.dma_semaphore, #tpu.memory_space<semaphore_mem>>)
      %dma_wait3A = arith.constant 0 : i32
      %dma_wait3A_41 = tpu.memref_slice %arg5[%arg0, %mul3A_36, %dma_wait3A] : memref<2x10240x128xf32, #tpu.memory_space<hbm>> -> memref<1x640x128xf32, #tpu.memory_space<hbm>>
      %dma_wait3A_42 = tpu.memref_squeeze %dma_wait3A_41 : memref<1x640x128xf32, #tpu.memory_space<hbm>> -> memref<640x128xf32, #tpu.memory_space<hbm>>
      %dma_wait3A_43 = arith.constant 0 : i32
      %dma_wait3A_44 = tpu.memref_slice %arg9[%mul3A_34, %dma_wait3A_43] : memref<10240x128xf32, #tpu.memory_space<vmem_shared>> -> memref<640x128xf32, #tpu.memory_space<vmem_shared>>
      tpu.wait_dma2 semaphore(%run_scoped3A : memref<!tpu.dma_semaphore, #tpu.memory_space<semaphore_mem>>) src(%dma_wait3A_44 : memref<640x128xf32, #tpu.memory_space<vmem_shared>>) dst(%dma_wait3A_42 : memref<640x128xf32, #tpu.memory_space<hbm>>)
      tpu.yield
    }) : () -> ()
    return
  }
}

#map = affine_map<(d0, d1) -> (0, 0)>
#map1 = affine_map<(d0, d1) -> (0, 0, 0)>
module attributes {stable_mosaic.version = 14 : i64} {
  func.func @spmm_kernel(%arg0: i32, %arg1: i32, %arg2: memref<10240x128xf32, #tpu.memory_space<hbm>>, %arg3: memref<32x80x128xi32, #tpu.memory_space<hbm>>, %arg4: memref<32x80x128xi32, #tpu.memory_space<hbm>>, %arg5: memref<2x10240x128xf32, #tpu.memory_space<hbm>>, %arg6: memref<80x128xi32, #tpu.memory_space<vmem>>, %arg7: memref<80x128xi32, #tpu.memory_space<vmem>>, %arg8: memref<128x128xf32, #tpu.memory_space<vmem>>, %arg9: memref<10240x128xf32, #tpu.memory_space<vmem_shared>>, %arg10: memref<!tpu.dma_semaphore, #tpu.memory_space<semaphore_mem>>) attributes {dimension_semantics = [#tpu.dimension_semantics<core_parallel>, #tpu.dimension_semantics<subcore_parallel>], iteration_bounds = array<i64: 2, 16>, scalar_prefetch = 0 : i64, scratch_operands = 5 : i64, tpu.core_type = #tpu.core_type<sc_vector_subcore>, window_params = [{transform_indices = #map}, {transform_indices = #map1}, {transform_indices = #map1}, {transform_indices = #map1}]} {
    %mul3A = arith.constant 16 : i32
    %mul3A_0 = arith.muli %arg0, %mul3A : i32
    %add3A = arith.addi %mul3A_0, %arg1 : i32
    %scan3A = arith.constant 0 : i32
    %scan3A_1 = arith.constant 0 : i32
    %scan3A_2 = arith.constant 128 : i32
    %scan3A_3 = arith.addi %scan3A_1, %scan3A_2 : i32
    %scan3A_4 = arith.constant 1 : i32
    scf.for %scan3A_37 = %scan3A_1 to %scan3A_3 step %scan3A_4  : i32 {
      %broadcast_in_dim3A = arith.constant 0.000000e+00 : f32
      %broadcast_in_dim3A_38 = vector.broadcast %broadcast_in_dim3A : f32 to vector<16xf32>
      %swap3A = arith.index_cast %scan3A_37 : i32 to index
      %swap3A_39 = arith.constant 0 : index
      %swap3A_40 = tpu.vector_load %arg8[%swap3A, %swap3A_39] {strides = array<i32>} : memref<128x128xf32, #tpu.memory_space<vmem>>, vector<1x16xf32>,
      %swap3A_41 = vector.shape_cast %swap3A_40 : vector<1x16xf32> to vector<16xf32>
      %swap3A_42 = vector.shape_cast %broadcast_in_dim3A_38 : vector<16xf32> to vector<1x16xf32>
      tpu.vector_store %arg8[%swap3A, %swap3A_39], %swap3A_42 {strides = array<i32>} : memref<128x128xf32, #tpu.memory_space<vmem>>, vector<1x16xf32>,
      %broadcast_in_dim3A_43 = arith.constant 0.000000e+00 : f32
      %broadcast_in_dim3A_44 = vector.broadcast %broadcast_in_dim3A_43 : f32 to vector<16xf32>
      %swap3A_45 = arith.index_cast %scan3A_37 : i32 to index
      %swap3A_46 = arith.constant 16 : index
      %swap3A_47 = tpu.vector_load %arg8[%swap3A_45, %swap3A_46] {strides = array<i32>} : memref<128x128xf32, #tpu.memory_space<vmem>>, vector<1x16xf32>,
      %swap3A_48 = vector.shape_cast %swap3A_47 : vector<1x16xf32> to vector<16xf32>
      %swap3A_49 = vector.shape_cast %broadcast_in_dim3A_44 : vector<16xf32> to vector<1x16xf32>
      tpu.vector_store %arg8[%swap3A_45, %swap3A_46], %swap3A_49 {strides = array<i32>} : memref<128x128xf32, #tpu.memory_space<vmem>>, vector<1x16xf32>,
      %broadcast_in_dim3A_50 = arith.constant 0.000000e+00 : f32
      %broadcast_in_dim3A_51 = vector.broadcast %broadcast_in_dim3A_50 : f32 to vector<16xf32>
      %swap3A_52 = arith.index_cast %scan3A_37 : i32 to index
      %swap3A_53 = arith.constant 32 : index
      %swap3A_54 = tpu.vector_load %arg8[%swap3A_52, %swap3A_53] {strides = array<i32>} : memref<128x128xf32, #tpu.memory_space<vmem>>, vector<1x16xf32>,
      %swap3A_55 = vector.shape_cast %swap3A_54 : vector<1x16xf32> to vector<16xf32>
      %swap3A_56 = vector.shape_cast %broadcast_in_dim3A_51 : vector<16xf32> to vector<1x16xf32>
      tpu.vector_store %arg8[%swap3A_52, %swap3A_53], %swap3A_56 {strides = array<i32>} : memref<128x128xf32, #tpu.memory_space<vmem>>, vector<1x16xf32>,
      %broadcast_in_dim3A_57 = arith.constant 0.000000e+00 : f32
      %broadcast_in_dim3A_58 = vector.broadcast %broadcast_in_dim3A_57 : f32 to vector<16xf32>
      %swap3A_59 = arith.index_cast %scan3A_37 : i32 to index
      %swap3A_60 = arith.constant 48 : index
      %swap3A_61 = tpu.vector_load %arg8[%swap3A_59, %swap3A_60] {strides = array<i32>} : memref<128x128xf32, #tpu.memory_space<vmem>>, vector<1x16xf32>,
      %swap3A_62 = vector.shape_cast %swap3A_61 : vector<1x16xf32> to vector<16xf32>
      %swap3A_63 = vector.shape_cast %broadcast_in_dim3A_58 : vector<16xf32> to vector<1x16xf32>
      tpu.vector_store %arg8[%swap3A_59, %swap3A_60], %swap3A_63 {strides = array<i32>} : memref<128x128xf32, #tpu.memory_space<vmem>>, vector<1x16xf32>,
      %broadcast_in_dim3A_64 = arith.constant 0.000000e+00 : f32
      %broadcast_in_dim3A_65 = vector.broadcast %broadcast_in_dim3A_64 : f32 to vector<16xf32>
      %swap3A_66 = arith.index_cast %scan3A_37 : i32 to index
      %swap3A_67 = arith.constant 64 : index
      %swap3A_68 = tpu.vector_load %arg8[%swap3A_66, %swap3A_67] {strides = array<i32>} : memref<128x128xf32, #tpu.memory_space<vmem>>, vector<1x16xf32>,
      %swap3A_69 = vector.shape_cast %swap3A_68 : vector<1x16xf32> to vector<16xf32>
      %swap3A_70 = vector.shape_cast %broadcast_in_dim3A_65 : vector<16xf32> to vector<1x16xf32>
      tpu.vector_store %arg8[%swap3A_66, %swap3A_67], %swap3A_70 {strides = array<i32>} : memref<128x128xf32, #tpu.memory_space<vmem>>, vector<1x16xf32>,
      %broadcast_in_dim3A_71 = arith.constant 0.000000e+00 : f32
      %broadcast_in_dim3A_72 = vector.broadcast %broadcast_in_dim3A_71 : f32 to vector<16xf32>
      %swap3A_73 = arith.index_cast %scan3A_37 : i32 to index
      %swap3A_74 = arith.constant 80 : index
      %swap3A_75 = tpu.vector_load %arg8[%swap3A_73, %swap3A_74] {strides = array<i32>} : memref<128x128xf32, #tpu.memory_space<vmem>>, vector<1x16xf32>,
      %swap3A_76 = vector.shape_cast %swap3A_75 : vector<1x16xf32> to vector<16xf32>
      %swap3A_77 = vector.shape_cast %broadcast_in_dim3A_72 : vector<16xf32> to vector<1x16xf32>
      tpu.vector_store %arg8[%swap3A_73, %swap3A_74], %swap3A_77 {strides = array<i32>} : memref<128x128xf32, #tpu.memory_space<vmem>>, vector<1x16xf32>,
      %broadcast_in_dim3A_78 = arith.constant 0.000000e+00 : f32
      %broadcast_in_dim3A_79 = vector.broadcast %broadcast_in_dim3A_78 : f32 to vector<16xf32>
      %swap3A_80 = arith.index_cast %scan3A_37 : i32 to index
      %swap3A_81 = arith.constant 96 : index
      %swap3A_82 = tpu.vector_load %arg8[%swap3A_80, %swap3A_81] {strides = array<i32>} : memref<128x128xf32, #tpu.memory_space<vmem>>, vector<1x16xf32>,
      %swap3A_83 = vector.shape_cast %swap3A_82 : vector<1x16xf32> to vector<16xf32>
      %swap3A_84 = vector.shape_cast %broadcast_in_dim3A_79 : vector<16xf32> to vector<1x16xf32>
      tpu.vector_store %arg8[%swap3A_80, %swap3A_81], %swap3A_84 {strides = array<i32>} : memref<128x128xf32, #tpu.memory_space<vmem>>, vector<1x16xf32>,
      %broadcast_in_dim3A_85 = arith.constant 0.000000e+00 : f32
      %broadcast_in_dim3A_86 = vector.broadcast %broadcast_in_dim3A_85 : f32 to vector<16xf32>
      %swap3A_87 = arith.index_cast %scan3A_37 : i32 to index
      %swap3A_88 = arith.constant 112 : index
      %swap3A_89 = tpu.vector_load %arg8[%swap3A_87, %swap3A_88] {strides = array<i32>} : memref<128x128xf32, #tpu.memory_space<vmem>>, vector<1x16xf32>,
      %swap3A_90 = vector.shape_cast %swap3A_89 : vector<1x16xf32> to vector<16xf32>
      %swap3A_91 = vector.shape_cast %broadcast_in_dim3A_86 : vector<16xf32> to vector<1x16xf32>
      tpu.vector_store %arg8[%swap3A_87, %swap3A_88], %swap3A_91 {strides = array<i32>} : memref<128x128xf32, #tpu.memory_space<vmem>>, vector<1x16xf32>,
    }
    %scan3A_5 = arith.constant 128 : i32
    %mul3A_6 = arith.constant 640 : i32
    %mul3A_7 = arith.muli %arg1, %mul3A_6 : i32
    %add3A_8 = arith.constant 0 : i32
    %add3A_9 = arith.addi %mul3A_7, %add3A_8 : i32
    "tpu.region"() ({
      %run_scoped3A = tpu.sem_alloc : memref<!tpu.dma_semaphore, #tpu.memory_space<semaphore_mem>>
      %dma_start3A = arith.constant 0 : i32
      %dma_start3A_37 = tpu.memref_slice %arg9[%add3A_9, %dma_start3A] : memref<10240x128xf32, #tpu.memory_space<vmem_shared>> -> memref<128x128xf32, #tpu.memory_space<vmem_shared>>
      %dma_start3A_38 = arith.constant 0 : i32
      %dma_start3A_39 = tpu.memref_slice %arg9[%add3A_9, %dma_start3A_38] : memref<10240x128xf32, #tpu.memory_space<vmem_shared>> -> memref<128x128xf32, #tpu.memory_space<vmem_shared>>
      tpu.enqueue_dma source(%arg8 : memref<128x128xf32, #tpu.memory_space<vmem>>) target(%dma_start3A_39 : memref<128x128xf32, #tpu.memory_space<vmem_shared>>) target_semaphore(%run_scoped3A : memref<!tpu.dma_semaphore, #tpu.memory_space<semaphore_mem>>)
      %dma_wait3A = arith.constant 0 : i32
      %dma_wait3A_40 = tpu.memref_slice %arg9[%add3A_9, %dma_wait3A] : memref<10240x128xf32, #tpu.memory_space<vmem_shared>> -> memref<128x128xf32, #tpu.memory_space<vmem_shared>>
      %dma_wait3A_41 = arith.constant 0 : i32
      %dma_wait3A_42 = tpu.memref_slice %arg9[%add3A_9, %dma_wait3A_41] : memref<10240x128xf32, #tpu.memory_space<vmem_shared>> -> memref<128x128xf32, #tpu.memory_space<vmem_shared>>
      tpu.wait_dma2 semaphore(%run_scoped3A : memref<!tpu.dma_semaphore, #tpu.memory_space<semaphore_mem>>) src(%arg8 : memref<128x128xf32, #tpu.memory_space<vmem>>) dst(%dma_wait3A_42 : memref<128x128xf32, #tpu.memory_space<vmem_shared>>)
      tpu.yield
    }) : () -> ()
    %mul3A_10 = arith.constant 640 : i32
    %mul3A_11 = arith.muli %arg1, %mul3A_10 : i32
    %add3A_12 = arith.constant 128 : i32
    %add3A_13 = arith.addi %mul3A_11, %add3A_12 : i32
    "tpu.region"() ({
      %run_scoped3A = tpu.sem_alloc : memref<!tpu.dma_semaphore, #tpu.memory_space<semaphore_mem>>
      %dma_start3A = arith.constant 0 : i32
      %dma_start3A_37 = tpu.memref_slice %arg9[%add3A_13, %dma_start3A] : memref<10240x128xf32, #tpu.memory_space<vmem_shared>> -> memref<128x128xf32, #tpu.memory_space<vmem_shared>>
      %dma_start3A_38 = arith.constant 0 : i32
      %dma_start3A_39 = tpu.memref_slice %arg9[%add3A_13, %dma_start3A_38] : memref<10240x128xf32, #tpu.memory_space<vmem_shared>> -> memref<128x128xf32, #tpu.memory_space<vmem_shared>>
      tpu.enqueue_dma source(%arg8 : memref<128x128xf32, #tpu.memory_space<vmem>>) target(%dma_start3A_39 : memref<128x128xf32, #tpu.memory_space<vmem_shared>>) target_semaphore(%run_scoped3A : memref<!tpu.dma_semaphore, #tpu.memory_space<semaphore_mem>>)
      %dma_wait3A = arith.constant 0 : i32
      %dma_wait3A_40 = tpu.memref_slice %arg9[%add3A_13, %dma_wait3A] : memref<10240x128xf32, #tpu.memory_space<vmem_shared>> -> memref<128x128xf32, #tpu.memory_space<vmem_shared>>
      %dma_wait3A_41 = arith.constant 0 : i32
      %dma_wait3A_42 = tpu.memref_slice %arg9[%add3A_13, %dma_wait3A_41] : memref<10240x128xf32, #tpu.memory_space<vmem_shared>> -> memref<128x128xf32, #tpu.memory_space<vmem_shared>>
      tpu.wait_dma2 semaphore(%run_scoped3A : memref<!tpu.dma_semaphore, #tpu.memory_space<semaphore_mem>>) src(%arg8 : memref<128x128xf32, #tpu.memory_space<vmem>>) dst(%dma_wait3A_42 : memref<128x128xf32, #tpu.memory_space<vmem_shared>>)
      tpu.yield
    }) : () -> ()
    %mul3A_14 = arith.constant 640 : i32
    %mul3A_15 = arith.muli %arg1, %mul3A_14 : i32
    %add3A_16 = arith.constant 256 : i32
    %add3A_17 = arith.addi %mul3A_15, %add3A_16 : i32
    "tpu.region"() ({
      %run_scoped3A = tpu.sem_alloc : memref<!tpu.dma_semaphore, #tpu.memory_space<semaphore_mem>>
      %dma_start3A = arith.constant 0 : i32
      %dma_start3A_37 = tpu.memref_slice %arg9[%add3A_17, %dma_start3A] : memref<10240x128xf32, #tpu.memory_space<vmem_shared>> -> memref<128x128xf32, #tpu.memory_space<vmem_shared>>
      %dma_start3A_38 = arith.constant 0 : i32
      %dma_start3A_39 = tpu.memref_slice %arg9[%add3A_17, %dma_start3A_38] : memref<10240x128xf32, #tpu.memory_space<vmem_shared>> -> memref<128x128xf32, #tpu.memory_space<vmem_shared>>
      tpu.enqueue_dma source(%arg8 : memref<128x128xf32, #tpu.memory_space<vmem>>) target(%dma_start3A_39 : memref<128x128xf32, #tpu.memory_space<vmem_shared>>) target_semaphore(%run_scoped3A : memref<!tpu.dma_semaphore, #tpu.memory_space<semaphore_mem>>)
      %dma_wait3A = arith.constant 0 : i32
      %dma_wait3A_40 = tpu.memref_slice %arg9[%add3A_17, %dma_wait3A] : memref<10240x128xf32, #tpu.memory_space<vmem_shared>> -> memref<128x128xf32, #tpu.memory_space<vmem_shared>>
      %dma_wait3A_41 = arith.constant 0 : i32
      %dma_wait3A_42 = tpu.memref_slice %arg9[%add3A_17, %dma_wait3A_41] : memref<10240x128xf32, #tpu.memory_space<vmem_shared>> -> memref<128x128xf32, #tpu.memory_space<vmem_shared>>
      tpu.wait_dma2 semaphore(%run_scoped3A : memref<!tpu.dma_semaphore, #tpu.memory_space<semaphore_mem>>) src(%arg8 : memref<128x128xf32, #tpu.memory_space<vmem>>) dst(%dma_wait3A_42 : memref<128x128xf32, #tpu.memory_space<vmem_shared>>)
      tpu.yield
    }) : () -> ()
    %mul3A_18 = arith.constant 640 : i32
    %mul3A_19 = arith.muli %arg1, %mul3A_18 : i32
    %add3A_20 = arith.constant 384 : i32
    %add3A_21 = arith.addi %mul3A_19, %add3A_20 : i32
    "tpu.region"() ({
      %run_scoped3A = tpu.sem_alloc : memref<!tpu.dma_semaphore, #tpu.memory_space<semaphore_mem>>
      %dma_start3A = arith.constant 0 : i32
      %dma_start3A_37 = tpu.memref_slice %arg9[%add3A_21, %dma_start3A] : memref<10240x128xf32, #tpu.memory_space<vmem_shared>> -> memref<128x128xf32, #tpu.memory_space<vmem_shared>>
      %dma_start3A_38 = arith.constant 0 : i32
      %dma_start3A_39 = tpu.memref_slice %arg9[%add3A_21, %dma_start3A_38] : memref<10240x128xf32, #tpu.memory_space<vmem_shared>> -> memref<128x128xf32, #tpu.memory_space<vmem_shared>>
      tpu.enqueue_dma source(%arg8 : memref<128x128xf32, #tpu.memory_space<vmem>>) target(%dma_start3A_39 : memref<128x128xf32, #tpu.memory_space<vmem_shared>>) target_semaphore(%run_scoped3A : memref<!tpu.dma_semaphore, #tpu.memory_space<semaphore_mem>>)
      %dma_wait3A = arith.constant 0 : i32
      %dma_wait3A_40 = tpu.memref_slice %arg9[%add3A_21, %dma_wait3A] : memref<10240x128xf32, #tpu.memory_space<vmem_shared>> -> memref<128x128xf32, #tpu.memory_space<vmem_shared>>
      %dma_wait3A_41 = arith.constant 0 : i32
      %dma_wait3A_42 = tpu.memref_slice %arg9[%add3A_21, %dma_wait3A_41] : memref<10240x128xf32, #tpu.memory_space<vmem_shared>> -> memref<128x128xf32, #tpu.memory_space<vmem_shared>>
      tpu.wait_dma2 semaphore(%run_scoped3A : memref<!tpu.dma_semaphore, #tpu.memory_space<semaphore_mem>>) src(%arg8 : memref<128x128xf32, #tpu.memory_space<vmem>>) dst(%dma_wait3A_42 : memref<128x128xf32, #tpu.memory_space<vmem_shared>>)
      tpu.yield
    }) : () -> ()
    %mul3A_22 = arith.constant 640 : i32
    %mul3A_23 = arith.muli %arg1, %mul3A_22 : i32
    %add3A_24 = arith.constant 512 : i32
    %add3A_25 = arith.addi %mul3A_23, %add3A_24 : i32
    "tpu.region"() ({
      %run_scoped3A = tpu.sem_alloc : memref<!tpu.dma_semaphore, #tpu.memory_space<semaphore_mem>>
      %dma_start3A = arith.constant 0 : i32
      %dma_start3A_37 = tpu.memref_slice %arg9[%add3A_25, %dma_start3A] : memref<10240x128xf32, #tpu.memory_space<vmem_shared>> -> memref<128x128xf32, #tpu.memory_space<vmem_shared>>
      %dma_start3A_38 = arith.constant 0 : i32
      %dma_start3A_39 = tpu.memref_slice %arg9[%add3A_25, %dma_start3A_38] : memref<10240x128xf32, #tpu.memory_space<vmem_shared>> -> memref<128x128xf32, #tpu.memory_space<vmem_shared>>
      tpu.enqueue_dma source(%arg8 : memref<128x128xf32, #tpu.memory_space<vmem>>) target(%dma_start3A_39 : memref<128x128xf32, #tpu.memory_space<vmem_shared>>) target_semaphore(%run_scoped3A : memref<!tpu.dma_semaphore, #tpu.memory_space<semaphore_mem>>)
      %dma_wait3A = arith.constant 0 : i32
      %dma_wait3A_40 = tpu.memref_slice %arg9[%add3A_25, %dma_wait3A] : memref<10240x128xf32, #tpu.memory_space<vmem_shared>> -> memref<128x128xf32, #tpu.memory_space<vmem_shared>>
      %dma_wait3A_41 = arith.constant 0 : i32
      %dma_wait3A_42 = tpu.memref_slice %arg9[%add3A_25, %dma_wait3A_41] : memref<10240x128xf32, #tpu.memory_space<vmem_shared>> -> memref<128x128xf32, #tpu.memory_space<vmem_shared>>
      tpu.wait_dma2 semaphore(%run_scoped3A : memref<!tpu.dma_semaphore, #tpu.memory_space<semaphore_mem>>) src(%arg8 : memref<128x128xf32, #tpu.memory_space<vmem>>) dst(%dma_wait3A_42 : memref<128x128xf32, #tpu.memory_space<vmem_shared>>)
      tpu.yield
    }) : () -> ()
    "tpu.region"() ({
      %run_scoped3A = tpu.sem_alloc : memref<!tpu.dma_semaphore, #tpu.memory_space<semaphore_mem>>
      %dma_start3A = arith.constant 0 : i32
      %dma_start3A_37 = arith.constant 0 : i32
      %dma_start3A_38 = tpu.memref_slice %arg3[%add3A, %dma_start3A, %dma_start3A_37] : memref<32x80x128xi32, #tpu.memory_space<hbm>> -> memref<1x80x128xi32, #tpu.memory_space<hbm>>
      %dma_start3A_39 = tpu.memref_squeeze %dma_start3A_38 : memref<1x80x128xi32, #tpu.memory_space<hbm>> -> memref<80x128xi32, #tpu.memory_space<hbm>>
      %dma_start3A_40 = arith.constant 0 : i32
      %dma_start3A_41 = arith.constant 0 : i32
      %dma_start3A_42 = tpu.memref_slice %arg3[%add3A, %dma_start3A_40, %dma_start3A_41] : memref<32x80x128xi32, #tpu.memory_space<hbm>> -> memref<1x80x128xi32, #tpu.memory_space<hbm>>
      %dma_start3A_43 = tpu.memref_squeeze %dma_start3A_42 : memref<1x80x128xi32, #tpu.memory_space<hbm>> -> memref<80x128xi32, #tpu.memory_space<hbm>>
      tpu.enqueue_dma source(%dma_start3A_43 : memref<80x128xi32, #tpu.memory_space<hbm>>) target(%arg6 : memref<80x128xi32, #tpu.memory_space<vmem>>) target_semaphore(%run_scoped3A : memref<!tpu.dma_semaphore, #tpu.memory_space<semaphore_mem>>)
      %dma_wait3A = arith.constant 0 : i32
      %dma_wait3A_44 = arith.constant 0 : i32
      %dma_wait3A_45 = tpu.memref_slice %arg3[%add3A, %dma_wait3A, %dma_wait3A_44] : memref<32x80x128xi32, #tpu.memory_space<hbm>> -> memref<1x80x128xi32, #tpu.memory_space<hbm>>
      %dma_wait3A_46 = tpu.memref_squeeze %dma_wait3A_45 : memref<1x80x128xi32, #tpu.memory_space<hbm>> -> memref<80x128xi32, #tpu.memory_space<hbm>>
      %dma_wait3A_47 = arith.constant 0 : i32
      %dma_wait3A_48 = arith.constant 0 : i32
      %dma_wait3A_49 = tpu.memref_slice %arg3[%add3A, %dma_wait3A_47, %dma_wait3A_48] : memref<32x80x128xi32, #tpu.memory_space<hbm>> -> memref<1x80x128xi32, #tpu.memory_space<hbm>>
      %dma_wait3A_50 = tpu.memref_squeeze %dma_wait3A_49 : memref<1x80x128xi32, #tpu.memory_space<hbm>> -> memref<80x128xi32, #tpu.memory_space<hbm>>
      tpu.wait_dma2 semaphore(%run_scoped3A : memref<!tpu.dma_semaphore, #tpu.memory_space<semaphore_mem>>) src(%dma_wait3A_50 : memref<80x128xi32, #tpu.memory_space<hbm>>) dst(%arg6 : memref<80x128xi32, #tpu.memory_space<vmem>>)
      tpu.yield
    }) : () -> ()
    "tpu.region"() ({
      %run_scoped3A = tpu.sem_alloc : memref<!tpu.dma_semaphore, #tpu.memory_space<semaphore_mem>>
      %dma_start3A = arith.constant 0 : i32
      %dma_start3A_37 = arith.constant 0 : i32
      %dma_start3A_38 = tpu.memref_slice %arg4[%add3A, %dma_start3A, %dma_start3A_37] : memref<32x80x128xi32, #tpu.memory_space<hbm>> -> memref<1x80x128xi32, #tpu.memory_space<hbm>>
      %dma_start3A_39 = tpu.memref_squeeze %dma_start3A_38 : memref<1x80x128xi32, #tpu.memory_space<hbm>> -> memref<80x128xi32, #tpu.memory_space<hbm>>
      %dma_start3A_40 = arith.constant 0 : i32
      %dma_start3A_41 = arith.constant 0 : i32
      %dma_start3A_42 = tpu.memref_slice %arg4[%add3A, %dma_start3A_40, %dma_start3A_41] : memref<32x80x128xi32, #tpu.memory_space<hbm>> -> memref<1x80x128xi32, #tpu.memory_space<hbm>>
      %dma_start3A_43 = tpu.memref_squeeze %dma_start3A_42 : memref<1x80x128xi32, #tpu.memory_space<hbm>> -> memref<80x128xi32, #tpu.memory_space<hbm>>
      tpu.enqueue_dma source(%dma_start3A_43 : memref<80x128xi32, #tpu.memory_space<hbm>>) target(%arg7 : memref<80x128xi32, #tpu.memory_space<vmem>>) target_semaphore(%run_scoped3A : memref<!tpu.dma_semaphore, #tpu.memory_space<semaphore_mem>>)
      %dma_wait3A = arith.constant 0 : i32
      %dma_wait3A_44 = arith.constant 0 : i32
      %dma_wait3A_45 = tpu.memref_slice %arg4[%add3A, %dma_wait3A, %dma_wait3A_44] : memref<32x80x128xi32, #tpu.memory_space<hbm>> -> memref<1x80x128xi32, #tpu.memory_space<hbm>>
      %dma_wait3A_46 = tpu.memref_squeeze %dma_wait3A_45 : memref<1x80x128xi32, #tpu.memory_space<hbm>> -> memref<80x128xi32, #tpu.memory_space<hbm>>
      %dma_wait3A_47 = arith.constant 0 : i32
      %dma_wait3A_48 = arith.constant 0 : i32
      %dma_wait3A_49 = tpu.memref_slice %arg4[%add3A, %dma_wait3A_47, %dma_wait3A_48] : memref<32x80x128xi32, #tpu.memory_space<hbm>> -> memref<1x80x128xi32, #tpu.memory_space<hbm>>
      %dma_wait3A_50 = tpu.memref_squeeze %dma_wait3A_49 : memref<1x80x128xi32, #tpu.memory_space<hbm>> -> memref<80x128xi32, #tpu.memory_space<hbm>>
      tpu.wait_dma2 semaphore(%run_scoped3A : memref<!tpu.dma_semaphore, #tpu.memory_space<semaphore_mem>>) src(%dma_wait3A_50 : memref<80x128xi32, #tpu.memory_space<hbm>>) dst(%arg7 : memref<80x128xi32, #tpu.memory_space<vmem>>)
      tpu.yield
    }) : () -> ()
    %barrier3A = arith.constant 0 : index
    tpu.barrier barrier_id(%barrier3A)
    %scan3A_26 = arith.constant 0 : i32
    %scan3A_27 = arith.constant 0 : i32
    %scan3A_28 = arith.constant 80 : i32
    %scan3A_29 = arith.addi %scan3A_27, %scan3A_28 : i32
    %scan3A_30 = arith.constant 1 : i32
    scf.for %scan3A_37 = %scan3A_27 to %scan3A_29 step %scan3A_30  : i32 {
      %dma_start3A = arith.constant 0 : i32
      %dma_start3A_38 = tpu.memref_slice %arg6[%scan3A_37, %dma_start3A] : memref<80x128xi32, #tpu.memory_space<vmem>> -> memref<1x128xi32, #tpu.memory_space<vmem>>
      %dma_start3A_39 = tpu.memref_squeeze %dma_start3A_38 : memref<1x128xi32, #tpu.memory_space<vmem>> -> memref<128xi32, #tpu.memory_space<vmem>>
      %dma_start3A_40 = arith.constant 0 : i32
      %dma_start3A_41 = arith.constant 0 : i32
      %dma_start3A_42 = tpu.memref_slice %arg2[%dma_start3A_40, %dma_start3A_41] : memref<10240x128xf32, #tpu.memory_space<hbm>> -> memref<10240x128xf32, #tpu.memory_space<hbm>>
      tpu.enqueue_indirect_dma source(%dma_start3A_42 : memref<10240x128xf32, #tpu.memory_space<hbm>>) target(%arg8 : memref<128x128xf32, #tpu.memory_space<vmem>>) offsets(%dma_start3A_39 : memref<128xi32, #tpu.memory_space<vmem>>) semaphore(%arg10 : memref<!tpu.dma_semaphore, #tpu.memory_space<semaphore_mem>>)
      %dma_wait3A = arith.constant 0 : i32
      %dma_wait3A_43 = tpu.memref_slice %arg6[%scan3A_37, %dma_wait3A] : memref<80x128xi32, #tpu.memory_space<vmem>> -> memref<1x128xi32, #tpu.memory_space<vmem>>
      %dma_wait3A_44 = tpu.memref_squeeze %dma_wait3A_43 : memref<1x128xi32, #tpu.memory_space<vmem>> -> memref<128xi32, #tpu.memory_space<vmem>>
      %dma_wait3A_45 = arith.constant 0 : i32
      %dma_wait3A_46 = arith.constant 0 : i32
      %dma_wait3A_47 = tpu.memref_slice %arg2[%dma_wait3A_45, %dma_wait3A_46] : memref<10240x128xf32, #tpu.memory_space<hbm>> -> memref<10240x128xf32, #tpu.memory_space<hbm>>
      tpu.wait_indirect_dma semaphore(%arg10 : memref<!tpu.dma_semaphore, #tpu.memory_space<semaphore_mem>>) src(%dma_wait3A_47 : memref<10240x128xf32, #tpu.memory_space<hbm>>) dst(%arg8 : memref<128x128xf32, #tpu.memory_space<vmem>>)
      "tpu.region"() ({
        %run_scoped3A = tpu.sem_alloc : memref<!tpu.dma_semaphore, #tpu.memory_space<semaphore_mem>>
        %dma_start3A_48 = arith.constant 0 : i32
        %dma_start3A_49 = tpu.memref_slice %arg7[%scan3A_37, %dma_start3A_48] : memref<80x128xi32, #tpu.memory_space<vmem>> -> memref<1x128xi32, #tpu.memory_space<vmem>>
        %dma_start3A_50 = tpu.memref_squeeze %dma_start3A_49 : memref<1x128xi32, #tpu.memory_space<vmem>> -> memref<128xi32, #tpu.memory_space<vmem>>
        %dma_start3A_51 = arith.constant 0 : i32
        %dma_start3A_52 = arith.constant 0 : i32
        %dma_start3A_53 = tpu.memref_slice %arg9[%dma_start3A_51, %dma_start3A_52] : memref<10240x128xf32, #tpu.memory_space<vmem_shared>> -> memref<10240x128xf32, #tpu.memory_space<vmem_shared>>
        tpu.enqueue_indirect_dma source(%arg8 : memref<128x128xf32, #tpu.memory_space<vmem>>) target(%dma_start3A_53 : memref<10240x128xf32, #tpu.memory_space<vmem_shared>>) offsets(%dma_start3A_50 : memref<128xi32, #tpu.memory_space<vmem>>) semaphore(%run_scoped3A : memref<!tpu.dma_semaphore, #tpu.memory_space<semaphore_mem>>) {add = true}
        %dma_wait3A_54 = arith.constant 0 : i32
        %dma_wait3A_55 = tpu.memref_slice %arg7[%scan3A_37, %dma_wait3A_54] : memref<80x128xi32, #tpu.memory_space<vmem>> -> memref<1x128xi32, #tpu.memory_space<vmem>>
        %dma_wait3A_56 = tpu.memref_squeeze %dma_wait3A_55 : memref<1x128xi32, #tpu.memory_space<vmem>> -> memref<128xi32, #tpu.memory_space<vmem>>
        %dma_wait3A_57 = arith.constant 0 : i32
        %dma_wait3A_58 = arith.constant 0 : i32
        %dma_wait3A_59 = tpu.memref_slice %arg9[%dma_wait3A_57, %dma_wait3A_58] : memref<10240x128xf32, #tpu.memory_space<vmem_shared>> -> memref<10240x128xf32, #tpu.memory_space<vmem_shared>>
        tpu.wait_indirect_dma semaphore(%run_scoped3A : memref<!tpu.dma_semaphore, #tpu.memory_space<semaphore_mem>>) src(%arg8 : memref<128x128xf32, #tpu.memory_space<vmem>>) dst(%dma_wait3A_59 : memref<10240x128xf32, #tpu.memory_space<vmem_shared>>)
        tpu.yield
      }) : () -> ()
    }
    %scan3A_31 = arith.constant 80 : i32
    %barrier3A_32 = arith.constant 0 : index
    tpu.barrier barrier_id(%barrier3A_32)
    %mul3A_33 = arith.constant 640 : i32
    %mul3A_34 = arith.muli %arg1, %mul3A_33 : i32
    %mul3A_35 = arith.constant 640 : i32
    %mul3A_36 = arith.muli %arg1, %mul3A_35 : i32
    "tpu.region"() ({
      %run_scoped3A = tpu.sem_alloc : memref<!tpu.dma_semaphore, #tpu.memory_space<semaphore_mem>>
      %dma_start3A = arith.constant 0 : i32
      %dma_start3A_37 = tpu.memref_slice %arg5[%arg0, %mul3A_36, %dma_start3A] : memref<2x10240x128xf32, #tpu.memory_space<hbm>> -> memref<1x640x128xf32, #tpu.memory_space<hbm>>
      %dma_start3A_38 = tpu.memref_squeeze %dma_start3A_37 : memref<1x640x128xf32, #tpu.memory_space<hbm>> -> memref<640x128xf32, #tpu.memory_space<hbm>>
      %dma_start3A_39 = arith.constant 0 : i32
      %dma_start3A_40 = tpu.memref_slice %arg9[%mul3A_34, %dma_start3A_39] : memref<10240x128xf32, #tpu.memory_space<vmem_shared>> -> memref<640x128xf32, #tpu.memory_space<vmem_shared>>
      tpu.enqueue_dma source(%dma_start3A_40 : memref<640x128xf32, #tpu.memory_space<vmem_shared>>) target(%dma_start3A_38 : memref<640x128xf32, #tpu.memory_space<hbm>>) target_semaphore(%run_scoped3A : memref<!tpu.dma_semaphore, #tpu.memory_space<semaphore_mem>>)
      %dma_wait3A = arith.constant 0 : i32
      %dma_wait3A_41 = tpu.memref_slice %arg5[%arg0, %mul3A_36, %dma_wait3A] : memref<2x10240x128xf32, #tpu.memory_space<hbm>> -> memref<1x640x128xf32, #tpu.memory_space<hbm>>
      %dma_wait3A_42 = tpu.memref_squeeze %dma_wait3A_41 : memref<1x640x128xf32, #tpu.memory_space<hbm>> -> memref<640x128xf32, #tpu.memory_space<hbm>>
      %dma_wait3A_43 = arith.constant 0 : i32
      %dma_wait3A_44 = tpu.memref_slice %arg9[%mul3A_34, %dma_wait3A_43] : memref<10240x128xf32, #tpu.memory_space<vmem_shared>> -> memref<640x128xf32, #tpu.memory_space<vmem_shared>>
      tpu.wait_dma2 semaphore(%run_scoped3A : memref<!tpu.dma_semaphore, #tpu.memory_space<semaphore_mem>>) src(%dma_wait3A_44 : memref<640x128xf32, #tpu.memory_space<vmem_shared>>) dst(%dma_wait3A_42 : memref<640x128xf32, #tpu.memory_space<hbm>>)
      tpu.yield
    }) : () -> ()
    return
  }
}

#map = affine_map<(d0, d1) -> (0, 0)>
#map1 = affine_map<(d0, d1) -> (0, 0, 0)>
module attributes {stable_mosaic.version = 14 : i64} {
  func.func @spmm_kernel(%arg0: i32, %arg1: i32, %arg2: memref<10240x128xf32, #tpu.memory_space<hbm>>, %arg3: memref<32x80x128xi32, #tpu.memory_space<hbm>>, %arg4: memref<32x80x128xi32, #tpu.memory_space<hbm>>, %arg5: memref<2x10240x128xf32, #tpu.memory_space<hbm>>, %arg6: memref<80x128xi32, #tpu.memory_space<vmem>>, %arg7: memref<80x128xi32, #tpu.memory_space<vmem>>, %arg8: memref<128x128xf32, #tpu.memory_space<vmem>>, %arg9: memref<10240x128xf32, #tpu.memory_space<vmem_shared>>, %arg10: memref<!tpu.dma_semaphore, #tpu.memory_space<semaphore_mem>>) attributes {dimension_semantics = [#tpu.dimension_semantics<core_parallel>, #tpu.dimension_semantics<subcore_parallel>], iteration_bounds = array<i64: 2, 16>, scalar_prefetch = 0 : i64, scratch_operands = 5 : i64, tpu.core_type = #tpu.core_type<sc_vector_subcore>, window_params = [{transform_indices = #map}, {transform_indices = #map1}, {transform_indices = #map1}, {transform_indices = #map1}]} {
    %mul3A = arith.constant 16 : i32
    %mul3A_0 = arith.muli %arg0, %mul3A : i32
    %add3A = arith.addi %mul3A_0, %arg1 : i32
    %scan3A = arith.constant 0 : i32
    %scan3A_1 = arith.constant 0 : i32
    %scan3A_2 = arith.constant 128 : i32
    %scan3A_3 = arith.addi %scan3A_1, %scan3A_2 : i32
    %scan3A_4 = arith.constant 1 : i32
    scf.for %scan3A_37 = %scan3A_1 to %scan3A_3 step %scan3A_4  : i32 {
      %broadcast_in_dim3A = arith.constant 0.000000e+00 : f32
      %broadcast_in_dim3A_38 = vector.broadcast %broadcast_in_dim3A : f32 to vector<16xf32>
      %swap3A = arith.index_cast %scan3A_37 : i32 to index
      %swap3A_39 = arith.constant 0 : index
      %swap3A_40 = tpu.vector_load %arg8[%swap3A, %swap3A_39] {strides = array<i32>} : memref<128x128xf32, #tpu.memory_space<vmem>>, vector<1x16xf32>,
      %swap3A_41 = vector.shape_cast %swap3A_40 : vector<1x16xf32> to vector<16xf32>
      %swap3A_42 = vector.shape_cast %broadcast_in_dim3A_38 : vector<16xf32> to vector<1x16xf32>
      tpu.vector_store %arg8[%swap3A, %swap3A_39], %swap3A_42 {strides = array<i32>} : memref<128x128xf32, #tpu.memory_space<vmem>>, vector<1x16xf32>,
      %broadcast_in_dim3A_43 = arith.constant 0.000000e+00 : f32
      %broadcast_in_dim3A_44 = vector.broadcast %broadcast_in_dim3A_43 : f32 to vector<16xf32>
      %swap3A_45 = arith.index_cast %scan3A_37 : i32 to index
      %swap3A_46 = arith.constant 16 : index
      %swap3A_47 = tpu.vector_load %arg8[%swap3A_45, %swap3A_46] {strides = array<i32>} : memref<128x128xf32, #tpu.memory_space<vmem>>, vector<1x16xf32>,
      %swap3A_48 = vector.shape_cast %swap3A_47 : vector<1x16xf32> to vector<16xf32>
      %swap3A_49 = vector.shape_cast %broadcast_in_dim3A_44 : vector<16xf32> to vector<1x16xf32>
      tpu.vector_store %arg8[%swap3A_45, %swap3A_46], %swap3A_49 {strides = array<i32>} : memref<128x128xf32, #tpu.memory_space<vmem>>, vector<1x16xf32>,
      %broadcast_in_dim3A_50 = arith.constant 0.000000e+00 : f32
      %broadcast_in_dim3A_51 = vector.broadcast %broadcast_in_dim3A_50 : f32 to vector<16xf32>
      %swap3A_52 = arith.index_cast %scan3A_37 : i32 to index
      %swap3A_53 = arith.constant 32 : index
      %swap3A_54 = tpu.vector_load %arg8[%swap3A_52, %swap3A_53] {strides = array<i32>} : memref<128x128xf32, #tpu.memory_space<vmem>>, vector<1x16xf32>,
      %swap3A_55 = vector.shape_cast %swap3A_54 : vector<1x16xf32> to vector<16xf32>
      %swap3A_56 = vector.shape_cast %broadcast_in_dim3A_51 : vector<16xf32> to vector<1x16xf32>
      tpu.vector_store %arg8[%swap3A_52, %swap3A_53], %swap3A_56 {strides = array<i32>} : memref<128x128xf32, #tpu.memory_space<vmem>>, vector<1x16xf32>,
      %broadcast_in_dim3A_57 = arith.constant 0.000000e+00 : f32
      %broadcast_in_dim3A_58 = vector.broadcast %broadcast_in_dim3A_57 : f32 to vector<16xf32>
      %swap3A_59 = arith.index_cast %scan3A_37 : i32 to index
      %swap3A_60 = arith.constant 48 : index
      %swap3A_61 = tpu.vector_load %arg8[%swap3A_59, %swap3A_60] {strides = array<i32>} : memref<128x128xf32, #tpu.memory_space<vmem>>, vector<1x16xf32>,
      %swap3A_62 = vector.shape_cast %swap3A_61 : vector<1x16xf32> to vector<16xf32>
      %swap3A_63 = vector.shape_cast %broadcast_in_dim3A_58 : vector<16xf32> to vector<1x16xf32>
      tpu.vector_store %arg8[%swap3A_59, %swap3A_60], %swap3A_63 {strides = array<i32>} : memref<128x128xf32, #tpu.memory_space<vmem>>, vector<1x16xf32>,
      %broadcast_in_dim3A_64 = arith.constant 0.000000e+00 : f32
      %broadcast_in_dim3A_65 = vector.broadcast %broadcast_in_dim3A_64 : f32 to vector<16xf32>
      %swap3A_66 = arith.index_cast %scan3A_37 : i32 to index
      %swap3A_67 = arith.constant 64 : index
      %swap3A_68 = tpu.vector_load %arg8[%swap3A_66, %swap3A_67] {strides = array<i32>} : memref<128x128xf32, #tpu.memory_space<vmem>>, vector<1x16xf32>,
      %swap3A_69 = vector.shape_cast %swap3A_68 : vector<1x16xf32> to vector<16xf32>
      %swap3A_70 = vector.shape_cast %broadcast_in_dim3A_65 : vector<16xf32> to vector<1x16xf32>
      tpu.vector_store %arg8[%swap3A_66, %swap3A_67], %swap3A_70 {strides = array<i32>} : memref<128x128xf32, #tpu.memory_space<vmem>>, vector<1x16xf32>,
      %broadcast_in_dim3A_71 = arith.constant 0.000000e+00 : f32
      %broadcast_in_dim3A_72 = vector.broadcast %broadcast_in_dim3A_71 : f32 to vector<16xf32>
      %swap3A_73 = arith.index_cast %scan3A_37 : i32 to index
      %swap3A_74 = arith.constant 80 : index
      %swap3A_75 = tpu.vector_load %arg8[%swap3A_73, %swap3A_74] {strides = array<i32>} : memref<128x128xf32, #tpu.memory_space<vmem>>, vector<1x16xf32>,
      %swap3A_76 = vector.shape_cast %swap3A_75 : vector<1x16xf32> to vector<16xf32>
      %swap3A_77 = vector.shape_cast %broadcast_in_dim3A_72 : vector<16xf32> to vector<1x16xf32>
      tpu.vector_store %arg8[%swap3A_73, %swap3A_74], %swap3A_77 {strides = array<i32>} : memref<128x128xf32, #tpu.memory_space<vmem>>, vector<1x16xf32>,
      %broadcast_in_dim3A_78 = arith.constant 0.000000e+00 : f32
      %broadcast_in_dim3A_79 = vector.broadcast %broadcast_in_dim3A_78 : f32 to vector<16xf32>
      %swap3A_80 = arith.index_cast %scan3A_37 : i32 to index
      %swap3A_81 = arith.constant 96 : index
      %swap3A_82 = tpu.vector_load %arg8[%swap3A_80, %swap3A_81] {strides = array<i32>} : memref<128x128xf32, #tpu.memory_space<vmem>>, vector<1x16xf32>,
      %swap3A_83 = vector.shape_cast %swap3A_82 : vector<1x16xf32> to vector<16xf32>
      %swap3A_84 = vector.shape_cast %broadcast_in_dim3A_79 : vector<16xf32> to vector<1x16xf32>
      tpu.vector_store %arg8[%swap3A_80, %swap3A_81], %swap3A_84 {strides = array<i32>} : memref<128x128xf32, #tpu.memory_space<vmem>>, vector<1x16xf32>,
      %broadcast_in_dim3A_85 = arith.constant 0.000000e+00 : f32
      %broadcast_in_dim3A_86 = vector.broadcast %broadcast_in_dim3A_85 : f32 to vector<16xf32>
      %swap3A_87 = arith.index_cast %scan3A_37 : i32 to index
      %swap3A_88 = arith.constant 112 : index
      %swap3A_89 = tpu.vector_load %arg8[%swap3A_87, %swap3A_88] {strides = array<i32>} : memref<128x128xf32, #tpu.memory_space<vmem>>, vector<1x16xf32>,
      %swap3A_90 = vector.shape_cast %swap3A_89 : vector<1x16xf32> to vector<16xf32>
      %swap3A_91 = vector.shape_cast %broadcast_in_dim3A_86 : vector<16xf32> to vector<1x16xf32>
      tpu.vector_store %arg8[%swap3A_87, %swap3A_88], %swap3A_91 {strides = array<i32>} : memref<128x128xf32, #tpu.memory_space<vmem>>, vector<1x16xf32>,
    }
    %scan3A_5 = arith.constant 128 : i32
    %mul3A_6 = arith.constant 640 : i32
    %mul3A_7 = arith.muli %arg1, %mul3A_6 : i32
    %add3A_8 = arith.constant 0 : i32
    %add3A_9 = arith.addi %mul3A_7, %add3A_8 : i32
    "tpu.region"() ({
      %run_scoped3A = tpu.sem_alloc : memref<!tpu.dma_semaphore, #tpu.memory_space<semaphore_mem>>
      %dma_start3A = arith.constant 0 : i32
      %dma_start3A_37 = tpu.memref_slice %arg9[%add3A_9, %dma_start3A] : memref<10240x128xf32, #tpu.memory_space<vmem_shared>> -> memref<128x128xf32, #tpu.memory_space<vmem_shared>>
      %dma_start3A_38 = arith.constant 0 : i32
      %dma_start3A_39 = tpu.memref_slice %arg9[%add3A_9, %dma_start3A_38] : memref<10240x128xf32, #tpu.memory_space<vmem_shared>> -> memref<128x128xf32, #tpu.memory_space<vmem_shared>>
      tpu.enqueue_dma source(%arg8 : memref<128x128xf32, #tpu.memory_space<vmem>>) target(%dma_start3A_39 : memref<128x128xf32, #tpu.memory_space<vmem_shared>>) target_semaphore(%run_scoped3A : memref<!tpu.dma_semaphore, #tpu.memory_space<semaphore_mem>>)
      %dma_wait3A = arith.constant 0 : i32
      %dma_wait3A_40 = tpu.memref_slice %arg9[%add3A_9, %dma_wait3A] : memref<10240x128xf32, #tpu.memory_space<vmem_shared>> -> memref<128x128xf32, #tpu.memory_space<vmem_shared>>
      %dma_wait3A_41 = arith.constant 0 : i32
      %dma_wait3A_42 = tpu.memref_slice %arg9[%add3A_9, %dma_wait3A_41] : memref<10240x128xf32, #tpu.memory_space<vmem_shared>> -> memref<128x128xf32, #tpu.memory_space<vmem_shared>>
      tpu.wait_dma2 semaphore(%run_scoped3A : memref<!tpu.dma_semaphore, #tpu.memory_space<semaphore_mem>>) src(%arg8 : memref<128x128xf32, #tpu.memory_space<vmem>>) dst(%dma_wait3A_42 : memref<128x128xf32, #tpu.memory_space<vmem_shared>>)
      tpu.yield
    }) : () -> ()
    %mul3A_10 = arith.constant 640 : i32
    %mul3A_11 = arith.muli %arg1, %mul3A_10 : i32
    %add3A_12 = arith.constant 128 : i32
    %add3A_13 = arith.addi %mul3A_11, %add3A_12 : i32
    "tpu.region"() ({
      %run_scoped3A = tpu.sem_alloc : memref<!tpu.dma_semaphore, #tpu.memory_space<semaphore_mem>>
      %dma_start3A = arith.constant 0 : i32
      %dma_start3A_37 = tpu.memref_slice %arg9[%add3A_13, %dma_start3A] : memref<10240x128xf32, #tpu.memory_space<vmem_shared>> -> memref<128x128xf32, #tpu.memory_space<vmem_shared>>
      %dma_start3A_38 = arith.constant 0 : i32
      %dma_start3A_39 = tpu.memref_slice %arg9[%add3A_13, %dma_start3A_38] : memref<10240x128xf32, #tpu.memory_space<vmem_shared>> -> memref<128x128xf32, #tpu.memory_space<vmem_shared>>
      tpu.enqueue_dma source(%arg8 : memref<128x128xf32, #tpu.memory_space<vmem>>) target(%dma_start3A_39 : memref<128x128xf32, #tpu.memory_space<vmem_shared>>) target_semaphore(%run_scoped3A : memref<!tpu.dma_semaphore, #tpu.memory_space<semaphore_mem>>)
      %dma_wait3A = arith.constant 0 : i32
      %dma_wait3A_40 = tpu.memref_slice %arg9[%add3A_13, %dma_wait3A] : memref<10240x128xf32, #tpu.memory_space<vmem_shared>> -> memref<128x128xf32, #tpu.memory_space<vmem_shared>>
      %dma_wait3A_41 = arith.constant 0 : i32
      %dma_wait3A_42 = tpu.memref_slice %arg9[%add3A_13, %dma_wait3A_41] : memref<10240x128xf32, #tpu.memory_space<vmem_shared>> -> memref<128x128xf32, #tpu.memory_space<vmem_shared>>
      tpu.wait_dma2 semaphore(%run_scoped3A : memref<!tpu.dma_semaphore, #tpu.memory_space<semaphore_mem>>) src(%arg8 : memref<128x128xf32, #tpu.memory_space<vmem>>) dst(%dma_wait3A_42 : memref<128x128xf32, #tpu.memory_space<vmem_shared>>)
      tpu.yield
    }) : () -> ()
    %mul3A_14 = arith.constant 640 : i32
    %mul3A_15 = arith.muli %arg1, %mul3A_14 : i32
    %add3A_16 = arith.constant 256 : i32
    %add3A_17 = arith.addi %mul3A_15, %add3A_16 : i32
    "tpu.region"() ({
      %run_scoped3A = tpu.sem_alloc : memref<!tpu.dma_semaphore, #tpu.memory_space<semaphore_mem>>
      %dma_start3A = arith.constant 0 : i32
      %dma_start3A_37 = tpu.memref_slice %arg9[%add3A_17, %dma_start3A] : memref<10240x128xf32, #tpu.memory_space<vmem_shared>> -> memref<128x128xf32, #tpu.memory_space<vmem_shared>>
      %dma_start3A_38 = arith.constant 0 : i32
      %dma_start3A_39 = tpu.memref_slice %arg9[%add3A_17, %dma_start3A_38] : memref<10240x128xf32, #tpu.memory_space<vmem_shared>> -> memref<128x128xf32, #tpu.memory_space<vmem_shared>>
      tpu.enqueue_dma source(%arg8 : memref<128x128xf32, #tpu.memory_space<vmem>>) target(%dma_start3A_39 : memref<128x128xf32, #tpu.memory_space<vmem_shared>>) target_semaphore(%run_scoped3A : memref<!tpu.dma_semaphore, #tpu.memory_space<semaphore_mem>>)
      %dma_wait3A = arith.constant 0 : i32
      %dma_wait3A_40 = tpu.memref_slice %arg9[%add3A_17, %dma_wait3A] : memref<10240x128xf32, #tpu.memory_space<vmem_shared>> -> memref<128x128xf32, #tpu.memory_space<vmem_shared>>
      %dma_wait3A_41 = arith.constant 0 : i32
      %dma_wait3A_42 = tpu.memref_slice %arg9[%add3A_17, %dma_wait3A_41] : memref<10240x128xf32, #tpu.memory_space<vmem_shared>> -> memref<128x128xf32, #tpu.memory_space<vmem_shared>>
      tpu.wait_dma2 semaphore(%run_scoped3A : memref<!tpu.dma_semaphore, #tpu.memory_space<semaphore_mem>>) src(%arg8 : memref<128x128xf32, #tpu.memory_space<vmem>>) dst(%dma_wait3A_42 : memref<128x128xf32, #tpu.memory_space<vmem_shared>>)
      tpu.yield
    }) : () -> ()
    %mul3A_18 = arith.constant 640 : i32
    %mul3A_19 = arith.muli %arg1, %mul3A_18 : i32
    %add3A_20 = arith.constant 384 : i32
    %add3A_21 = arith.addi %mul3A_19, %add3A_20 : i32
    "tpu.region"() ({
      %run_scoped3A = tpu.sem_alloc : memref<!tpu.dma_semaphore, #tpu.memory_space<semaphore_mem>>
      %dma_start3A = arith.constant 0 : i32
      %dma_start3A_37 = tpu.memref_slice %arg9[%add3A_21, %dma_start3A] : memref<10240x128xf32, #tpu.memory_space<vmem_shared>> -> memref<128x128xf32, #tpu.memory_space<vmem_shared>>
      %dma_start3A_38 = arith.constant 0 : i32
      %dma_start3A_39 = tpu.memref_slice %arg9[%add3A_21, %dma_start3A_38] : memref<10240x128xf32, #tpu.memory_space<vmem_shared>> -> memref<128x128xf32, #tpu.memory_space<vmem_shared>>
      tpu.enqueue_dma source(%arg8 : memref<128x128xf32, #tpu.memory_space<vmem>>) target(%dma_start3A_39 : memref<128x128xf32, #tpu.memory_space<vmem_shared>>) target_semaphore(%run_scoped3A : memref<!tpu.dma_semaphore, #tpu.memory_space<semaphore_mem>>)
      %dma_wait3A = arith.constant 0 : i32
      %dma_wait3A_40 = tpu.memref_slice %arg9[%add3A_21, %dma_wait3A] : memref<10240x128xf32, #tpu.memory_space<vmem_shared>> -> memref<128x128xf32, #tpu.memory_space<vmem_shared>>
      %dma_wait3A_41 = arith.constant 0 : i32
      %dma_wait3A_42 = tpu.memref_slice %arg9[%add3A_21, %dma_wait3A_41] : memref<10240x128xf32, #tpu.memory_space<vmem_shared>> -> memref<128x128xf32, #tpu.memory_space<vmem_shared>>
      tpu.wait_dma2 semaphore(%run_scoped3A : memref<!tpu.dma_semaphore, #tpu.memory_space<semaphore_mem>>) src(%arg8 : memref<128x128xf32, #tpu.memory_space<vmem>>) dst(%dma_wait3A_42 : memref<128x128xf32, #tpu.memory_space<vmem_shared>>)
      tpu.yield
    }) : () -> ()
    %mul3A_22 = arith.constant 640 : i32
    %mul3A_23 = arith.muli %arg1, %mul3A_22 : i32
    %add3A_24 = arith.constant 512 : i32
    %add3A_25 = arith.addi %mul3A_23, %add3A_24 : i32
    "tpu.region"() ({
      %run_scoped3A = tpu.sem_alloc : memref<!tpu.dma_semaphore, #tpu.memory_space<semaphore_mem>>
      %dma_start3A = arith.constant 0 : i32
      %dma_start3A_37 = tpu.memref_slice %arg9[%add3A_25, %dma_start3A] : memref<10240x128xf32, #tpu.memory_space<vmem_shared>> -> memref<128x128xf32, #tpu.memory_space<vmem_shared>>
      %dma_start3A_38 = arith.constant 0 : i32
      %dma_start3A_39 = tpu.memref_slice %arg9[%add3A_25, %dma_start3A_38] : memref<10240x128xf32, #tpu.memory_space<vmem_shared>> -> memref<128x128xf32, #tpu.memory_space<vmem_shared>>
      tpu.enqueue_dma source(%arg8 : memref<128x128xf32, #tpu.memory_space<vmem>>) target(%dma_start3A_39 : memref<128x128xf32, #tpu.memory_space<vmem_shared>>) target_semaphore(%run_scoped3A : memref<!tpu.dma_semaphore, #tpu.memory_space<semaphore_mem>>)
      %dma_wait3A = arith.constant 0 : i32
      %dma_wait3A_40 = tpu.memref_slice %arg9[%add3A_25, %dma_wait3A] : memref<10240x128xf32, #tpu.memory_space<vmem_shared>> -> memref<128x128xf32, #tpu.memory_space<vmem_shared>>
      %dma_wait3A_41 = arith.constant 0 : i32
      %dma_wait3A_42 = tpu.memref_slice %arg9[%add3A_25, %dma_wait3A_41] : memref<10240x128xf32, #tpu.memory_space<vmem_shared>> -> memref<128x128xf32, #tpu.memory_space<vmem_shared>>
      tpu.wait_dma2 semaphore(%run_scoped3A : memref<!tpu.dma_semaphore, #tpu.memory_space<semaphore_mem>>) src(%arg8 : memref<128x128xf32, #tpu.memory_space<vmem>>) dst(%dma_wait3A_42 : memref<128x128xf32, #tpu.memory_space<vmem_shared>>)
      tpu.yield
    }) : () -> ()
    "tpu.region"() ({
      %run_scoped3A = tpu.sem_alloc : memref<!tpu.dma_semaphore, #tpu.memory_space<semaphore_mem>>
      %dma_start3A = arith.constant 0 : i32
      %dma_start3A_37 = arith.constant 0 : i32
      %dma_start3A_38 = tpu.memref_slice %arg3[%add3A, %dma_start3A, %dma_start3A_37] : memref<32x80x128xi32, #tpu.memory_space<hbm>> -> memref<1x80x128xi32, #tpu.memory_space<hbm>>
      %dma_start3A_39 = tpu.memref_squeeze %dma_start3A_38 : memref<1x80x128xi32, #tpu.memory_space<hbm>> -> memref<80x128xi32, #tpu.memory_space<hbm>>
      %dma_start3A_40 = arith.constant 0 : i32
      %dma_start3A_41 = arith.constant 0 : i32
      %dma_start3A_42 = tpu.memref_slice %arg3[%add3A, %dma_start3A_40, %dma_start3A_41] : memref<32x80x128xi32, #tpu.memory_space<hbm>> -> memref<1x80x128xi32, #tpu.memory_space<hbm>>
      %dma_start3A_43 = tpu.memref_squeeze %dma_start3A_42 : memref<1x80x128xi32, #tpu.memory_space<hbm>> -> memref<80x128xi32, #tpu.memory_space<hbm>>
      tpu.enqueue_dma source(%dma_start3A_43 : memref<80x128xi32, #tpu.memory_space<hbm>>) target(%arg6 : memref<80x128xi32, #tpu.memory_space<vmem>>) target_semaphore(%run_scoped3A : memref<!tpu.dma_semaphore, #tpu.memory_space<semaphore_mem>>)
      %dma_wait3A = arith.constant 0 : i32
      %dma_wait3A_44 = arith.constant 0 : i32
      %dma_wait3A_45 = tpu.memref_slice %arg3[%add3A, %dma_wait3A, %dma_wait3A_44] : memref<32x80x128xi32, #tpu.memory_space<hbm>> -> memref<1x80x128xi32, #tpu.memory_space<hbm>>
      %dma_wait3A_46 = tpu.memref_squeeze %dma_wait3A_45 : memref<1x80x128xi32, #tpu.memory_space<hbm>> -> memref<80x128xi32, #tpu.memory_space<hbm>>
      %dma_wait3A_47 = arith.constant 0 : i32
      %dma_wait3A_48 = arith.constant 0 : i32
      %dma_wait3A_49 = tpu.memref_slice %arg3[%add3A, %dma_wait3A_47, %dma_wait3A_48] : memref<32x80x128xi32, #tpu.memory_space<hbm>> -> memref<1x80x128xi32, #tpu.memory_space<hbm>>
      %dma_wait3A_50 = tpu.memref_squeeze %dma_wait3A_49 : memref<1x80x128xi32, #tpu.memory_space<hbm>> -> memref<80x128xi32, #tpu.memory_space<hbm>>
      tpu.wait_dma2 semaphore(%run_scoped3A : memref<!tpu.dma_semaphore, #tpu.memory_space<semaphore_mem>>) src(%dma_wait3A_50 : memref<80x128xi32, #tpu.memory_space<hbm>>) dst(%arg6 : memref<80x128xi32, #tpu.memory_space<vmem>>)
      tpu.yield
    }) : () -> ()
    "tpu.region"() ({
      %run_scoped3A = tpu.sem_alloc : memref<!tpu.dma_semaphore, #tpu.memory_space<semaphore_mem>>
      %dma_start3A = arith.constant 0 : i32
      %dma_start3A_37 = arith.constant 0 : i32
      %dma_start3A_38 = tpu.memref_slice %arg4[%add3A, %dma_start3A, %dma_start3A_37] : memref<32x80x128xi32, #tpu.memory_space<hbm>> -> memref<1x80x128xi32, #tpu.memory_space<hbm>>
      %dma_start3A_39 = tpu.memref_squeeze %dma_start3A_38 : memref<1x80x128xi32, #tpu.memory_space<hbm>> -> memref<80x128xi32, #tpu.memory_space<hbm>>
      %dma_start3A_40 = arith.constant 0 : i32
      %dma_start3A_41 = arith.constant 0 : i32
      %dma_start3A_42 = tpu.memref_slice %arg4[%add3A, %dma_start3A_40, %dma_start3A_41] : memref<32x80x128xi32, #tpu.memory_space<hbm>> -> memref<1x80x128xi32, #tpu.memory_space<hbm>>
      %dma_start3A_43 = tpu.memref_squeeze %dma_start3A_42 : memref<1x80x128xi32, #tpu.memory_space<hbm>> -> memref<80x128xi32, #tpu.memory_space<hbm>>
      tpu.enqueue_dma source(%dma_start3A_43 : memref<80x128xi32, #tpu.memory_space<hbm>>) target(%arg7 : memref<80x128xi32, #tpu.memory_space<vmem>>) target_semaphore(%run_scoped3A : memref<!tpu.dma_semaphore, #tpu.memory_space<semaphore_mem>>)
      %dma_wait3A = arith.constant 0 : i32
      %dma_wait3A_44 = arith.constant 0 : i32
      %dma_wait3A_45 = tpu.memref_slice %arg4[%add3A, %dma_wait3A, %dma_wait3A_44] : memref<32x80x128xi32, #tpu.memory_space<hbm>> -> memref<1x80x128xi32, #tpu.memory_space<hbm>>
      %dma_wait3A_46 = tpu.memref_squeeze %dma_wait3A_45 : memref<1x80x128xi32, #tpu.memory_space<hbm>> -> memref<80x128xi32, #tpu.memory_space<hbm>>
      %dma_wait3A_47 = arith.constant 0 : i32
      %dma_wait3A_48 = arith.constant 0 : i32
      %dma_wait3A_49 = tpu.memref_slice %arg4[%add3A, %dma_wait3A_47, %dma_wait3A_48] : memref<32x80x128xi32, #tpu.memory_space<hbm>> -> memref<1x80x128xi32, #tpu.memory_space<hbm>>
      %dma_wait3A_50 = tpu.memref_squeeze %dma_wait3A_49 : memref<1x80x128xi32, #tpu.memory_space<hbm>> -> memref<80x128xi32, #tpu.memory_space<hbm>>
      tpu.wait_dma2 semaphore(%run_scoped3A : memref<!tpu.dma_semaphore, #tpu.memory_space<semaphore_mem>>) src(%dma_wait3A_50 : memref<80x128xi32, #tpu.memory_space<hbm>>) dst(%arg7 : memref<80x128xi32, #tpu.memory_space<vmem>>)
      tpu.yield
    }) : () -> ()
    %barrier3A = arith.constant 0 : index
    tpu.barrier barrier_id(%barrier3A)
    %scan3A_26 = arith.constant 0 : i32
    %scan3A_27 = arith.constant 0 : i32
    %scan3A_28 = arith.constant 80 : i32
    %scan3A_29 = arith.addi %scan3A_27, %scan3A_28 : i32
    %scan3A_30 = arith.constant 1 : i32
    scf.for %scan3A_37 = %scan3A_27 to %scan3A_29 step %scan3A_30  : i32 {
      %dma_start3A = arith.constant 0 : i32
      %dma_start3A_38 = tpu.memref_slice %arg6[%scan3A_37, %dma_start3A] : memref<80x128xi32, #tpu.memory_space<vmem>> -> memref<1x128xi32, #tpu.memory_space<vmem>>
      %dma_start3A_39 = tpu.memref_squeeze %dma_start3A_38 : memref<1x128xi32, #tpu.memory_space<vmem>> -> memref<128xi32, #tpu.memory_space<vmem>>
      %dma_start3A_40 = arith.constant 0 : i32
      %dma_start3A_41 = arith.constant 0 : i32
      %dma_start3A_42 = tpu.memref_slice %arg2[%dma_start3A_40, %dma_start3A_41] : memref<10240x128xf32, #tpu.memory_space<hbm>> -> memref<10240x128xf32, #tpu.memory_space<hbm>>
      tpu.enqueue_indirect_dma source(%dma_start3A_42 : memref<10240x128xf32, #tpu.memory_space<hbm>>) target(%arg8 : memref<128x128xf32, #tpu.memory_space<vmem>>) offsets(%dma_start3A_39 : memref<128xi32, #tpu.memory_space<vmem>>) semaphore(%arg10 : memref<!tpu.dma_semaphore, #tpu.memory_space<semaphore_mem>>)
      %dma_wait3A = arith.constant 0 : i32
      %dma_wait3A_43 = tpu.memref_slice %arg6[%scan3A_37, %dma_wait3A] : memref<80x128xi32, #tpu.memory_space<vmem>> -> memref<1x128xi32, #tpu.memory_space<vmem>>
      %dma_wait3A_44 = tpu.memref_squeeze %dma_wait3A_43 : memref<1x128xi32, #tpu.memory_space<vmem>> -> memref<128xi32, #tpu.memory_space<vmem>>
      %dma_wait3A_45 = arith.constant 0 : i32
      %dma_wait3A_46 = arith.constant 0 : i32
      %dma_wait3A_47 = tpu.memref_slice %arg2[%dma_wait3A_45, %dma_wait3A_46] : memref<10240x128xf32, #tpu.memory_space<hbm>> -> memref<10240x128xf32, #tpu.memory_space<hbm>>
      tpu.wait_indirect_dma semaphore(%arg10 : memref<!tpu.dma_semaphore, #tpu.memory_space<semaphore_mem>>) src(%dma_wait3A_47 : memref<10240x128xf32, #tpu.memory_space<hbm>>) dst(%arg8 : memref<128x128xf32, #tpu.memory_space<vmem>>)
      "tpu.region"() ({
        %run_scoped3A = tpu.sem_alloc : memref<!tpu.dma_semaphore, #tpu.memory_space<semaphore_mem>>
        %dma_start3A_48 = arith.constant 0 : i32
        %dma_start3A_49 = tpu.memref_slice %arg7[%scan3A_37, %dma_start3A_48] : memref<80x128xi32, #tpu.memory_space<vmem>> -> memref<1x128xi32, #tpu.memory_space<vmem>>
        %dma_start3A_50 = tpu.memref_squeeze %dma_start3A_49 : memref<1x128xi32, #tpu.memory_space<vmem>> -> memref<128xi32, #tpu.memory_space<vmem>>
        %dma_start3A_51 = arith.constant 0 : i32
        %dma_start3A_52 = arith.constant 0 : i32
        %dma_start3A_53 = tpu.memref_slice %arg9[%dma_start3A_51, %dma_start3A_52] : memref<10240x128xf32, #tpu.memory_space<vmem_shared>> -> memref<10240x128xf32, #tpu.memory_space<vmem_shared>>
        tpu.enqueue_indirect_dma source(%arg8 : memref<128x128xf32, #tpu.memory_space<vmem>>) target(%dma_start3A_53 : memref<10240x128xf32, #tpu.memory_space<vmem_shared>>) offsets(%dma_start3A_50 : memref<128xi32, #tpu.memory_space<vmem>>) semaphore(%run_scoped3A : memref<!tpu.dma_semaphore, #tpu.memory_space<semaphore_mem>>) {add = true}
        %dma_wait3A_54 = arith.constant 0 : i32
        %dma_wait3A_55 = tpu.memref_slice %arg7[%scan3A_37, %dma_wait3A_54] : memref<80x128xi32, #tpu.memory_space<vmem>> -> memref<1x128xi32, #tpu.memory_space<vmem>>
        %dma_wait3A_56 = tpu.memref_squeeze %dma_wait3A_55 : memref<1x128xi32, #tpu.memory_space<vmem>> -> memref<128xi32, #tpu.memory_space<vmem>>
        %dma_wait3A_57 = arith.constant 0 : i32
        %dma_wait3A_58 = arith.constant 0 : i32
        %dma_wait3A_59 = tpu.memref_slice %arg9[%dma_wait3A_57, %dma_wait3A_58] : memref<10240x128xf32, #tpu.memory_space<vmem_shared>> -> memref<10240x128xf32, #tpu.memory_space<vmem_shared>>
        tpu.wait_indirect_dma semaphore(%run_scoped3A : memref<!tpu.dma_semaphore, #tpu.memory_space<semaphore_mem>>) src(%arg8 : memref<128x128xf32, #tpu.memory_space<vmem>>) dst(%dma_wait3A_59 : memref<10240x128xf32, #tpu.memory_space<vmem_shared>>)
        tpu.yield
      }) : () -> ()
    }
    %scan3A_31 = arith.constant 80 : i32
    %barrier3A_32 = arith.constant 0 : index
    tpu.barrier barrier_id(%barrier3A_32)
    %mul3A_33 = arith.constant 640 : i32
    %mul3A_34 = arith.muli %arg1, %mul3A_33 : i32
    %mul3A_35 = arith.constant 640 : i32
    %mul3A_36 = arith.muli %arg1, %mul3A_35 : i32
    "tpu.region"() ({
      %run_scoped3A = tpu.sem_alloc : memref<!tpu.dma_semaphore, #tpu.memory_space<semaphore_mem>>
      %dma_start3A = arith.constant 0 : i32
      %dma_start3A_37 = tpu.memref_slice %arg5[%arg0, %mul3A_36, %dma_start3A] : memref<2x10240x128xf32, #tpu.memory_space<hbm>> -> memref<1x640x128xf32, #tpu.memory_space<hbm>>
      %dma_start3A_38 = tpu.memref_squeeze %dma_start3A_37 : memref<1x640x128xf32, #tpu.memory_space<hbm>> -> memref<640x128xf32, #tpu.memory_space<hbm>>
      %dma_start3A_39 = arith.constant 0 : i32
      %dma_start3A_40 = tpu.memref_slice %arg9[%mul3A_34, %dma_start3A_39] : memref<10240x128xf32, #tpu.memory_space<vmem_shared>> -> memref<640x128xf32, #tpu.memory_space<vmem_shared>>
      tpu.enqueue_dma source(%dma_start3A_40 : memref<640x128xf32, #tpu.memory_space<vmem_shared>>) target(%dma_start3A_38 : memref<640x128xf32, #tpu.memory_space<hbm>>) target_semaphore(%run_scoped3A : memref<!tpu.dma_semaphore, #tpu.memory_space<semaphore_mem>>)
      %dma_wait3A = arith.constant 0 : i32
      %dma_wait3A_41 = tpu.memref_slice %arg5[%arg0, %mul3A_36, %dma_wait3A] : memref<2x10240x128xf32, #tpu.memory_space<hbm>> -> memref<1x640x128xf32, #tpu.memory_space<hbm>>
      %dma_wait3A_42 = tpu.memref_squeeze %dma_wait3A_41 : memref<1x640x128xf32, #tpu.memory_space<hbm>> -> memref<640x128xf32, #tpu.memory_space<hbm>>
      %dma_wait3A_43 = arith.constant 0 : i32
      %dma_wait3A_44 = tpu.memref_slice %arg9[%mul3A_34, %dma_wait3A_43] : memref<10240x128xf32, #tpu.memory_space<vmem_shared>> -> memref<640x128xf32, #tpu.memory_space<vmem_shared>>
      tpu.wait_dma2 semaphore(%run_scoped3A : memref<!tpu.dma_semaphore, #tpu.memory_space<semaphore_mem>>) src(%dma_wait3A_44 : memref<640x128xf32, #tpu.memory_space<vmem_shared>>) dst(%dma_wait3A_42 : memref<640x128xf32, #tpu.memory_space<hbm>>)
      tpu.yield
    }) : () -> ()
    return
  }
}

module attributes {stable_mosaic.version = 14 : i64} {
  func.func @_tcA_body(%arg0: i32, %arg1: memref<2x1024x16xf32, #tpu.memory_space<vmem>>, %arg2: memref<1024x128xf32, #tpu.memory_space<vmem>>, %arg3: memref<128x128xf32, #tpu.memory_space<vmem>>, %arg4: memref<1024x1xf32, #tpu.memory_space<vmem>>, %arg5: memref<1024x128xf32, #tpu.memory_space<vmem>>) attributes {dimension_semantics = [#tpu.dimension_semantics<arbitrary>], iteration_bounds = array<i64: 10>, scalar_prefetch = 0 : i64, scratch_operands = 0 : i64, tpu.core_type = #tpu.core_type<tc>, window_params = [{transform_indices = @transform_0, window_bounds = array<i64: 2, 1024, 16>}, {transform_indices = @transform_1, window_bounds = array<i64: 1024, 128>}, {pipeline_mode = #tpu.pipeline_mode<synchronous>, transform_indices = @transform_2, window_bounds = array<i64: 128, 128>}, {transform_indices = @transform_3, window_bounds = array<i64: 1024, 1>}, {transform_indices = @transform_4, window_bounds = array<i64: 1024, 128>}]} {
    %get3A = arith.constant 0 : index
    %get3A_0 = arith.constant 0 : index
    %get3A_1 = arith.constant 0 : index
    %get3A_2 = vector.load %arg1[%get3A, %get3A_0, %get3A_1] : memref<2x1024x16xf32, #tpu.memory_space<vmem>>, vector<1x1024x1xf32>
    %get3A_3 = vector.shape_cast %get3A_2 : vector<1x1024x1xf32> to vector<1024x1xf32>
    %get3A_4 = arith.constant 1 : index
    %get3A_5 = arith.constant 0 : index
    %get3A_6 = arith.constant 0 : index
    %get3A_7 = vector.load %arg1[%get3A_4, %get3A_5, %get3A_6] : memref<2x1024x16xf32, #tpu.memory_space<vmem>>, vector<1x1024x1xf32>
    %get3A_8 = vector.shape_cast %get3A_7 : vector<1x1024x1xf32> to vector<1024x1xf32>
    %add3A = arith.addf %get3A_3, %get3A_8 : vector<1024x1xf32>
    %add3A_9 = arith.constant 1.000000e+00 : f32
    %add3A_10 = vector.broadcast %add3A_9 : f32 to vector<1024x1xf32>
    %add3A_11 = arith.addf %add3A, %add3A_10 : vector<1024x1xf32>
    %mul3A = arith.constant 1024 : i32
    %mul3A_12 = arith.muli %arg0, %mul3A : i32
    %iota3A = tpu.iota {dimensions = array<i32: 0>} : vector<1024x1xi32>
    %add3A_13 = vector.broadcast %mul3A_12 : i32 to vector<1024x1xi32>
    %add3A_14 = arith.addi %add3A_13, %iota3A : vector<1024x1xi32>
    %lt3A = arith.constant 10000 : i32
    %lt3A_15 = vector.broadcast %lt3A : i32 to vector<1024x1xi32>
    %lt3A_16 = arith.cmpi slt, %add3A_14, %lt3A_15 : vector<1024x1xi32>
    %rsqrt3A = math.rsqrt %add3A_11 : vector<1024x1xf32>
    %jit3A = arith.constant 0.000000e+00 : f32
    %broadcast_in_dim3A = vector.broadcast %jit3A : f32 to vector<1024x1xf32>
    %select_n3A = arith.select %lt3A_16, %rsqrt3A, %broadcast_in_dim3A : vector<1024x1xi1>, vector<1024x1xf32>
    %swap3A = arith.constant 0 : index
    %swap3A_17 = arith.constant 0 : index
    %swap3A_18 = vector.load %arg4[%swap3A, %swap3A_17] : memref<1024x1xf32, #tpu.memory_space<vmem>>, vector<1024x1xf32>
    tpu.vector_store %arg4[%swap3A, %swap3A_17], %select_n3A {strides = array<i32>} : memref<1024x1xf32, #tpu.memory_space<vmem>>, vector<1024x1xf32>,
    %get3A_19 = arith.constant 0 : index
    %get3A_20 = arith.constant 0 : index
    %get3A_21 = vector.load %arg2[%get3A_19, %get3A_20] : memref<1024x128xf32, #tpu.memory_space<vmem>>, vector<1024x128xf32>
    %get3A_22 = arith.constant 0 : index
    %get3A_23 = arith.constant 0 : index
    %get3A_24 = vector.load %arg3[%get3A_22, %get3A_23] : memref<128x128xf32, #tpu.memory_space<vmem>>, vector<128x128xf32>
    %dot_general3A = arith.constant dense<0.000000e+00> : vector<1024x128xf32>
    %dot_general3A_25 = tpu.matmul %get3A_21, %get3A_24, %dot_general3A {dimension_numbers = #tpu.dot_dimension_numbers<[1], [0], [0], [1], [0, 0, 1, 1], [], []>, transpose_lhs_hint = false} : vector<1024x128xf32>, vector<128x128xf32>, vector<1024x128xf32> -> vector<1024x128xf32>
    %mul3A_26 = vector.broadcast %select_n3A : vector<1024x1xf32> to vector<1024x128xf32>
    %mul3A_27 = arith.mulf %mul3A_26, %dot_general3A_25 : vector<1024x128xf32>
    %swap3A_28 = arith.constant 0 : index
    %swap3A_29 = arith.constant 0 : index
    %swap3A_30 = vector.load %arg5[%swap3A_28, %swap3A_29] : memref<1024x128xf32, #tpu.memory_space<vmem>>, vector<1024x128xf32>
    tpu.vector_store %arg5[%swap3A_28, %swap3A_29], %mul3A_27 {strides = array<i32>} : memref<1024x128xf32, #tpu.memory_space<vmem>>, vector<1024x128xf32>,
    return
  }
  func.func @transform_0(%arg0: i32) -> (i32, i32, i32) {
    %c0_i32 = arith.constant 0 : i32
    %c0_i32_0 = arith.constant 0 : i32
    %c0_i32_1 = arith.constant 0 : i32
    return %c0_i32, %arg0, %c0_i32_0 : i32, i32, i32
  }
  func.func @transform_1(%arg0: i32) -> (i32, i32) {
    %c0_i32 = arith.constant 0 : i32
    %c0_i32_0 = arith.constant 0 : i32
    return %arg0, %c0_i32 : i32, i32
  }
  func.func @transform_2(%arg0: i32) -> (i32, i32) {
    %c0_i32 = arith.constant 0 : i32
    %c0_i32_0 = arith.constant 0 : i32
    %c0_i32_1 = arith.constant 0 : i32
    return %c0_i32, %c0_i32_0 : i32, i32
  }
  func.func @transform_3(%arg0: i32) -> (i32, i32) {
    %c0_i32 = arith.constant 0 : i32
    %c0_i32_0 = arith.constant 0 : i32
    return %arg0, %c0_i32 : i32, i32
  }
  func.func @transform_4(%arg0: i32) -> (i32, i32) {
    %c0_i32 = arith.constant 0 : i32
    %c0_i32_0 = arith.constant 0 : i32
    return %arg0, %c0_i32 : i32, i32
  }
}

module attributes {stable_mosaic.version = 14 : i64} {
  func.func @_post_mid_body(%arg0: i32, %arg1: memref<2x1024x128xf32, #tpu.memory_space<vmem>>, %arg2: memref<1024x128xf32, #tpu.memory_space<vmem>>, %arg3: memref<1024x1xf32, #tpu.memory_space<vmem>>, %arg4: memref<128xf32, #tpu.memory_space<vmem>>, %arg5: memref<128x128xf32, #tpu.memory_space<vmem>>, %arg6: memref<1024x128xf32, #tpu.memory_space<vmem>>, %arg7: memref<1024x128xf32, #tpu.memory_space<vmem>>) attributes {dimension_semantics = [#tpu.dimension_semantics<arbitrary>], iteration_bounds = array<i64: 10>, scalar_prefetch = 0 : i64, scratch_operands = 0 : i64, tpu.core_type = #tpu.core_type<tc>, window_params = [{transform_indices = @transform_0, window_bounds = array<i64: 2, 1024, 128>}, {transform_indices = @transform_1, window_bounds = array<i64: 1024, 128>}, {transform_indices = @transform_2, window_bounds = array<i64: 1024, 1>}, {pipeline_mode = #tpu.pipeline_mode<synchronous>, transform_indices = @transform_3, window_bounds = array<i64: 128>}, {pipeline_mode = #tpu.pipeline_mode<synchronous>, transform_indices = @transform_4, window_bounds = array<i64: 128, 128>}, {transform_indices = @transform_5, window_bounds = array<i64: 1024, 128>}, {transform_indices = @transform_6, window_bounds = array<i64: 1024, 128>}]} {
    %get3A = arith.constant 0 : index
    %get3A_0 = arith.constant 0 : index
    %get3A_1 = arith.constant 0 : index
    %get3A_2 = vector.load %arg1[%get3A, %get3A_0, %get3A_1] : memref<2x1024x128xf32, #tpu.memory_space<vmem>>, vector<1x1024x128xf32>
    %get3A_3 = vector.shape_cast %get3A_2 : vector<1x1024x128xf32> to vector<1024x128xf32>
    %get3A_4 = arith.constant 1 : index
    %get3A_5 = arith.constant 0 : index
    %get3A_6 = arith.constant 0 : index
    %get3A_7 = vector.load %arg1[%get3A_4, %get3A_5, %get3A_6] : memref<2x1024x128xf32, #tpu.memory_space<vmem>>, vector<1x1024x128xf32>
    %get3A_8 = vector.shape_cast %get3A_7 : vector<1x1024x128xf32> to vector<1024x128xf32>
    %add3A = arith.addf %get3A_3, %get3A_8 : vector<1024x128xf32>
    %get3A_9 = arith.constant 0 : index
    %get3A_10 = arith.constant 0 : index
    %get3A_11 = vector.load %arg3[%get3A_9, %get3A_10] : memref<1024x1xf32, #tpu.memory_space<vmem>>, vector<1024x1xf32>
    %get3A_12 = arith.constant 0 : index
    %get3A_13 = arith.constant 0 : index
    %get3A_14 = vector.load %arg2[%get3A_12, %get3A_13] : memref<1024x128xf32, #tpu.memory_space<vmem>>, vector<1024x128xf32>
    %add3A_15 = arith.addf %add3A, %get3A_14 : vector<1024x128xf32>
    %mul3A = vector.broadcast %get3A_11 : vector<1024x1xf32> to vector<1024x128xf32>
    %mul3A_16 = arith.mulf %mul3A, %add3A_15 : vector<1024x128xf32>
    %get3A_17 = arith.constant 0 : index
    %get3A_18 = vector.load %arg4[%get3A_17] : memref<128xf32, #tpu.memory_space<vmem>>, vector<128xf32>
    %broadcast_in_dim3A = vector.shape_cast %get3A_18 : vector<128xf32> to vector<1x128xf32>
    %add3A_19 = vector.broadcast %broadcast_in_dim3A : vector<1x128xf32> to vector<1024x128xf32>
    %add3A_20 = arith.addf %mul3A_16, %add3A_19 : vector<1024x128xf32>
    %max3A = arith.constant 0.000000e+00 : f32
    %max3A_21 = vector.broadcast %max3A : f32 to vector<1024x128xf32>
    %max3A_22 = arith.maximumf %add3A_20, %max3A_21 : vector<1024x128xf32>
    %swap3A = arith.constant 0 : index
    %swap3A_23 = arith.constant 0 : index
    %swap3A_24 = vector.load %arg6[%swap3A, %swap3A_23] : memref<1024x128xf32, #tpu.memory_space<vmem>>, vector<1024x128xf32>
    tpu.vector_store %arg6[%swap3A, %swap3A_23], %max3A_22 {strides = array<i32>} : memref<1024x128xf32, #tpu.memory_space<vmem>>, vector<1024x128xf32>,
    %get3A_25 = arith.constant 0 : index
    %get3A_26 = arith.constant 0 : index
    %get3A_27 = vector.load %arg3[%get3A_25, %get3A_26] : memref<1024x1xf32, #tpu.memory_space<vmem>>, vector<1024x1xf32>
    %get3A_28 = arith.constant 0 : index
    %get3A_29 = arith.constant 0 : index
    %get3A_30 = vector.load %arg5[%get3A_28, %get3A_29] : memref<128x128xf32, #tpu.memory_space<vmem>>, vector<128x128xf32>
    %dot_general3A = arith.constant dense<0.000000e+00> : vector<1024x128xf32>
    %dot_general3A_31 = tpu.matmul %max3A_22, %get3A_30, %dot_general3A {dimension_numbers = #tpu.dot_dimension_numbers<[1], [0], [0], [1], [0, 0, 1, 1], [], []>, transpose_lhs_hint = false} : vector<1024x128xf32>, vector<128x128xf32>, vector<1024x128xf32> -> vector<1024x128xf32>
    %mul3A_32 = vector.broadcast %get3A_27 : vector<1024x1xf32> to vector<1024x128xf32>
    %mul3A_33 = arith.mulf %mul3A_32, %dot_general3A_31 : vector<1024x128xf32>
    %swap3A_34 = arith.constant 0 : index
    %swap3A_35 = arith.constant 0 : index
    %swap3A_36 = vector.load %arg7[%swap3A_34, %swap3A_35] : memref<1024x128xf32, #tpu.memory_space<vmem>>, vector<1024x128xf32>
    tpu.vector_store %arg7[%swap3A_34, %swap3A_35], %mul3A_33 {strides = array<i32>} : memref<1024x128xf32, #tpu.memory_space<vmem>>, vector<1024x128xf32>,
    return
  }
  func.func @transform_0(%arg0: i32) -> (i32, i32, i32) {
    %c0_i32 = arith.constant 0 : i32
    %c0_i32_0 = arith.constant 0 : i32
    %c0_i32_1 = arith.constant 0 : i32
    return %c0_i32, %arg0, %c0_i32_0 : i32, i32, i32
  }
  func.func @transform_1(%arg0: i32) -> (i32, i32) {
    %c0_i32 = arith.constant 0 : i32
    %c0_i32_0 = arith.constant 0 : i32
    return %arg0, %c0_i32 : i32, i32
  }
  func.func @transform_2(%arg0: i32) -> (i32, i32) {
    %c0_i32 = arith.constant 0 : i32
    %c0_i32_0 = arith.constant 0 : i32
    return %arg0, %c0_i32 : i32, i32
  }
  func.func @transform_3(%arg0: i32) -> i32 {
    %c0_i32 = arith.constant 0 : i32
    %c0_i32_0 = arith.constant 0 : i32
    return %c0_i32 : i32
  }
  func.func @transform_4(%arg0: i32) -> (i32, i32) {
    %c0_i32 = arith.constant 0 : i32
    %c0_i32_0 = arith.constant 0 : i32
    %c0_i32_1 = arith.constant 0 : i32
    return %c0_i32, %c0_i32_0 : i32, i32
  }
  func.func @transform_5(%arg0: i32) -> (i32, i32) {
    %c0_i32 = arith.constant 0 : i32
    %c0_i32_0 = arith.constant 0 : i32
    return %arg0, %c0_i32 : i32, i32
  }
  func.func @transform_6(%arg0: i32) -> (i32, i32) {
    %c0_i32 = arith.constant 0 : i32
    %c0_i32_0 = arith.constant 0 : i32
    return %arg0, %c0_i32 : i32, i32
  }
}

module attributes {stable_mosaic.version = 14 : i64} {
  func.func @_post_last_body(%arg0: i32, %arg1: memref<2x1024x128xf32, #tpu.memory_space<vmem>>, %arg2: memref<1024x128xf32, #tpu.memory_space<vmem>>, %arg3: memref<1024x1xf32, #tpu.memory_space<vmem>>, %arg4: memref<128xf32, #tpu.memory_space<vmem>>, %arg5: memref<1024x128xf32, #tpu.memory_space<vmem>>) attributes {dimension_semantics = [#tpu.dimension_semantics<arbitrary>], iteration_bounds = array<i64: 10>, scalar_prefetch = 0 : i64, scratch_operands = 0 : i64, tpu.core_type = #tpu.core_type<tc>, window_params = [{transform_indices = @transform_0, window_bounds = array<i64: 2, 1024, 128>}, {transform_indices = @transform_1, window_bounds = array<i64: 1024, 128>}, {transform_indices = @transform_2, window_bounds = array<i64: 1024, 1>}, {pipeline_mode = #tpu.pipeline_mode<synchronous>, transform_indices = @transform_3, window_bounds = array<i64: 128>}, {transform_indices = @transform_4, window_bounds = array<i64: 1024, 128>}]} {
    %get3A = arith.constant 0 : index
    %get3A_0 = arith.constant 0 : index
    %get3A_1 = arith.constant 0 : index
    %get3A_2 = vector.load %arg1[%get3A, %get3A_0, %get3A_1] : memref<2x1024x128xf32, #tpu.memory_space<vmem>>, vector<1x1024x128xf32>
    %get3A_3 = vector.shape_cast %get3A_2 : vector<1x1024x128xf32> to vector<1024x128xf32>
    %get3A_4 = arith.constant 1 : index
    %get3A_5 = arith.constant 0 : index
    %get3A_6 = arith.constant 0 : index
    %get3A_7 = vector.load %arg1[%get3A_4, %get3A_5, %get3A_6] : memref<2x1024x128xf32, #tpu.memory_space<vmem>>, vector<1x1024x128xf32>
    %get3A_8 = vector.shape_cast %get3A_7 : vector<1x1024x128xf32> to vector<1024x128xf32>
    %add3A = arith.addf %get3A_3, %get3A_8 : vector<1024x128xf32>
    %get3A_9 = arith.constant 0 : index
    %get3A_10 = arith.constant 0 : index
    %get3A_11 = vector.load %arg3[%get3A_9, %get3A_10] : memref<1024x1xf32, #tpu.memory_space<vmem>>, vector<1024x1xf32>
    %get3A_12 = arith.constant 0 : index
    %get3A_13 = arith.constant 0 : index
    %get3A_14 = vector.load %arg2[%get3A_12, %get3A_13] : memref<1024x128xf32, #tpu.memory_space<vmem>>, vector<1024x128xf32>
    %add3A_15 = arith.addf %add3A, %get3A_14 : vector<1024x128xf32>
    %mul3A = vector.broadcast %get3A_11 : vector<1024x1xf32> to vector<1024x128xf32>
    %mul3A_16 = arith.mulf %mul3A, %add3A_15 : vector<1024x128xf32>
    %get3A_17 = arith.constant 0 : index
    %get3A_18 = vector.load %arg4[%get3A_17] : memref<128xf32, #tpu.memory_space<vmem>>, vector<128xf32>
    %broadcast_in_dim3A = vector.shape_cast %get3A_18 : vector<128xf32> to vector<1x128xf32>
    %add3A_19 = vector.broadcast %broadcast_in_dim3A : vector<1x128xf32> to vector<1024x128xf32>
    %add3A_20 = arith.addf %mul3A_16, %add3A_19 : vector<1024x128xf32>
    %max3A = arith.constant 0.000000e+00 : f32
    %max3A_21 = vector.broadcast %max3A : f32 to vector<1024x128xf32>
    %max3A_22 = arith.maximumf %add3A_20, %max3A_21 : vector<1024x128xf32>
    %swap3A = arith.constant 0 : index
    %swap3A_23 = arith.constant 0 : index
    %swap3A_24 = vector.load %arg5[%swap3A, %swap3A_23] : memref<1024x128xf32, #tpu.memory_space<vmem>>, vector<1024x128xf32>
    tpu.vector_store %arg5[%swap3A, %swap3A_23], %max3A_22 {strides = array<i32>} : memref<1024x128xf32, #tpu.memory_space<vmem>>, vector<1024x128xf32>,
    return
  }
  func.func @transform_0(%arg0: i32) -> (i32, i32, i32) {
    %c0_i32 = arith.constant 0 : i32
    %c0_i32_0 = arith.constant 0 : i32
    %c0_i32_1 = arith.constant 0 : i32
    return %c0_i32, %arg0, %c0_i32_0 : i32, i32, i32
  }
  func.func @transform_1(%arg0: i32) -> (i32, i32) {
    %c0_i32 = arith.constant 0 : i32
    %c0_i32_0 = arith.constant 0 : i32
    return %arg0, %c0_i32 : i32, i32
  }
  func.func @transform_2(%arg0: i32) -> (i32, i32) {
    %c0_i32 = arith.constant 0 : i32
    %c0_i32_0 = arith.constant 0 : i32
    return %arg0, %c0_i32 : i32, i32
  }
  func.func @transform_3(%arg0: i32) -> i32 {
    %c0_i32 = arith.constant 0 : i32
    %c0_i32_0 = arith.constant 0 : i32
    return %c0_i32 : i32
  }
  func.func @transform_4(%arg0: i32) -> (i32, i32) {
    %c0_i32 = arith.constant 0 : i32
    %c0_i32_0 = arith.constant 0 : i32
    return %arg0, %c0_i32 : i32, i32
  }
}

module attributes {stable_mosaic.version = 14 : i64} {
  func.func @_pool_body(%arg0: i32, %arg1: memref<1x1x1024xi32, #tpu.memory_space<vmem>>, %arg2: memref<1024x384xf32, #tpu.memory_space<vmem>>, %arg3: memref<128x384xf32, #tpu.memory_space<vmem>>, %arg4: memref<128x384xf32, #tpu.memory_space<vmem>>, %arg5: memref<128x1xf32, #tpu.memory_space<vmem>>) attributes {dimension_semantics = [#tpu.dimension_semantics<arbitrary>], iteration_bounds = array<i64: 10>, scalar_prefetch = 0 : i64, scratch_operands = 2 : i64, tpu.core_type = #tpu.core_type<tc>, window_params = [{transform_indices = @transform_0, window_bounds = array<i64: 1, 1, 1024>}, {transform_indices = @transform_1, window_bounds = array<i64: 1024, 384>}, {pipeline_mode = #tpu.pipeline_mode<synchronous>, transform_indices = @transform_2, window_bounds = array<i64: 128, 384>}]} {
    %iota3A = tpu.iota {dimensions = array<i32: 0>} : vector<128x1024xi32>
    %get3A = arith.constant 0 : index
    %get3A_0 = arith.constant 0 : index
    %get3A_1 = arith.constant 0 : index
    %get3A_2 = vector.load %arg1[%get3A, %get3A_0, %get3A_1] : memref<1x1x1024xi32, #tpu.memory_space<vmem>>, vector<1x1x1024xi32>
    %get3A_3 = vector.shape_cast %get3A_2 : vector<1x1x1024xi32> to vector<1x1024xi32>
    %eq3A = vector.broadcast %get3A_3 : vector<1x1024xi32> to vector<128x1024xi32>
    %eq3A_4 = arith.cmpi eq, %iota3A, %eq3A : vector<128x1024xi32>
    %convert_element_type3A = arith.extui %eq3A_4 : vector<128x1024xi1> to vector<128x1024xi32>
    %convert_element_type3A_5 = arith.sitofp %convert_element_type3A : vector<128x1024xi32> to vector<128x1024xf32>
    %get3A_6 = arith.constant 0 : index
    %get3A_7 = arith.constant 0 : index
    %get3A_8 = vector.load %arg2[%get3A_6, %get3A_7] : memref<1024x384xf32, #tpu.memory_space<vmem>>, vector<1024x384xf32>
    %dot_general3A = arith.constant dense<0.000000e+00> : vector<128x384xf32>
    %dot_general3A_9 = tpu.matmul %convert_element_type3A_5, %get3A_8, %dot_general3A {dimension_numbers = #tpu.dot_dimension_numbers<[1], [0], [0], [1], [0, 0, 1, 1], [], []>, transpose_lhs_hint = false} : vector<128x1024xf32>, vector<1024x384xf32>, vector<128x384xf32> -> vector<128x384xf32>
    %reduce_sum3A = arith.constant dense<0.000000e+00> : vector<128xf32>
    %reduce_sum3A_10 = vector.multi_reduction <add>, %convert_element_type3A_5, %reduce_sum3A [1] : vector<128x1024xf32> to vector<128xf32>
    %broadcast_in_dim3A = vector.shape_cast %reduce_sum3A_10 : vector<128xf32> to vector<128x1xf32>
    %eq3A_11 = arith.constant 0 : i32
    %eq3A_12 = arith.cmpi eq, %arg0, %eq3A_11 : i32
    %convert_element_type3A_13 = arith.extui %eq3A_12 : i1 to i32
    %cond3A = arith.constant 0 : i32
    %cond3A_14 = arith.cmpi ne, %convert_element_type3A_13, %cond3A : i32
    scf.if %cond3A_14 {
      %swap3A = arith.constant 0 : index
      %swap3A_24 = arith.constant 0 : index
      %swap3A_25 = vector.load %arg4[%swap3A, %swap3A_24] : memref<128x384xf32, #tpu.memory_space<vmem>>, vector<128x384xf32>
      tpu.vector_store %arg4[%swap3A, %swap3A_24], %dot_general3A_9 {strides = array<i32>} : memref<128x384xf32, #tpu.memory_space<vmem>>, vector<128x384xf32>,
      %swap3A_26 = arith.constant 0 : index
      %swap3A_27 = arith.constant 0 : index
      %swap3A_28 = vector.load %arg5[%swap3A_26, %swap3A_27] : memref<128x1xf32, #tpu.memory_space<vmem>>, vector<128x1xf32>
      tpu.vector_store %arg5[%swap3A_26, %swap3A_27], %broadcast_in_dim3A {strides = array<i32>} : memref<128x1xf32, #tpu.memory_space<vmem>>, vector<128x1xf32>,
    } else {
    }
    %gt3A = arith.constant 0 : i32
    %gt3A_15 = arith.cmpi sgt, %arg0, %gt3A : i32
    %convert_element_type3A_16 = arith.extui %gt3A_15 : i1 to i32
    %cond3A_17 = arith.constant 0 : i32
    %cond3A_18 = arith.cmpi ne, %convert_element_type3A_16, %cond3A_17 : i32
    scf.if %cond3A_18 {
      %get3A_24 = arith.constant 0 : index
      %get3A_25 = arith.constant 0 : index
      %get3A_26 = vector.load %arg4[%get3A_24, %get3A_25] : memref<128x384xf32, #tpu.memory_space<vmem>>, vector<128x384xf32>
      %add3A = arith.addf %get3A_26, %dot_general3A_9 : vector<128x384xf32>
      %swap3A = arith.constant 0 : index
      %swap3A_27 = arith.constant 0 : index
      %swap3A_28 = vector.load %arg4[%swap3A, %swap3A_27] : memref<128x384xf32, #tpu.memory_space<vmem>>, vector<128x384xf32>
      tpu.vector_store %arg4[%swap3A, %swap3A_27], %add3A {strides = array<i32>} : memref<128x384xf32, #tpu.memory_space<vmem>>, vector<128x384xf32>,
      %get3A_29 = arith.constant 0 : index
      %get3A_30 = arith.constant 0 : index
      %get3A_31 = vector.load %arg5[%get3A_29, %get3A_30] : memref<128x1xf32, #tpu.memory_space<vmem>>, vector<128x1xf32>
      %add3A_32 = arith.addf %get3A_31, %broadcast_in_dim3A : vector<128x1xf32>
      %swap3A_33 = arith.constant 0 : index
      %swap3A_34 = arith.constant 0 : index
      %swap3A_35 = vector.load %arg5[%swap3A_33, %swap3A_34] : memref<128x1xf32, #tpu.memory_space<vmem>>, vector<128x1xf32>
      tpu.vector_store %arg5[%swap3A_33, %swap3A_34], %add3A_32 {strides = array<i32>} : memref<128x1xf32, #tpu.memory_space<vmem>>, vector<128x1xf32>,
    } else {
    }
    %eq3A_19 = arith.constant 9 : i32
    %eq3A_20 = arith.cmpi eq, %arg0, %eq3A_19 : i32
    %convert_element_type3A_21 = arith.extui %eq3A_20 : i1 to i32
    %cond3A_22 = arith.constant 0 : i32
    %cond3A_23 = arith.cmpi ne, %convert_element_type3A_21, %cond3A_22 : i32
    scf.if %cond3A_23 {
      %get3A_24 = arith.constant 0 : index
      %get3A_25 = arith.constant 0 : index
      %get3A_26 = vector.load %arg4[%get3A_24, %get3A_25] : memref<128x384xf32, #tpu.memory_space<vmem>>, vector<128x384xf32>
      %get3A_27 = arith.constant 0 : index
      %get3A_28 = arith.constant 0 : index
      %get3A_29 = vector.load %arg5[%get3A_27, %get3A_28] : memref<128x1xf32, #tpu.memory_space<vmem>>, vector<128x1xf32>
      %max3A = arith.constant 1.000000e+00 : f32
      %max3A_30 = vector.broadcast %max3A : f32 to vector<128x1xf32>
      %max3A_31 = arith.maximumf %get3A_29, %max3A_30 : vector<128x1xf32>
      %div3A = vector.broadcast %max3A_31 : vector<128x1xf32> to vector<128x384xf32>
      %div3A_32 = arith.divf %get3A_26, %div3A : vector<128x384xf32>
      %swap3A = arith.constant 0 : index
      %swap3A_33 = arith.constant 0 : index
      %swap3A_34 = vector.load %arg3[%swap3A, %swap3A_33] : memref<128x384xf32, #tpu.memory_space<vmem>>, vector<128x384xf32>
      tpu.vector_store %arg3[%swap3A, %swap3A_33], %div3A_32 {strides = array<i32>} : memref<128x384xf32, #tpu.memory_space<vmem>>, vector<128x384xf32>,
    } else {
    }
    return
  }
  func.func @transform_0(%arg0: i32) -> (i32, i32, i32) {
    %c0_i32 = arith.constant 0 : i32
    %c0_i32_0 = arith.constant 0 : i32
    %c0_i32_1 = arith.constant 0 : i32
    return %arg0, %c0_i32, %c0_i32_0 : i32, i32, i32
  }
  func.func @transform_1(%arg0: i32) -> (i32, i32) {
    %c0_i32 = arith.constant 0 : i32
    %c0_i32_0 = arith.constant 0 : i32
    return %arg0, %c0_i32 : i32, i32
  }
  func.func @transform_2(%arg0: i32) -> (i32, i32) {
    %c0_i32 = arith.constant 0 : i32
    %c0_i32_0 = arith.constant 0 : i32
    %c0_i32_1 = arith.constant 0 : i32
    return %c0_i32, %c0_i32_0 : i32, i32
  }
}

</mosaic_0001>

<sc_bundles>
// kernel: kernel.11.cloned.1.call-start
scs
__scs_entry_jumppad:
0x0: {  	(pc) =	sbr.rel $0x88, $3  }
0x1: {  	(tag) =	ssettag $0x0;
	lr =	simm.s32 $0x1  }
0x2: {  	[smem:$0x3F98] =	sst lr;
	_ =	strace $0xD0000000  }
0x3: {  	_ = 	snop  }
0x4: {  	_ = 	snop  }
0x5: {  	_ = 	snop  }
0x6: {  	_ = 	snop  }
0x7: {  	_ = 	snop  }
__scs_overlays_trampoline_lowered:
0x8: {  	[smem:$0x3FA7] =	sst s0  }
0x9: {  	[smem:$0x3FA8] =	sst s1  }
0xa: {  	[smem:$0x3FA9] =	sst s2  }
0xb: {  	[smem:$0x3FAA] =	sst s3  }
0xc: {  	[smem:$0x3FAB] =	sst s4  }
0xd: {  	[smem:$0x3FAC] =	sst s5  }
0xe: {  	[smem:$0x3FAD] =	sst s6  }
0xf: {  	[smem:$0x3FAE] =	sst s7  }
0x10: {  	[smem:$0x3FAF] =	sst s8  }
0x11: {  	[smem:$0x3FB0] =	sst s9;
	s0 =	simm.s32 @!p0 $0x0  }
0x12: {  	s1 =	sld [smem:$0x3F96];
	s0 =	simm.s32 @p0 $0x1  }
0x13: {  	[smem:$0x3FB1] =	sst s0;
	s0 =	simm.s32 @!p1 $0x0  }
0x14: {  	s2 =	sld [smem:$0x3F95];
	s0 =	simm.s32 @p1 $0x1  }
0x15: {  	[smem:$0x3FB2] =	sst s0;
	s0 =	simm.s32 @!p2 $0x0  }
0x16: {  	s3 =	sld [smem:$0x3FDB];
	s0 =	simm.s32 @p2 $0x1  }
0x17: {  	s4 =	simm.s32 $0x1BF5;
	[smem:$0x3FB4] =	sst s0  }
0x18: {  	s0 =	sld [smem:$0x3F97];
	_ =	swait.ge [sflag:s4], $0x0  }
0x19: {  	s7 =	sld [smem:$0x3F98]  }
0x1a: {  	s8 =	sadd.s32 $0xFFFFE003, lr  }
0x1b: {  	s9 =	sadd.s32 $0xFFFFFEF7, lr;
	s5 =	simm.s32 $0xFFFFFFFF;
	p2 =	slt.u32 s8, $0xFFFFF086  }
0x1c: {  	p1 =	slt.u32 s9, $0xF7A;
	s5 =	simm.s32 @!p2 $0x0  }
0x1d: {  	s5 =	simm.s32 @p1 $0x1;
	p0 =	seq.s32 s7, s2  }
0x1e: {  	s7 =	smul.u32 @!p0 $0xF7A, s2;
	p2 =	seq.s32 @!p0 s5, $0x0  }
0x1f: {  	s9 =	smul.u32 $0xF7A, s1;
	s8 =	simm.s32 @!p0 $0x1BF5;
	p2 =	por !p2, p0  }
0x20: {  	[sflag:s8] =	ssyncset.s32 @!p0 $0xFFFFF086;
	s6 =	sadd.s32 @!p0 s3, s7;
	s7 =	simm.s32 @!p0 $0x108  }
0x21: {  	s3 =	sadd.s32 s3, s9;
	s6 =	sadd.s32 @!p0 $0x88, s6;
	s7 =	simm.s32 @p2 $0x1082  }
0x22: {  	[simem:s7], [sflag:s8] =	dma.local @!p0 [hbm:s6], $0xF7A  }
0x23: {  	s9 =	sor.u32 $0xD0000000, s2;
	s6 =	simm.s32 $0x108;
	_ =	swait.ge @!p0 [sflag:s8], $0x0  }
0x24: {  	s3 =	sadd.s32 $0x88, s3;
	s6 =	simm.s32 @!p1 $0x1082;
	[sflag:s4] =	ssyncset.s32 $0xFFFFF086  }
0x25: {  	[simem:s6], [sflag:s4] =	dma.local [hbm:s3], $0xF7A  }
0x26: {  	[smem:$0x3F98] =	sst s1;
	(tag) =	ssettag s2;
	_ =	strace s9  }
0x27: {  	s1 =	sld [smem:$0x3FA8]  }
0x28: {  	s2 =	sld [smem:$0x3FA9]  }
0x29: {  	s4 =	sld [smem:$0x3FAB]  }
0x2a: {  	p0 =	seq.s32 s5, $0x0;
	s5 =	sld [smem:$0x3FAC]  }
0x2b: {  	s6 =	sld [smem:$0x3FAD]  }
0x2c: {  	s7 =	sld [smem:$0x3FAE]  }
0x2d: {  	s3 =	simm.s32 $0x108;
	s8 =	sld [smem:$0x3FAF]  }
0x2e: {  	s3 =	simm.s32 @!p0 $0x1082;
	s9 =	sld [smem:$0x3FB0]  }
0x2f: {  	lr =	sadd.s32 s0, s3;
	s0 =	sld [smem:$0x3FA7]  }
0x30: {  	s3 =	sld [smem:$0x3FAA]  }
0x31: {  	[smem:$0x3FB3] =	sst s10  }
0x32: {  	s10 =	sld [smem:$0x3FB1];
	_ =	sdelay $0x3  }
0x33: {  	p0 =	seq.s32 s10, $0x1;
	s10 =	sld [smem:$0x3FB3];
	_ =	sdelay $0x3  }
0x34: {  	[smem:$0x3FB3] =	sst s10  }
0x35: {  	s10 =	sld [smem:$0x3FB2];
	_ =	sdelay $0x3  }
0x36: {  	p1 =	seq.s32 s10, $0x1;
	s10 =	sld [smem:$0x3FB3];
	_ =	sdelay $0x3  }
0x37: {  	[smem:$0x3FB3] =	sst s10  }
0x38: {  	s10 =	sld [smem:$0x3FB4]  }
0x39: {  	_ = 	snop;
	(pc) =	sbr.ind lr, $3  }
0x3a: {  	_ = 	snop  }
0x3b: {  	_ = 	snop  }
0x3c: {  	p2 =	seq.s32 s10, $0x1;
	s10 =	sld [smem:$0x3FB3]  }
0x3d: {  	_ =	shalt  }
0x3e: {  	_ =	shalt  }
0x3f: {  	_ =	shalt  }
0x40: {  	_ =	shalt  }
0x41: {  	_ =	shalt  }
0x42: {  	_ =	shalt  }
0x43: {  	_ =	shalt  }
0x44: {  	_ =	shalt  }
0x45: {  	_ =	shalt  }
0x46: {  	_ =	shalt  }
0x47: {  	_ =	shalt  }
0x48: {  	_ =	shalt  }
0x49: {  	_ =	shalt  }
0x4a: {  	_ =	shalt  }
0x4b: {  	_ =	shalt  }
0x4c: {  	_ =	shalt  }
0x4d: {  	_ =	shalt  }
0x4e: {  	_ =	shalt  }
0x4f: {  	_ =	shalt  }
0x50: {  	_ =	shalt  }
0x51: {  	_ =	shalt  }
0x52: {  	_ =	shalt  }
0x53: {  	_ =	shalt  }
0x54: {  	_ =	shalt  }
0x55: {  	_ =	shalt  }
0x56: {  	_ =	shalt  }
0x57: {  	_ =	shalt  }
0x58: {  	_ =	shalt  }
0x59: {  	_ =	shalt  }
0x5a: {  	_ =	shalt  }
0x5b: {  	_ =	shalt  }
0x5c: {  	_ =	shalt  }
0x5d: {  	_ =	shalt  }
0x5e: {  	_ =	shalt  }
0x5f: {  	_ =	shalt  }
0x60: {  	_ =	shalt  }
0x61: {  	_ =	shalt  }
0x62: {  	_ =	shalt  }
0x63: {  	_ =	shalt  }
0x64: {  	_ =	shalt  }
0x65: {  	_ =	shalt  }
0x66: {  	_ =	shalt  }
0x67: {  	_ =	shalt  }
0x68: {  	_ =	shalt  }
0x69: {  	_ =	shalt  }
0x6a: {  	_ =	shalt  }
0x6b: {  	_ =	shalt  }
0x6c: {  	_ =	shalt  }
0x6d: {  	_ =	shalt  }
0x6e: {  	_ =	shalt  }
0x6f: {  	_ =	shalt  }
0x70: {  	_ =	shalt  }
0x71: {  	_ =	shalt  }
0x72: {  	_ =	shalt  }
0x73: {  	_ =	shalt  }
0x74: {  	_ =	shalt  }
0x75: {  	_ =	shalt  }
0x76: {  	_ =	shalt  }
0x77: {  	_ =	shalt  }
0x78: {  	_ =	shalt  }
0x79: {  	_ =	shalt  }
0x7a: {  	_ =	shalt  }
0x7b: {  	_ =	shalt  }
0x7c: {  	_ =	shalt  }
0x7d: {  	_ =	shalt  }
0x7e: {  	_ =	shalt  }
0x7f: {  	_ =	shalt  }
0x80: {  	_ =	shalt  }
0x81: {  	_ =	shalt  }
0x82: {  	_ =	shalt  }
0x83: {  	_ =	shalt  }
0x84: {  	_ =	shalt  }
0x85: {  	_ =	shalt  }
0x86: {  	_ =	shalt  }
0x87: {  	_ =	shalt  }
.Lfunc_end0:
.L_simem_size_0:
called_computation_lowered:
.L_overlay_start_0:
0x88: {  	s2 =	sld [smem:$0x3FD9]  }
0x89: {  	s3 =	sld [smem:$0x3FFE];
	_ =	sdelay $0x1  }
0x8a: {  	s1 =	srdreg.scid  }
0x8b: {  	s0 =	sand.u32 $0x1, s1  }
0x8c: {  	s14 =	sshll.u32 s0, $0xA;
	s2 =	sadd.s32 s3, s2  }
0x8d: {  	s2 =	sadd.s32 s2, s14  }
0x8e: {  	[smem:$0x3FBF] =	sst s2  }
0x8f: {  	_ = 	snop  }
0x90: {  	s2 =	sld [smem:$0x3FD0];
	_ =	sdelay $0x2  }
0x91: {  	s15 =	simm.s32 $0xA;
	s4 =	simm.s32 $0x10  }
0x92: {  	[smem:s4], [sflag:s15] =	dma.local [hbm:s2], $0x1  }
0x93: {  	_ =	swait.eq [sflag:s15], $0x1  }
0x94: {  	[sflag:s15] =	ssyncset.done $0x0  }
0x95: {  	[sflag:s15] =	ssyncadd.s32 $0xFFFFFFFF  }
0x96: {  	s16 =	sld [smem:$0x11];
	(tm) =	ssettm $0x1  }
0x97: {  	s17 =	sld [smem:$0x3FFB];
	_ =	sdelay $0x3  }
0x98: {  	_ =	strace s17  }
0x99: {  	s3 =	sld [smem:$0x3FFC];
	_ =	sdelay $0x3  }
0x9a: {  	_ =	strace s3  }
0x9b: {  	s3 =	sld [smem:$0x3FFD];
	_ =	sdelay $0x3  }
0x9c: {  	_ =	strace s3  }
0x9d: {  	_ =	strace $0x8FFFFFFF  }
0x9e: {  	s18 =	sld [smem:$0x3FDB];
	_ =	sdelay $0x1  }
0x9f: {  	s19 =	simm.s32 $_scs_section_size  }
0xa0: {  	s5 =	simm.s32 $_size__tile_overlayer_lowered;
	s6 =	simm.s32 $_tile_overlayer_lowered  }
0xa1: {  	s22 =	simm.s32 $0x1BFF;
	s21 =	sshll.u32 s6, $0x1;
	s3 =	sadd.s32 s19, s18  }
0xa2: {  	s7 =	simm.s32 $0x0;
	s20 =	sshll.u32 s5, $0x1;
	s5 =	sadd.s32 s21, s3  }
0xa3: {  	[timem:s7], [sflag:s22] =	dma.local [hbm:s5], s20  }
0xa4: {  	_ =	swait.ge [sflag:s22], s20  }
0xa5: {  	s4 =	ssub.s32 $0x0, s20;
	[sflag:s22] =	ssyncset.done $0x0  }
0xa6: {  	[sflag:s22] =	ssyncadd.s32 s4;
	_ =	sdelay $0x1  }
0xa7: {  	s23 =	simm.s32 $0x1B8B  }
0xa8: {  	_ =	swait.ge [sflag:s23], $0x1  }
0xa9: {  	[sflag:s23] =	ssyncset.done $0x0  }
0xaa: {  	s25 =	simm.s32 $0x1B8E;
	s24 =	sld [smem:$0x3FFE];
	[sflag:s23] =	ssyncadd.s32 $0xFFFFFFFF  }
0xab: {  	s26 =	simm.s32 $execute0_lowered;
	[smem:$0x3FD2] =	sst s25  }
0xac: {  	s5 =	sshll.u32 s26, $0x1;
	_ =	strace $0x80000046;
	[dreg:$0x1] =	wrdreg $0xFFFFFFFF  }
0xad: {  	s28 =	simm.s32 $_size_execute0_lowered;
	s3 =	sadd.s32 s3, s5;
	[dreg:$0x0] =	wrdreg $0x0  }
0xae: {  	s5 =	sshll.u32 s28, $0x1;
	[dreg:$0x2] =	wrdreg s3  }
0xaf: {  	[dreg:$0x3] =	wrdreg s5  }
0xb0: {  	[dreg:$0x4] =	wrdreg $0xC0  }
0xb1: {  	_ =	task [dreg:s7], $0x5FFFF  }
0xb2: {  	[dreg:$0x1] =	wrdreg $0xFFFFFFFF  }
0xb3: {  	[dreg:$0x0] =	wrdreg $0x60  }
0xb4: {  	[dreg:$0x2] =	wrdreg s24  }
0xb5: {  	[dreg:$0x3] =	wrdreg s16  }
0xb6: {  	[dreg:$0x4] =	wrdreg $0xA8000  }
0xb7: {  	[dreg:$0x5] =	wrdreg $0x9  }
0xb8: {  	_ =	task.clear_ibuf [dreg:s7], $0x6FFFF;
	_ =	strace $0x90000046  }
0xb9: {  	s29 =	simm.s32 $0x9;
	_ =	strace $0x80000048  }
0xba: {  	_ =	swait.ge [sflag:s29], $0x1  }
0xbb: {  	[sflag:s29] =	ssyncadd.s32 $0xFFFFFFFF  }
0xbc: {  	_ =	strace $0x90000048  }
0xbd: {  	_ =	sfence  }
0xbe: {  	s30 =	sld [smem:$0x0];
	_ =	sdelay $0x2  }
0xbf: {  	s31 =	sshll.u32 s1, $0xD;
	s1 =	sshrl.u32 s1, $0x2  }
0xc0: {  	s3 =	sand.u32 $0x4000, s31;
	s1 =	sadd.s32 s1, s30  }
0xc1: {  	s0 =	sor.u32 s3, s0;
	s1 =	sshll.u32 s1, $0x11  }
0xc2: {  	s0 =	sor.u32 s1, s0  }
0xc3: {  	s0 =	sadd.s32 $0x8F2B, s0  }
0xc4: {  	[sflag:s0] =	ssyncadd.remote.s32 $0x1  }
0xc5: {  	_ =	sfence.sel $0xFFFF  }
0xc6: {  	[dreg:$0x0] =	wrdreg $0xFFFFFFFF;
	(pc) =	sbr.abs _section_cstart, $3  }
0xc7: {  	[dreg:$0x1] =	wrdreg $0xFFFFFFFF  }
0xc8: {  	_ =	task.clear_ibuf [dreg:s7], $0x2FFFF;
	_ =	strace $0x9FFFFFFF  }
0xc9: {  	(tm) =	ssettm $0x7FFFFFFF  }
tec
execute0_lowered:
.L_overlay_start_1:
0x0: {  	(tag) =	ssettag $0x1  }
0x1: {  	s5 =	rddreg [dreg:$0x0]  }
0x2: {  	s10 =	rddreg [dreg:$0x1]  }
0x3: {  	s1 =	rddreg [dreg:$0x2]  }
0x4: {  	s2 =	srdreg.scid;
	s0 =	rddreg [dreg:$0x3]  }
0x5: {  	s3 =	simm.s32 $0x0;
	s4 =	sand.u32 $0x1, s2;
	s2 =	stileid.u32  }
0x6: {  	s14 =	simm.s32 $0x80;
	s15 =	simm.s32 $0x2800;
	s7 =	smul.u32 $0x50000, s2  }
0x7: {  	[smem:$0x7FF] =	sst s3;
	s6 =	sshll.u32 s4, $0x4;
	s9 =	smul.u32 $0x140000, s4  }
0x8: {  	_ =	strace $0x80000047;
	s8 =	ssub.s32 $0x2, s4;
	s12 =	smul.u32 $0x14000, s2  }
0x9: {  	s16 =	sshll.u32 s2, $0x6;
	s6 =	sor.u32 s2, s6;
	s11 =	sshrl.u32 s8, $0x1  }
0xa: {  	s16 =	sor.u32 $0x1C01, s16;
	s6 =	smul.u32 $0x500, s6;
	s7 =	sshrl.u32 s7, $0x2  }
0xb: {  	s11 =	ssub.s32 s8, s11;
	s12 =	sadd.s32 s12, s9;
	s4 =	sadd.s32 s7, s1  }
0xc: {  	s12 =	sshrl.u32 s12, $0x3;
	s11 =	smax.u32 s11, $0x1;
	s13 =	sadd.s32 s6, s5  }
0xd: {  	s5 =	sadd.s32 $0x4000, s4;
	s6 =	sadd.s32 $0x8000, s4;
	s7 =	sadd.s32 $0xC000, s4  }
0xe: {  	s8 =	sadd.s32 $0x10000, s4;
	s10 =	sadd.s32 s10, s12;
	s12 =	simm.s32 $0x6800  }
0xf: {  	v0 =	vimm.f32 $1.000000000e+00;
	v1 =	vimm.f32 $0.0e+00;
	s17 =	sshrl.u32 s4, $0x3;
	s9 =	sadd.s32 $0x3C00, s13;
	s13 =	simm.s32 $0x1  }
.LBB2_1:
0x10: {  	s18 =	simm.s32 $0x200;
	s19 =	simm.s32 $0x0  }
.LBB2_2:
0x11: {  	p0 =	sne.s32 s18, $0xFE00;
	[tilespmem:s19+$0x2800] =	vst v0;
	s20 =	smov.u32 s18;
	s18 =	sadd.s32 $0x200, s18  }
.Ltmp0:
0x12: {  	[tilespmem:s19+$0x6800] =	vst v1;
	(pc) =	sbr.rel @p0 .LBB2_2-.Ltmp0, $2  }
0x13: {  	_ =	sdelay $0x2  }
0x14: {  	s19 =	sshra.s32 s20, $0x2  }
0x15: {  	[tilespmem:s19+$0x2800] =	vst v0  }
0x16: {  	[tilespmem:s19+$0x6800] =	vst v1  }
0x17: {  	[spmem:s4] =	stream.linear.scatter [tilespmem:s12], [sflag:$0x1], $0x4000, $0x38;
	[tilespmem:$0xD000] =	vst v63  }
0x18: {  	_ =	swait.ge [sflag:s13], $0x4000  }
0x19: {  	[sflag:s13] =	ssyncset.done $0x0  }
0x1a: {  	[sflag:s13] =	ssyncadd.s32 $0xFFFFC000  }
0x1b: {  	[spmem:s5] =	stream.linear.scatter [tilespmem:s12], [sflag:$0x1], $0x4000, $0x38;
	[tilespmem:$0xD000] =	vst v63  }
0x1c: {  	_ =	swait.ge [sflag:s13], $0x4000  }
0x1d: {  	[sflag:s13] =	ssyncset.done $0x0  }
0x1e: {  	[sflag:s13] =	ssyncadd.s32 $0xFFFFC000  }
0x1f: {  	[spmem:s6] =	stream.linear.scatter [tilespmem:s12], [sflag:$0x1], $0x4000, $0x38;
	[tilespmem:$0xD000] =	vst v63  }
0x20: {  	_ =	swait.ge [sflag:s13], $0x4000  }
0x21: {  	[sflag:s13] =	ssyncset.done $0x0  }
0x22: {  	[sflag:s13] =	ssyncadd.s32 $0xFFFFC000  }
0x23: {  	[spmem:s7] =	stream.linear.scatter [tilespmem:s12], [sflag:$0x1], $0x4000, $0x38;
	[tilespmem:$0xD000] =	vst v63  }
0x24: {  	_ =	swait.ge [sflag:s13], $0x4000  }
0x25: {  	[sflag:s13] =	ssyncset.done $0x0  }
0x26: {  	[sflag:s13] =	ssyncadd.s32 $0xFFFFC000  }
0x27: {  	[spmem:s8] =	stream.linear.scatter [tilespmem:s12], [sflag:$0x1], $0x4000, $0x38;
	[tilespmem:$0xD000] =	vst v63  }
0x28: {  	_ =	swait.ge [sflag:s13], $0x4000  }
0x29: {  	[sflag:s13] =	ssyncset.done $0x0  }
0x2a: {  	s18 =	simm.s32 $0x0;
	[sflag:s13] =	ssyncadd.s32 $0xFFFFC000  }
0x2b: {  	[tilespmem:s18], [sflag:$0x1] =	stream.linear.gather [hbm4b:s9+s18], $0x2800, $0x38;
	[tilespmem:$0xD000] =	vst v63  }
0x2c: {  	_ =	swait.ge [sflag:s13], $0x2800  }
0x2d: {  	[sflag:s13] =	ssyncset.done $0x0  }
0x2e: {  	[sflag:s13] =	ssyncadd.s32 $0xFFFFD800  }
0x2f: {  	s31 =	simm.s32 $0x0;
	[bflag:$0x0] =	sbarrier.arrive $0xFFFF  }
0x30: {  	[spmem:s1] =	stream.indirect.scatter.add.f32 [tilespmem:s15], [sflag:$0x1], $0x10, s31, s14, $0xb8;
	[tilespmem:$0xD000] =	vst v63  }
0x31: {  	_ =	swait.ge [sflag:s13], $0x800  }
0x32: {  	s18 =	simm.s32 $0x200;
	[sflag:s13] =	ssyncset.done $0x0  }
.LBB2_4:
0x33: {  	s19 =	sshra.s32 s18, $0x2;
	[sflag:s13] =	ssyncadd.s32 $0xFFFFF800;
	p0 =	sne.s32 s18, $0x9E00  }
0x34: {  	[spmem:s1] =	stream.indirect.scatter.add.f32 [tilespmem:s15], [sflag:$0x1], $0x10, s19, s14, $0xb8;
	[tilespmem:$0xD000] =	vst v63  }
.Ltmp1:
0x35: {  	_ = 	snop;
	(pc) =	sbr.rel @p0 .LBB2_4-.Ltmp1, $4  }
0x36: {  	_ = 	snop  }
0x37: {  	s18 =	sadd.s32 $0x200, s18  }
0x38: {  	_ =	swait.ge [sflag:s13], $0x800  }
0x39: {  	[sflag:s13] =	ssyncset.done $0x0  }
0x3a: {  	s3 =	sadd.s32 $0x1, s3  }
0x3b: {  	[sflag:s13] =	ssyncadd.s32 $0xFFFFF800;
	p0 =	sne.s32 s3, s11  }
.Ltmp2:
0x3c: {  	[bflag:$0x0] =	sbarrier.arrive $0xFFFF;
	(pc) =	sbr.rel @p0 .LBB2_1-.Ltmp2, $4  }
0x3d: {  	[hbm:s10], [sflag:s16] =	dma.local [spmem:s17], $0x2800  }
0x3e: {  	_ =	swait.ge [sflag:s13], $0x2800  }
0x3f: {  	[sflag:s13] =	ssyncset.done $0x0  }
0x40: {  	[sflag:s13] =	ssyncadd.s32 $0xFFFFD800  }
0x41: {  	_ =	sfence.sel $0x180000  }
0x42: {  	[bflag:$0x0] =	sbarrier.arrive $0xFFFF  }
0x43: {  	p0 =	sne.s32 s2, $0x0;
	_ =	strace $0x90000047  }
0x44: {  	s0 =	sadd.s32 @!p0 $0x100000, s0;
	[bflag:$0x2] =	sbarrier.arrive $0xFFFF  }
0x45: {  	[sflag:s0] =	ssyncadd.tile.s32 @!p0 $0x1;
	_ =	shalt  }
.Lfunc_end2:
_tile_overlayer_lowered:
.L_overlay_start_2:
0x46: {  	(tag) =	ssettag $0x2  }
0x47: {  	s0 =	rddreg [dreg:$0x0];
	s2 =	stileid.u32  }
0x48: {  	s1 =	rddreg [dreg:$0x1];
	p0 =	sne.s32 s2, $0x0  }
0x49: {  	s3 =	rddreg [dreg:$0x2];
	[bflag:$0x3] =	sbarrier.arrive $0xFFFF;
	s2 =	simm.s32 @!p0 $0x1C01  }
0x4a: {  	[timem:s3], [sflag:s2] =	dma.local @!p0 [hbm:s0], s1  }
0x4b: {  	s0 =	simm.s32 @!p0 $0x1  }
0x4c: {  	_ =	swait.ge @!p0 [sflag:s0], s1  }
0x4d: {  	s1 =	ssub.s32 @!p0 $0x0, s1;
	[sflag:s0] =	ssyncset.done @!p0 $0x0  }
0x4e: {  	[sflag:s0] =	ssyncadd.s32 @!p0 s1  }
0x4f: {  	[bflag:$0x3] =	sbarrier.arrive $0xFFFF  }
0x50: {  	_ =	shalt  }

// kernel: kernel.14.cloned.1.call-start
scs
__scs_entry_jumppad:
0x0: {  	(pc) =	sbr.rel $0x88, $3  }
0x1: {  	(tag) =	ssettag $0x0;
	lr =	simm.s32 $0x1  }
0x2: {  	[smem:$0x3F98] =	sst lr;
	_ =	strace $0xD0000000  }
0x3: {  	_ = 	snop  }
0x4: {  	_ = 	snop  }
0x5: {  	_ = 	snop  }
0x6: {  	_ = 	snop  }
0x7: {  	_ = 	snop  }
__scs_overlays_trampoline_lowered:
0x8: {  	[smem:$0x3FA7] =	sst s0  }
0x9: {  	[smem:$0x3FA8] =	sst s1  }
0xa: {  	[smem:$0x3FA9] =	sst s2  }
0xb: {  	[smem:$0x3FAA] =	sst s3  }
0xc: {  	[smem:$0x3FAB] =	sst s4  }
0xd: {  	[smem:$0x3FAC] =	sst s5  }
0xe: {  	[smem:$0x3FAD] =	sst s6  }
0xf: {  	[smem:$0x3FAE] =	sst s7  }
0x10: {  	[smem:$0x3FAF] =	sst s8  }
0x11: {  	[smem:$0x3FB0] =	sst s9;
	s0 =	simm.s32 @!p0 $0x0  }
0x12: {  	s1 =	sld [smem:$0x3F96];
	s0 =	simm.s32 @p0 $0x1  }
0x13: {  	[smem:$0x3FB1] =	sst s0;
	s0 =	simm.s32 @!p1 $0x0  }
0x14: {  	s2 =	sld [smem:$0x3F95];
	s0 =	simm.s32 @p1 $0x1  }
0x15: {  	[smem:$0x3FB2] =	sst s0;
	s0 =	simm.s32 @!p2 $0x0  }
0x16: {  	s3 =	sld [smem:$0x3FDB];
	s0 =	simm.s32 @p2 $0x1  }
0x17: {  	s4 =	simm.s32 $0x1BF5;
	[smem:$0x3FB4] =	sst s0  }
0x18: {  	s0 =	sld [smem:$0x3F97];
	_ =	swait.ge [sflag:s4], $0x0  }
0x19: {  	s7 =	sld [smem:$0x3F98]  }
0x1a: {  	s8 =	sadd.s32 $0xFFFFE003, lr  }
0x1b: {  	s9 =	sadd.s32 $0xFFFFFEF7, lr;
	s5 =	simm.s32 $0xFFFFFFFF;
	p2 =	slt.u32 s8, $0xFFFFF086  }
0x1c: {  	p1 =	slt.u32 s9, $0xF7A;
	s5 =	simm.s32 @!p2 $0x0  }
0x1d: {  	s5 =	simm.s32 @p1 $0x1;
	p0 =	seq.s32 s7, s2  }
0x1e: {  	s7 =	smul.u32 @!p0 $0xF7A, s2;
	p2 =	seq.s32 @!p0 s5, $0x0  }
0x1f: {  	s9 =	smul.u32 $0xF7A, s1;
	s8 =	simm.s32 @!p0 $0x1BF5;
	p2 =	por !p2, p0  }
0x20: {  	[sflag:s8] =	ssyncset.s32 @!p0 $0xFFFFF086;
	s6 =	sadd.s32 @!p0 s3, s7;
	s7 =	simm.s32 @!p0 $0x108  }
0x21: {  	s3 =	sadd.s32 s3, s9;
	s6 =	sadd.s32 @!p0 $0x88, s6;
	s7 =	simm.s32 @p2 $0x1082  }
0x22: {  	[simem:s7], [sflag:s8] =	dma.local @!p0 [hbm:s6], $0xF7A  }
0x23: {  	s9 =	sor.u32 $0xD0000000, s2;
	s6 =	simm.s32 $0x108;
	_ =	swait.ge @!p0 [sflag:s8], $0x0  }
0x24: {  	s3 =	sadd.s32 $0x88, s3;
	s6 =	simm.s32 @!p1 $0x1082;
	[sflag:s4] =	ssyncset.s32 $0xFFFFF086  }
0x25: {  	[simem:s6], [sflag:s4] =	dma.local [hbm:s3], $0xF7A  }
0x26: {  	[smem:$0x3F98] =	sst s1;
	(tag) =	ssettag s2;
	_ =	strace s9  }
0x27: {  	s1 =	sld [smem:$0x3FA8]  }
0x28: {  	s2 =	sld [smem:$0x3FA9]  }
0x29: {  	s4 =	sld [smem:$0x3FAB]  }
0x2a: {  	p0 =	seq.s32 s5, $0x0;
	s5 =	sld [smem:$0x3FAC]  }
0x2b: {  	s6 =	sld [smem:$0x3FAD]  }
0x2c: {  	s7 =	sld [smem:$0x3FAE]  }
0x2d: {  	s3 =	simm.s32 $0x108;
	s8 =	sld [smem:$0x3FAF]  }
0x2e: {  	s3 =	simm.s32 @!p0 $0x1082;
	s9 =	sld [smem:$0x3FB0]  }
0x2f: {  	lr =	sadd.s32 s0, s3;
	s0 =	sld [smem:$0x3FA7]  }
0x30: {  	s3 =	sld [smem:$0x3FAA]  }
0x31: {  	[smem:$0x3FB3] =	sst s10  }
0x32: {  	s10 =	sld [smem:$0x3FB1];
	_ =	sdelay $0x3  }
0x33: {  	p0 =	seq.s32 s10, $0x1;
	s10 =	sld [smem:$0x3FB3];
	_ =	sdelay $0x3  }
0x34: {  	[smem:$0x3FB3] =	sst s10  }
0x35: {  	s10 =	sld [smem:$0x3FB2];
	_ =	sdelay $0x3  }
0x36: {  	p1 =	seq.s32 s10, $0x1;
	s10 =	sld [smem:$0x3FB3];
	_ =	sdelay $0x3  }
0x37: {  	[smem:$0x3FB3] =	sst s10  }
0x38: {  	s10 =	sld [smem:$0x3FB4]  }
0x39: {  	_ = 	snop;
	(pc) =	sbr.ind lr, $3  }
0x3a: {  	_ = 	snop  }
0x3b: {  	_ = 	snop  }
0x3c: {  	p2 =	seq.s32 s10, $0x1;
	s10 =	sld [smem:$0x3FB3]  }
0x3d: {  	_ =	shalt  }
0x3e: {  	_ =	shalt  }
0x3f: {  	_ =	shalt  }
0x40: {  	_ =	shalt  }
0x41: {  	_ =	shalt  }
0x42: {  	_ =	shalt  }
0x43: {  	_ =	shalt  }
0x44: {  	_ =	shalt  }
0x45: {  	_ =	shalt  }
0x46: {  	_ =	shalt  }
0x47: {  	_ =	shalt  }
0x48: {  	_ =	shalt  }
0x49: {  	_ =	shalt  }
0x4a: {  	_ =	shalt  }
0x4b: {  	_ =	shalt  }
0x4c: {  	_ =	shalt  }
0x4d: {  	_ =	shalt  }
0x4e: {  	_ =	shalt  }
0x4f: {  	_ =	shalt  }
0x50: {  	_ =	shalt  }
0x51: {  	_ =	shalt  }
0x52: {  	_ =	shalt  }
0x53: {  	_ =	shalt  }
0x54: {  	_ =	shalt  }
0x55: {  	_ =	shalt  }
0x56: {  	_ =	shalt  }
0x57: {  	_ =	shalt  }
0x58: {  	_ =	shalt  }
0x59: {  	_ =	shalt  }
0x5a: {  	_ =	shalt  }
0x5b: {  	_ =	shalt  }
0x5c: {  	_ =	shalt  }
0x5d: {  	_ =	shalt  }
0x5e: {  	_ =	shalt  }
0x5f: {  	_ =	shalt  }
0x60: {  	_ =	shalt  }
0x61: {  	_ =	shalt  }
0x62: {  	_ =	shalt  }
0x63: {  	_ =	shalt  }
0x64: {  	_ =	shalt  }
0x65: {  	_ =	shalt  }
0x66: {  	_ =	shalt  }
0x67: {  	_ =	shalt  }
0x68: {  	_ =	shalt  }
0x69: {  	_ =	shalt  }
0x6a: {  	_ =	shalt  }
0x6b: {  	_ =	shalt  }
0x6c: {  	_ =	shalt  }
0x6d: {  	_ =	shalt  }
0x6e: {  	_ =	shalt  }
0x6f: {  	_ =	shalt  }
0x70: {  	_ =	shalt  }
0x71: {  	_ =	shalt  }
0x72: {  	_ =	shalt  }
0x73: {  	_ =	shalt  }
0x74: {  	_ =	shalt  }
0x75: {  	_ =	shalt  }
0x76: {  	_ =	shalt  }
0x77: {  	_ =	shalt  }
0x78: {  	_ =	shalt  }
0x79: {  	_ =	shalt  }
0x7a: {  	_ =	shalt  }
0x7b: {  	_ =	shalt  }
0x7c: {  	_ =	shalt  }
0x7d: {  	_ =	shalt  }
0x7e: {  	_ =	shalt  }
0x7f: {  	_ =	shalt  }
0x80: {  	_ =	shalt  }
0x81: {  	_ =	shalt  }
0x82: {  	_ =	shalt  }
0x83: {  	_ =	shalt  }
0x84: {  	_ =	shalt  }
0x85: {  	_ =	shalt  }
0x86: {  	_ =	shalt  }
0x87: {  	_ =	shalt  }
.Lfunc_end0:
.L_simem_size_0:
called_computation.1_lowered:
.L_overlay_start_0:
0x88: {  	s2 =	sld [smem:$0x3FD9]  }
0x89: {  	s3 =	sld [smem:$0x3FFE];
	_ =	sdelay $0x1  }
0x8a: {  	s1 =	srdreg.scid  }
0x8b: {  	s0 =	sand.u32 $0x1, s1  }
0x8c: {  	s14 =	sshll.u32 s0, $0xA;
	s2 =	sadd.s32 s3, s2  }
0x8d: {  	s2 =	sadd.s32 s2, s14  }
0x8e: {  	[smem:$0x3FBF] =	sst s2  }
0x8f: {  	_ = 	snop  }
0x90: {  	s2 =	sld [smem:$0x3FD0];
	_ =	sdelay $0x2  }
0x91: {  	s15 =	simm.s32 $0xA;
	s4 =	simm.s32 $0x10  }
0x92: {  	[smem:s4], [sflag:s15] =	dma.local [hbm:s2], $0x1  }
0x93: {  	_ =	swait.eq [sflag:s15], $0x1  }
0x94: {  	[sflag:s15] =	ssyncset.done $0x0  }
0x95: {  	[sflag:s15] =	ssyncadd.s32 $0xFFFFFFFF  }
0x96: {  	s16 =	sld [smem:$0x11];
	(tm) =	ssettm $0x1  }
0x97: {  	s17 =	sld [smem:$0x3FFB];
	_ =	sdelay $0x3  }
0x98: {  	_ =	strace s17  }
0x99: {  	s3 =	sld [smem:$0x3FFC];
	_ =	sdelay $0x3  }
0x9a: {  	_ =	strace s3  }
0x9b: {  	s3 =	sld [smem:$0x3FFD];
	_ =	sdelay $0x3  }
0x9c: {  	_ =	strace s3  }
0x9d: {  	_ =	strace $0x8FFFFFFF  }
0x9e: {  	s18 =	sld [smem:$0x3FDB];
	_ =	sdelay $0x1  }
0x9f: {  	s19 =	simm.s32 $_scs_section_size  }
0xa0: {  	s5 =	simm.s32 $_size__tile_overlayer_lowered;
	s6 =	simm.s32 $_tile_overlayer_lowered  }
0xa1: {  	s22 =	simm.s32 $0x1BFF;
	s21 =	sshll.u32 s6, $0x1;
	s3 =	sadd.s32 s19, s18  }
0xa2: {  	s7 =	simm.s32 $0x0;
	s20 =	sshll.u32 s5, $0x1;
	s5 =	sadd.s32 s21, s3  }
0xa3: {  	[timem:s7], [sflag:s22] =	dma.local [hbm:s5], s20  }
0xa4: {  	_ =	swait.ge [sflag:s22], s20  }
0xa5: {  	s4 =	ssub.s32 $0x0, s20;
	[sflag:s22] =	ssyncset.done $0x0  }
0xa6: {  	[sflag:s22] =	ssyncadd.s32 s4;
	_ =	sdelay $0x1  }
0xa7: {  	s23 =	simm.s32 $0x1B8B  }
0xa8: {  	_ =	swait.ge [sflag:s23], $0x1  }
0xa9: {  	[sflag:s23] =	ssyncset.done $0x0  }
0xaa: {  	s25 =	simm.s32 $0x1B8E;
	s24 =	sld [smem:$0x3FFE];
	[sflag:s23] =	ssyncadd.s32 $0xFFFFFFFF  }
0xab: {  	s26 =	simm.s32 $execute0_lowered;
	[smem:$0x3FD2] =	sst s25  }
0xac: {  	s5 =	sshll.u32 s26, $0x1;
	_ =	strace $0x80000049;
	[dreg:$0x1] =	wrdreg $0xFFFFFFFF  }
0xad: {  	s28 =	simm.s32 $_size_execute0_lowered;
	s3 =	sadd.s32 s3, s5;
	[dreg:$0x0] =	wrdreg $0x0  }
0xae: {  	s5 =	sshll.u32 s28, $0x1;
	[dreg:$0x2] =	wrdreg s3  }
0xaf: {  	[dreg:$0x3] =	wrdreg s5  }
0xb0: {  	[dreg:$0x4] =	wrdreg $0xC0  }
0xb1: {  	_ =	task [dreg:s7], $0x5FFFF  }
0xb2: {  	[dreg:$0x1] =	wrdreg $0xFFFFFFFF  }
0xb3: {  	[dreg:$0x0] =	wrdreg $0x60  }
0xb4: {  	[dreg:$0x2] =	wrdreg s24  }
0xb5: {  	[dreg:$0x3] =	wrdreg s16  }
0xb6: {  	[dreg:$0x4] =	wrdreg $0x90000  }
0xb7: {  	[dreg:$0x5] =	wrdreg $0x9  }
0xb8: {  	_ =	task.clear_ibuf [dreg:s7], $0x6FFFF;
	_ =	strace $0x90000049  }
0xb9: {  	s29 =	simm.s32 $0x9;
	_ =	strace $0x8000004B  }
0xba: {  	_ =	swait.ge [sflag:s29], $0x1  }
0xbb: {  	[sflag:s29] =	ssyncadd.s32 $0xFFFFFFFF  }
0xbc: {  	_ =	strace $0x9000004B  }
0xbd: {  	_ =	sfence  }
0xbe: {  	s30 =	sld [smem:$0x0];
	_ =	sdelay $0x2  }
0xbf: {  	s31 =	sshll.u32 s1, $0xD;
	s1 =	sshrl.u32 s1, $0x2  }
0xc0: {  	s3 =	sand.u32 $0x4000, s31;
	s1 =	sadd.s32 s1, s30  }
0xc1: {  	s0 =	sor.u32 s3, s0;
	s1 =	sshll.u32 s1, $0x11  }
0xc2: {  	s0 =	sor.u32 s1, s0  }
0xc3: {  	s0 =	sadd.s32 $0x8F2B, s0  }
0xc4: {  	[sflag:s0] =	ssyncadd.remote.s32 $0x1  }
0xc5: {  	_ =	sfence.sel $0xFFFF  }
0xc6: {  	[dreg:$0x0] =	wrdreg $0xFFFFFFFF;
	(pc) =	sbr.abs _section_cstart, $3  }
0xc7: {  	[dreg:$0x1] =	wrdreg $0xFFFFFFFF  }
0xc8: {  	_ =	task.clear_ibuf [dreg:s7], $0x2FFFF;
	_ =	strace $0x9FFFFFFF  }
0xc9: {  	(tm) =	ssettm $0x7FFFFFFF  }
tec
execute0_lowered:
.L_overlay_start_1:
0x0: {  	(tag) =	ssettag $0x1  }
0x1: {  	s5 =	rddreg [dreg:$0x0]  }
0x2: {  	s0 =	srdreg.scid;
	s12 =	rddreg [dreg:$0x1]  }
0x3: {  	s2 =	rddreg [dreg:$0x2];
	s1 =	stileid.u32  }
0x4: {  	s3 =	simm.s32 $0x0;
	s16 =	simm.s32 $0x2800;
	s17 =	simm.s32 $0x80  }
0x5: {  	s6 =	sand.u32 $0x1, s0;
	s0 =	rddreg [dreg:$0x3];
	s8 =	smul.u32 $0x50000, s1  }
0x6: {  	s18 =	simm.s32 $0x1;
	[smem:$0x7FF] =	sst s3;
	s11 =	smul.u32 $0x14000, s1  }
0x7: {  	s19 =	sshll.u32 s1, $0x6;
	s4 =	sshll.u32 s6, $0x4;
	_ =	strace $0x8000004A  }
0x8: {  	s9 =	ssub.s32 $0x2, s6;
	s10 =	smul.u32 $0x140000, s6;
	s4 =	sor.u32 s1, s4  }
0x9: {  	s19 =	sor.u32 $0x1C02, s19;
	s31 =	sshrl.u32 s9, $0x1;
	s7 =	smul.u32 $0x500, s4  }
0xa: {  	s8 =	sshrl.u32 s8, $0x2;
	s4 =	sadd.s32 $0x17C00, s5;
	s10 =	sadd.s32 s11, s10  }
0xb: {  	s14 =	ssub.s32 s9, s31;
	s15 =	sshrl.u32 s10, $0x3;
	s13 =	sadd.s32 s7, s5  }
0xc: {  	s5 =	sadd.s32 s8, s2;
	s12 =	sadd.s32 s12, s15;
	s15 =	simm.s32 $0x2  }
0xd: {  	s6 =	sadd.s32 $0x4000, s5;
	s7 =	sadd.s32 $0x8000, s5;
	s8 =	sadd.s32 $0xC000, s5  }
0xe: {  	s9 =	sadd.s32 $0x10000, s5;
	s10 =	sadd.s32 $0xDC00, s13;
	s11 =	sadd.s32 $0x3C00, s13  }
0xf: {  	v0 =	vimm.f32 $0.0e+00;
	s13 =	smax.u32 s14, $0x1;
	s14 =	simm.s32 $0x5000;
	s20 =	sshrl.u32 s5, $0x3  }
.LBB2_1:
0x10: {  	s21 =	simm.s32 $0x0;
	s22 =	simm.s32 $0x200  }
.LBB2_2:
0x11: {  	p0 =	sne.s32 s22, $0xFE00;
	[tilespmem:s21+$0x5070] =	vst v0  }
0x12: {  	[tilespmem:s21+$0x5000] =	vst v0  }
0x13: {  	[tilespmem:s21+$0x5010] =	vst v0  }
.Ltmp0:
0x14: {  	[tilespmem:s21+$0x5020] =	vst v0;
	(pc) =	sbr.rel @p0 .LBB2_2-.Ltmp0, $4  }
0x15: {  	[tilespmem:s21+$0x5030] =	vst v0  }
0x16: {  	[tilespmem:s21+$0x5040] =	vst v0  }
0x17: {  	[tilespmem:s21+$0x5050] =	vst v0  }
0x18: {  	[tilespmem:s21+$0x5060] =	vst v0;
	s21 =	sshra.s32 s22, $0x2;
	s22 =	sadd.s32 $0x200, s22  }
0x19: {  	[tilespmem:s21+$0x5070] =	vst v0  }
0x1a: {  	[tilespmem:s21+$0x5000] =	vst v0  }
0x1b: {  	[tilespmem:s21+$0x5010] =	vst v0  }
0x1c: {  	[tilespmem:s21+$0x5020] =	vst v0  }
0x1d: {  	[tilespmem:s21+$0x5030] =	vst v0  }
0x1e: {  	[tilespmem:s21+$0x5040] =	vst v0  }
0x1f: {  	[tilespmem:s21+$0x5050] =	vst v0  }
0x20: {  	[tilespmem:s21+$0x5060] =	vst v0  }
0x21: {  	[spmem:s5] =	stream.linear.scatter [tilespmem:s14], [sflag:$0x2], $0x4000, $0x38;
	[tilespmem:$0x1D000] =	vst v63  }
0x22: {  	_ =	swait.ge [sflag:s15], $0x4000  }
0x23: {  	[sflag:s15] =	ssyncset.done $0x0  }
0x24: {  	[sflag:s15] =	ssyncadd.s32 $0xFFFFC000  }
0x25: {  	[spmem:s6] =	stream.linear.scatter [tilespmem:s14], [sflag:$0x2], $0x4000, $0x38;
	[tilespmem:$0x1D000] =	vst v63  }
0x26: {  	_ =	swait.ge [sflag:s15], $0x4000  }
0x27: {  	[sflag:s15] =	ssyncset.done $0x0  }
0x28: {  	[sflag:s15] =	ssyncadd.s32 $0xFFFFC000  }
0x29: {  	[spmem:s7] =	stream.linear.scatter [tilespmem:s14], [sflag:$0x2], $0x4000, $0x38;
	[tilespmem:$0x1D000] =	vst v63  }
0x2a: {  	_ =	swait.ge [sflag:s15], $0x4000  }
0x2b: {  	[sflag:s15] =	ssyncset.done $0x0  }
0x2c: {  	[sflag:s15] =	ssyncadd.s32 $0xFFFFC000  }
0x2d: {  	[spmem:s8] =	stream.linear.scatter [tilespmem:s14], [sflag:$0x2], $0x4000, $0x38;
	[tilespmem:$0x1D000] =	vst v63  }
0x2e: {  	_ =	swait.ge [sflag:s15], $0x4000  }
0x2f: {  	[sflag:s15] =	ssyncset.done $0x0  }
0x30: {  	[sflag:s15] =	ssyncadd.s32 $0xFFFFC000  }
0x31: {  	[spmem:s9] =	stream.linear.scatter [tilespmem:s14], [sflag:$0x2], $0x4000, $0x38;
	[tilespmem:$0x1D000] =	vst v63  }
0x32: {  	_ =	swait.ge [sflag:s15], $0x4000  }
0x33: {  	[sflag:s15] =	ssyncset.done $0x0  }
0x34: {  	s29 =	simm.s32 $0x0;
	[sflag:s15] =	ssyncadd.s32 $0xFFFFC000  }
0x35: {  	[tilespmem:s29], [sflag:$0x2] =	stream.linear.gather [hbm4b:s10+s29], $0x2800, $0x38;
	[tilespmem:$0x1D000] =	vst v63  }
0x36: {  	_ =	swait.ge [sflag:s15], $0x2800  }
0x37: {  	[sflag:s15] =	ssyncset.done $0x0  }
0x38: {  	[sflag:s15] =	ssyncadd.s32 $0xFFFFD800  }
0x39: {  	[tilespmem:s16], [sflag:$0x2] =	stream.linear.gather [hbm4b:s11+s29], $0x2800, $0x38;
	[tilespmem:$0x1D000] =	vst v63  }
0x3a: {  	_ =	swait.ge [sflag:s15], $0x2800  }
0x3b: {  	[sflag:s15] =	ssyncset.done $0x0  }
0x3c: {  	[sflag:s15] =	ssyncadd.s32 $0xFFFFD800  }
0x3d: {  	s30 =	simm.s32 $0x0;
	[bflag:$0x0] =	sbarrier.arrive $0xFFFF  }
0x3e: {  	[tilespmem:s14], [sflag:$0x1] =	stream.indirect.gather [hbm4b:s4+s17], $0x80, s30, s17, $0xb8;
	[tilespmem:$0x1D000] =	vst v63  }
0x3f: {  	_ =	swait.ge [sflag:s18], $0x4000  }
0x40: {  	[sflag:s18] =	ssyncset.done $0x0  }
0x41: {  	s31 =	simm.s32 $0x2800;
	[sflag:s18] =	ssyncadd.s32 $0xFFFFC000  }
0x42: {  	[spmem:s2] =	stream.indirect.scatter.add.f32 [tilespmem:s14], [sflag:$0x2], $0x80, s31, s17, $0xb8;
	[tilespmem:$0x1D000] =	vst v63  }
0x43: {  	_ =	swait.ge [sflag:s15], $0x4000  }
0x44: {  	s21 =	simm.s32 $0x200;
	s22 =	simm.s32 $0x400;
	[sflag:s15] =	ssyncset.done $0x0  }
.LBB2_4:
0x45: {  	s23 =	sshra.s32 s21, $0x2  }
0x46: {  	[sflag:s15] =	ssyncadd.s32 $0xFFFFC000;
	s21 =	smov.u32 s22;
	s24 =	sadd.s32 $0x200, s22  }
0x47: {  	[tilespmem:s14], [sflag:$0x1] =	stream.indirect.gather [hbm4b:s4+s17], $0x80, s23, s17, $0xb8;
	[tilespmem:$0x1D000] =	vst v63  }
0x48: {  	p0 =	sne.s32 s22, $0x9E00;
	_ =	swait.ge [sflag:s18], $0x4000  }
.Ltmp1:
0x49: {  	[sflag:s18] =	ssyncset.done $0x0;
	(pc) =	sbr.rel @p0 .LBB2_4-.Ltmp1, $4  }
0x4a: {  	s22 =	sadd.s32 $0x2800, s23;
	[sflag:s18] =	ssyncadd.s32 $0xFFFFC000  }
0x4b: {  	[spmem:s2] =	stream.indirect.scatter.add.f32 [tilespmem:s14], [sflag:$0x2], $0x80, s22, s17, $0xb8;
	[tilespmem:$0x1D000] =	vst v63  }
0x4c: {  	_ =	swait.ge [sflag:s15], $0x4000  }
0x4d: {  	s22 =	smov.u32 s24;
	[sflag:s15] =	ssyncset.done $0x0  }
0x4e: {  	s21 =	sshra.s32 s21, $0x2;
	[sflag:s15] =	ssyncadd.s32 $0xFFFFC000  }
0x4f: {  	[tilespmem:s14], [sflag:$0x1] =	stream.indirect.gather [hbm4b:s4+s17], $0x80, s21, s17, $0xb8;
	[tilespmem:$0x1D000] =	vst v63  }
0x50: {  	_ =	swait.ge [sflag:s18], $0x4000  }
0x51: {  	[sflag:s18] =	ssyncset.done $0x0  }
0x52: {  	s21 =	sadd.s32 $0x2800, s21;
	[sflag:s18] =	ssyncadd.s32 $0xFFFFC000  }
0x53: {  	[spmem:s2] =	stream.indirect.scatter.add.f32 [tilespmem:s14], [sflag:$0x2], $0x80, s21, s17, $0xb8;
	[tilespmem:$0x1D000] =	vst v63  }
0x54: {  	_ =	swait.ge [sflag:s15], $0x4000  }
0x55: {  	s3 =	sadd.s32 $0x1, s3;
	[sflag:s15] =	ssyncset.done $0x0  }
0x56: {  	p0 =	sne.s32 s3, s13;
	[sflag:s15] =	ssyncadd.s32 $0xFFFFC000  }
.Ltmp2:
0x57: {  	[bflag:$0x0] =	sbarrier.arrive $0xFFFF;
	(pc) =	sbr.rel @p0 .LBB2_1-.Ltmp2, $4  }
0x58: {  	[hbm:s12], [sflag:s19] =	dma.local [spmem:s20], $0x2800  }
0x59: {  	_ =	swait.ge [sflag:s15], $0x2800  }
0x5a: {  	[sflag:s15] =	ssyncset.done $0x0  }
0x5b: {  	[sflag:s15] =	ssyncadd.s32 $0xFFFFD800  }
0x5c: {  	_ =	sfence.sel $0x180000  }
0x5d: {  	[bflag:$0x0] =	sbarrier.arrive $0xFFFF  }
0x5e: {  	p0 =	sne.s32 s1, $0x0;
	_ =	strace $0x9000004A  }
0x5f: {  	s0 =	sadd.s32 @!p0 $0x100000, s0;
	[bflag:$0x2] =	sbarrier.arrive $0xFFFF  }
0x60: {  	[sflag:s0] =	ssyncadd.tile.s32 @!p0 $0x1;
	_ =	shalt  }
.Lfunc_end2:
_tile_overlayer_lowered:
.L_overlay_start_2:
0x61: {  	(tag) =	ssettag $0x2  }
0x62: {  	s0 =	rddreg [dreg:$0x0];
	s2 =	stileid.u32  }
0x63: {  	s1 =	rddreg [dreg:$0x1];
	p0 =	sne.s32 s2, $0x0  }
0x64: {  	s3 =	rddreg [dreg:$0x2];
	[bflag:$0x3] =	sbarrier.arrive $0xFFFF;
	s2 =	simm.s32 @!p0 $0x1C02  }
0x65: {  	[timem:s3], [sflag:s2] =	dma.local @!p0 [hbm:s0], s1  }
0x66: {  	s0 =	simm.s32 @!p0 $0x2  }
0x67: {  	_ =	swait.ge @!p0 [sflag:s0], s1  }
0x68: {  	s1 =	ssub.s32 @!p0 $0x0, s1;
	[sflag:s0] =	ssyncset.done @!p0 $0x0  }
0x69: {  	[sflag:s0] =	ssyncadd.s32 @!p0 s1  }
0x6a: {  	[bflag:$0x3] =	sbarrier.arrive $0xFFFF  }
0x6b: {  	_ =	shalt  }

// kernel: kernel.17.cloned.1.call-start
scs
__scs_entry_jumppad:
0x0: {  	(pc) =	sbr.rel $0x88, $3  }
0x1: {  	(tag) =	ssettag $0x0;
	lr =	simm.s32 $0x1  }
0x2: {  	[smem:$0x3F98] =	sst lr;
	_ =	strace $0xD0000000  }
0x3: {  	_ = 	snop  }
0x4: {  	_ = 	snop  }
0x5: {  	_ = 	snop  }
0x6: {  	_ = 	snop  }
0x7: {  	_ = 	snop  }
__scs_overlays_trampoline_lowered:
0x8: {  	[smem:$0x3FA7] =	sst s0  }
0x9: {  	[smem:$0x3FA8] =	sst s1  }
0xa: {  	[smem:$0x3FA9] =	sst s2  }
0xb: {  	[smem:$0x3FAA] =	sst s3  }
0xc: {  	[smem:$0x3FAB] =	sst s4  }
0xd: {  	[smem:$0x3FAC] =	sst s5  }
0xe: {  	[smem:$0x3FAD] =	sst s6  }
0xf: {  	[smem:$0x3FAE] =	sst s7  }
0x10: {  	[smem:$0x3FAF] =	sst s8  }
0x11: {  	[smem:$0x3FB0] =	sst s9;
	s0 =	simm.s32 @!p0 $0x0  }
0x12: {  	s1 =	sld [smem:$0x3F96];
	s0 =	simm.s32 @p0 $0x1  }
0x13: {  	[smem:$0x3FB1] =	sst s0;
	s0 =	simm.s32 @!p1 $0x0  }
0x14: {  	s2 =	sld [smem:$0x3F95];
	s0 =	simm.s32 @p1 $0x1  }
0x15: {  	[smem:$0x3FB2] =	sst s0;
	s0 =	simm.s32 @!p2 $0x0  }
0x16: {  	s3 =	sld [smem:$0x3FDB];
	s0 =	simm.s32 @p2 $0x1  }
0x17: {  	s4 =	simm.s32 $0x1BF5;
	[smem:$0x3FB4] =	sst s0  }
0x18: {  	s0 =	sld [smem:$0x3F97];
	_ =	swait.ge [sflag:s4], $0x0  }
0x19: {  	s7 =	sld [smem:$0x3F98]  }
0x1a: {  	s8 =	sadd.s32 $0xFFFFE003, lr  }
0x1b: {  	s9 =	sadd.s32 $0xFFFFFEF7, lr;
	s5 =	simm.s32 $0xFFFFFFFF;
	p2 =	slt.u32 s8, $0xFFFFF086  }
0x1c: {  	p1 =	slt.u32 s9, $0xF7A;
	s5 =	simm.s32 @!p2 $0x0  }
0x1d: {  	s5 =	simm.s32 @p1 $0x1;
	p0 =	seq.s32 s7, s2  }
0x1e: {  	s7 =	smul.u32 @!p0 $0xF7A, s2;
	p2 =	seq.s32 @!p0 s5, $0x0  }
0x1f: {  	s9 =	smul.u32 $0xF7A, s1;
	s8 =	simm.s32 @!p0 $0x1BF5;
	p2 =	por !p2, p0  }
0x20: {  	[sflag:s8] =	ssyncset.s32 @!p0 $0xFFFFF086;
	s6 =	sadd.s32 @!p0 s3, s7;
	s7 =	simm.s32 @!p0 $0x108  }
0x21: {  	s3 =	sadd.s32 s3, s9;
	s6 =	sadd.s32 @!p0 $0x88, s6;
	s7 =	simm.s32 @p2 $0x1082  }
0x22: {  	[simem:s7], [sflag:s8] =	dma.local @!p0 [hbm:s6], $0xF7A  }
0x23: {  	s9 =	sor.u32 $0xD0000000, s2;
	s6 =	simm.s32 $0x108;
	_ =	swait.ge @!p0 [sflag:s8], $0x0  }
0x24: {  	s3 =	sadd.s32 $0x88, s3;
	s6 =	simm.s32 @!p1 $0x1082;
	[sflag:s4] =	ssyncset.s32 $0xFFFFF086  }
0x25: {  	[simem:s6], [sflag:s4] =	dma.local [hbm:s3], $0xF7A  }
0x26: {  	[smem:$0x3F98] =	sst s1;
	(tag) =	ssettag s2;
	_ =	strace s9  }
0x27: {  	s1 =	sld [smem:$0x3FA8]  }
0x28: {  	s2 =	sld [smem:$0x3FA9]  }
0x29: {  	s4 =	sld [smem:$0x3FAB]  }
0x2a: {  	p0 =	seq.s32 s5, $0x0;
	s5 =	sld [smem:$0x3FAC]  }
0x2b: {  	s6 =	sld [smem:$0x3FAD]  }
0x2c: {  	s7 =	sld [smem:$0x3FAE]  }
0x2d: {  	s3 =	simm.s32 $0x108;
	s8 =	sld [smem:$0x3FAF]  }
0x2e: {  	s3 =	simm.s32 @!p0 $0x1082;
	s9 =	sld [smem:$0x3FB0]  }
0x2f: {  	lr =	sadd.s32 s0, s3;
	s0 =	sld [smem:$0x3FA7]  }
0x30: {  	s3 =	sld [smem:$0x3FAA]  }
0x31: {  	[smem:$0x3FB3] =	sst s10  }
0x32: {  	s10 =	sld [smem:$0x3FB1];
	_ =	sdelay $0x3  }
0x33: {  	p0 =	seq.s32 s10, $0x1;
	s10 =	sld [smem:$0x3FB3];
	_ =	sdelay $0x3  }
0x34: {  	[smem:$0x3FB3] =	sst s10  }
0x35: {  	s10 =	sld [smem:$0x3FB2];
	_ =	sdelay $0x3  }
0x36: {  	p1 =	seq.s32 s10, $0x1;
	s10 =	sld [smem:$0x3FB3];
	_ =	sdelay $0x3  }
0x37: {  	[smem:$0x3FB3] =	sst s10  }
0x38: {  	s10 =	sld [smem:$0x3FB4]  }
0x39: {  	_ = 	snop;
	(pc) =	sbr.ind lr, $3  }
0x3a: {  	_ = 	snop  }
0x3b: {  	_ = 	snop  }
0x3c: {  	p2 =	seq.s32 s10, $0x1;
	s10 =	sld [smem:$0x3FB3]  }
0x3d: {  	_ =	shalt  }
0x3e: {  	_ =	shalt  }
0x3f: {  	_ =	shalt  }
0x40: {  	_ =	shalt  }
0x41: {  	_ =	shalt  }
0x42: {  	_ =	shalt  }
0x43: {  	_ =	shalt  }
0x44: {  	_ =	shalt  }
0x45: {  	_ =	shalt  }
0x46: {  	_ =	shalt  }
0x47: {  	_ =	shalt  }
0x48: {  	_ =	shalt  }
0x49: {  	_ =	shalt  }
0x4a: {  	_ =	shalt  }
0x4b: {  	_ =	shalt  }
0x4c: {  	_ =	shalt  }
0x4d: {  	_ =	shalt  }
0x4e: {  	_ =	shalt  }
0x4f: {  	_ =	shalt  }
0x50: {  	_ =	shalt  }
0x51: {  	_ =	shalt  }
0x52: {  	_ =	shalt  }
0x53: {  	_ =	shalt  }
0x54: {  	_ =	shalt  }
0x55: {  	_ =	shalt  }
0x56: {  	_ =	shalt  }
0x57: {  	_ =	shalt  }
0x58: {  	_ =	shalt  }
0x59: {  	_ =	shalt  }
0x5a: {  	_ =	shalt  }
0x5b: {  	_ =	shalt  }
0x5c: {  	_ =	shalt  }
0x5d: {  	_ =	shalt  }
0x5e: {  	_ =	shalt  }
0x5f: {  	_ =	shalt  }
0x60: {  	_ =	shalt  }
0x61: {  	_ =	shalt  }
0x62: {  	_ =	shalt  }
0x63: {  	_ =	shalt  }
0x64: {  	_ =	shalt  }
0x65: {  	_ =	shalt  }
0x66: {  	_ =	shalt  }
0x67: {  	_ =	shalt  }
0x68: {  	_ =	shalt  }
0x69: {  	_ =	shalt  }
0x6a: {  	_ =	shalt  }
0x6b: {  	_ =	shalt  }
0x6c: {  	_ =	shalt  }
0x6d: {  	_ =	shalt  }
0x6e: {  	_ =	shalt  }
0x6f: {  	_ =	shalt  }
0x70: {  	_ =	shalt  }
0x71: {  	_ =	shalt  }
0x72: {  	_ =	shalt  }
0x73: {  	_ =	shalt  }
0x74: {  	_ =	shalt  }
0x75: {  	_ =	shalt  }
0x76: {  	_ =	shalt  }
0x77: {  	_ =	shalt  }
0x78: {  	_ =	shalt  }
0x79: {  	_ =	shalt  }
0x7a: {  	_ =	shalt  }
0x7b: {  	_ =	shalt  }
0x7c: {  	_ =	shalt  }
0x7d: {  	_ =	shalt  }
0x7e: {  	_ =	shalt  }
0x7f: {  	_ =	shalt  }
0x80: {  	_ =	shalt  }
0x81: {  	_ =	shalt  }
0x82: {  	_ =	shalt  }
0x83: {  	_ =	shalt  }
0x84: {  	_ =	shalt  }
0x85: {  	_ =	shalt  }
0x86: {  	_ =	shalt  }
0x87: {  	_ =	shalt  }
.Lfunc_end0:
.L_simem_size_0:
called_computation.2_lowered:
.L_overlay_start_0:
0x88: {  	s2 =	sld [smem:$0x3FD9]  }
0x89: {  	s3 =	sld [smem:$0x3FFE];
	_ =	sdelay $0x1  }
0x8a: {  	s1 =	srdreg.scid  }
0x8b: {  	s0 =	sand.u32 $0x1, s1  }
0x8c: {  	s14 =	sshll.u32 s0, $0xA;
	s2 =	sadd.s32 s3, s2  }
0x8d: {  	s2 =	sadd.s32 s2, s14  }
0x8e: {  	[smem:$0x3FBF] =	sst s2  }
0x8f: {  	_ = 	snop  }
0x90: {  	s2 =	sld [smem:$0x3FD0];
	_ =	sdelay $0x2  }
0x91: {  	s15 =	simm.s32 $0xA;
	s4 =	simm.s32 $0x10  }
0x92: {  	[smem:s4], [sflag:s15] =	dma.local [hbm:s2], $0x1  }
0x93: {  	_ =	swait.eq [sflag:s15], $0x1  }
0x94: {  	[sflag:s15] =	ssyncset.done $0x0  }
0x95: {  	[sflag:s15] =	ssyncadd.s32 $0xFFFFFFFF  }
0x96: {  	s16 =	sld [smem:$0x11];
	(tm) =	ssettm $0x1  }
0x97: {  	s17 =	sld [smem:$0x3FFB];
	_ =	sdelay $0x3  }
0x98: {  	_ =	strace s17  }
0x99: {  	s3 =	sld [smem:$0x3FFC];
	_ =	sdelay $0x3  }
0x9a: {  	_ =	strace s3  }
0x9b: {  	s3 =	sld [smem:$0x3FFD];
	_ =	sdelay $0x3  }
0x9c: {  	_ =	strace s3  }
0x9d: {  	_ =	strace $0x8FFFFFFF  }
0x9e: {  	s18 =	sld [smem:$0x3FDB];
	_ =	sdelay $0x1  }
0x9f: {  	s19 =	simm.s32 $_scs_section_size  }
0xa0: {  	s5 =	simm.s32 $_size__tile_overlayer_lowered;
	s6 =	simm.s32 $_tile_overlayer_lowered  }
0xa1: {  	s22 =	simm.s32 $0x1BFF;
	s21 =	sshll.u32 s6, $0x1;
	s3 =	sadd.s32 s19, s18  }
0xa2: {  	s7 =	simm.s32 $0x0;
	s20 =	sshll.u32 s5, $0x1;
	s5 =	sadd.s32 s21, s3  }
0xa3: {  	[timem:s7], [sflag:s22] =	dma.local [hbm:s5], s20  }
0xa4: {  	_ =	swait.ge [sflag:s22], s20  }
0xa5: {  	s4 =	ssub.s32 $0x0, s20;
	[sflag:s22] =	ssyncset.done $0x0  }
0xa6: {  	[sflag:s22] =	ssyncadd.s32 s4;
	_ =	sdelay $0x1  }
0xa7: {  	s23 =	simm.s32 $0x1B8B  }
0xa8: {  	_ =	swait.ge [sflag:s23], $0x1  }
0xa9: {  	[sflag:s23] =	ssyncset.done $0x0  }
0xaa: {  	s25 =	simm.s32 $0x1B8E;
	s24 =	sld [smem:$0x3FFE];
	[sflag:s23] =	ssyncadd.s32 $0xFFFFFFFF  }
0xab: {  	s26 =	simm.s32 $execute0_lowered;
	[smem:$0x3FD2] =	sst s25  }
0xac: {  	s5 =	sshll.u32 s26, $0x1;
	_ =	strace $0x8000004C;
	[dreg:$0x1] =	wrdreg $0xFFFFFFFF  }
0xad: {  	s28 =	simm.s32 $_size_execute0_lowered;
	s3 =	sadd.s32 s3, s5;
	[dreg:$0x0] =	wrdreg $0x0  }
0xae: {  	s5 =	sshll.u32 s28, $0x1;
	[dreg:$0x2] =	wrdreg s3  }
0xaf: {  	[dreg:$0x3] =	wrdreg s5  }
0xb0: {  	[dreg:$0x4] =	wrdreg $0xC0  }
0xb1: {  	_ =	task [dreg:s7], $0x5FFFF  }
0xb2: {  	[dreg:$0x1] =	wrdreg $0xFFFFFFFF  }
0xb3: {  	[dreg:$0x0] =	wrdreg $0x60  }
0xb4: {  	[dreg:$0x2] =	wrdreg s24  }
0xb5: {  	[dreg:$0x3] =	wrdreg s16  }
0xb6: {  	[dreg:$0x4] =	wrdreg $0x90000  }
0xb7: {  	[dreg:$0x5] =	wrdreg $0x9  }
0xb8: {  	_ =	task.clear_ibuf [dreg:s7], $0x6FFFF;
	_ =	strace $0x9000004C  }
0xb9: {  	s29 =	simm.s32 $0x9;
	_ =	strace $0x8000004E  }
0xba: {  	_ =	swait.ge [sflag:s29], $0x1  }
0xbb: {  	[sflag:s29] =	ssyncadd.s32 $0xFFFFFFFF  }
0xbc: {  	_ =	strace $0x9000004E  }
0xbd: {  	_ =	sfence  }
0xbe: {  	s30 =	sld [smem:$0x0];
	_ =	sdelay $0x2  }
0xbf: {  	s31 =	sshll.u32 s1, $0xD;
	s1 =	sshrl.u32 s1, $0x2  }
0xc0: {  	s3 =	sand.u32 $0x4000, s31;
	s1 =	sadd.s32 s1, s30  }
0xc1: {  	s0 =	sor.u32 s3, s0;
	s1 =	sshll.u32 s1, $0x11  }
0xc2: {  	s0 =	sor.u32 s1, s0  }
0xc3: {  	s0 =	sadd.s32 $0x8F2B, s0  }
0xc4: {  	[sflag:s0] =	ssyncadd.remote.s32 $0x1  }
0xc5: {  	_ =	sfence.sel $0xFFFF  }
0xc6: {  	[dreg:$0x0] =	wrdreg $0xFFFFFFFF;
	(pc) =	sbr.abs _section_cstart, $3  }
0xc7: {  	[dreg:$0x1] =	wrdreg $0xFFFFFFFF  }
0xc8: {  	_ =	task.clear_ibuf [dreg:s7], $0x2FFFF;
	_ =	strace $0x9FFFFFFF  }
0xc9: {  	(tm) =	ssettm $0x7FFFFFFF  }
tec
execute0_lowered:
.L_overlay_start_1:
0x0: {  	(tag) =	ssettag $0x1  }
0x1: {  	s5 =	rddreg [dreg:$0x0]  }
0x2: {  	s0 =	srdreg.scid;
	s12 =	rddreg [dreg:$0x1]  }
0x3: {  	s2 =	rddreg [dreg:$0x2];
	s1 =	stileid.u32  }
0x4: {  	s3 =	simm.s32 $0x0;
	s16 =	simm.s32 $0x2800;
	s17 =	simm.s32 $0x80  }
0x5: {  	s6 =	sand.u32 $0x1, s0;
	s0 =	rddreg [dreg:$0x3];
	s8 =	smul.u32 $0x50000, s1  }
0x6: {  	s18 =	simm.s32 $0x1;
	[smem:$0x7FF] =	sst s3;
	s11 =	smul.u32 $0x14000, s1  }
0x7: {  	s19 =	sshll.u32 s1, $0x6;
	s4 =	sshll.u32 s6, $0x4;
	_ =	strace $0x8000004D  }
0x8: {  	s9 =	ssub.s32 $0x2, s6;
	s10 =	smul.u32 $0x140000, s6;
	s4 =	sor.u32 s1, s4  }
0x9: {  	s19 =	sor.u32 $0x1C02, s19;
	s31 =	sshrl.u32 s9, $0x1;
	s7 =	smul.u32 $0x500, s4  }
0xa: {  	s8 =	sshrl.u32 s8, $0x2;
	s4 =	sadd.s32 $0x17C00, s5;
	s10 =	sadd.s32 s11, s10  }
0xb: {  	s14 =	ssub.s32 s9, s31;
	s15 =	sshrl.u32 s10, $0x3;
	s13 =	sadd.s32 s7, s5  }
0xc: {  	s5 =	sadd.s32 s8, s2;
	s12 =	sadd.s32 s12, s15;
	s15 =	simm.s32 $0x2  }
0xd: {  	s6 =	sadd.s32 $0x4000, s5;
	s7 =	sadd.s32 $0x8000, s5;
	s8 =	sadd.s32 $0xC000, s5  }
0xe: {  	s9 =	sadd.s32 $0x10000, s5;
	s10 =	sadd.s32 $0xDC00, s13;
	s11 =	sadd.s32 $0x3C00, s13  }
0xf: {  	v0 =	vimm.f32 $0.0e+00;
	s13 =	smax.u32 s14, $0x1;
	s14 =	simm.s32 $0x5000;
	s20 =	sshrl.u32 s5, $0x3  }
.LBB2_1:
0x10: {  	s21 =	simm.s32 $0x0;
	s22 =	simm.s32 $0x200  }
.LBB2_2:
0x11: {  	p0 =	sne.s32 s22, $0xFE00;
	[tilespmem:s21+$0x5070] =	vst v0  }
0x12: {  	[tilespmem:s21+$0x5000] =	vst v0  }
0x13: {  	[tilespmem:s21+$0x5010] =	vst v0  }
.Ltmp0:
0x14: {  	[tilespmem:s21+$0x5020] =	vst v0;
	(pc) =	sbr.rel @p0 .LBB2_2-.Ltmp0, $4  }
0x15: {  	[tilespmem:s21+$0x5030] =	vst v0  }
0x16: {  	[tilespmem:s21+$0x5040] =	vst v0  }
0x17: {  	[tilespmem:s21+$0x5050] =	vst v0  }
0x18: {  	[tilespmem:s21+$0x5060] =	vst v0;
	s21 =	sshra.s32 s22, $0x2;
	s22 =	sadd.s32 $0x200, s22  }
0x19: {  	[tilespmem:s21+$0x5070] =	vst v0  }
0x1a: {  	[tilespmem:s21+$0x5000] =	vst v0  }
0x1b: {  	[tilespmem:s21+$0x5010] =	vst v0  }
0x1c: {  	[tilespmem:s21+$0x5020] =	vst v0  }
0x1d: {  	[tilespmem:s21+$0x5030] =	vst v0  }
0x1e: {  	[tilespmem:s21+$0x5040] =	vst v0  }
0x1f: {  	[tilespmem:s21+$0x5050] =	vst v0  }
0x20: {  	[tilespmem:s21+$0x5060] =	vst v0  }
0x21: {  	[spmem:s5] =	stream.linear.scatter [tilespmem:s14], [sflag:$0x2], $0x4000, $0x38;
	[tilespmem:$0x1D000] =	vst v63  }
0x22: {  	_ =	swait.ge [sflag:s15], $0x4000  }
0x23: {  	[sflag:s15] =	ssyncset.done $0x0  }
0x24: {  	[sflag:s15] =	ssyncadd.s32 $0xFFFFC000  }
0x25: {  	[spmem:s6] =	stream.linear.scatter [tilespmem:s14], [sflag:$0x2], $0x4000, $0x38;
	[tilespmem:$0x1D000] =	vst v63  }
0x26: {  	_ =	swait.ge [sflag:s15], $0x4000  }
0x27: {  	[sflag:s15] =	ssyncset.done $0x0  }
0x28: {  	[sflag:s15] =	ssyncadd.s32 $0xFFFFC000  }
0x29: {  	[spmem:s7] =	stream.linear.scatter [tilespmem:s14], [sflag:$0x2], $0x4000, $0x38;
	[tilespmem:$0x1D000] =	vst v63  }
0x2a: {  	_ =	swait.ge [sflag:s15], $0x4000  }
0x2b: {  	[sflag:s15] =	ssyncset.done $0x0  }
0x2c: {  	[sflag:s15] =	ssyncadd.s32 $0xFFFFC000  }
0x2d: {  	[spmem:s8] =	stream.linear.scatter [tilespmem:s14], [sflag:$0x2], $0x4000, $0x38;
	[tilespmem:$0x1D000] =	vst v63  }
0x2e: {  	_ =	swait.ge [sflag:s15], $0x4000  }
0x2f: {  	[sflag:s15] =	ssyncset.done $0x0  }
0x30: {  	[sflag:s15] =	ssyncadd.s32 $0xFFFFC000  }
0x31: {  	[spmem:s9] =	stream.linear.scatter [tilespmem:s14], [sflag:$0x2], $0x4000, $0x38;
	[tilespmem:$0x1D000] =	vst v63  }
0x32: {  	_ =	swait.ge [sflag:s15], $0x4000  }
0x33: {  	[sflag:s15] =	ssyncset.done $0x0  }
0x34: {  	s29 =	simm.s32 $0x0;
	[sflag:s15] =	ssyncadd.s32 $0xFFFFC000  }
0x35: {  	[tilespmem:s29], [sflag:$0x2] =	stream.linear.gather [hbm4b:s10+s29], $0x2800, $0x38;
	[tilespmem:$0x1D000] =	vst v63  }
0x36: {  	_ =	swait.ge [sflag:s15], $0x2800  }
0x37: {  	[sflag:s15] =	ssyncset.done $0x0  }
0x38: {  	[sflag:s15] =	ssyncadd.s32 $0xFFFFD800  }
0x39: {  	[tilespmem:s16], [sflag:$0x2] =	stream.linear.gather [hbm4b:s11+s29], $0x2800, $0x38;
	[tilespmem:$0x1D000] =	vst v63  }
0x3a: {  	_ =	swait.ge [sflag:s15], $0x2800  }
0x3b: {  	[sflag:s15] =	ssyncset.done $0x0  }
0x3c: {  	[sflag:s15] =	ssyncadd.s32 $0xFFFFD800  }
0x3d: {  	s30 =	simm.s32 $0x0;
	[bflag:$0x0] =	sbarrier.arrive $0xFFFF  }
0x3e: {  	[tilespmem:s14], [sflag:$0x1] =	stream.indirect.gather [hbm4b:s4+s17], $0x80, s30, s17, $0xb8;
	[tilespmem:$0x1D000] =	vst v63  }
0x3f: {  	_ =	swait.ge [sflag:s18], $0x4000  }
0x40: {  	[sflag:s18] =	ssyncset.done $0x0  }
0x41: {  	s31 =	simm.s32 $0x2800;
	[sflag:s18] =	ssyncadd.s32 $0xFFFFC000  }
0x42: {  	[spmem:s2] =	stream.indirect.scatter.add.f32 [tilespmem:s14], [sflag:$0x2], $0x80, s31, s17, $0xb8;
	[tilespmem:$0x1D000] =	vst v63  }
0x43: {  	_ =	swait.ge [sflag:s15], $0x4000  }
0x44: {  	s21 =	simm.s32 $0x200;
	s22 =	simm.s32 $0x400;
	[sflag:s15] =	ssyncset.done $0x0  }
.LBB2_4:
0x45: {  	s23 =	sshra.s32 s21, $0x2  }
0x46: {  	[sflag:s15] =	ssyncadd.s32 $0xFFFFC000;
	s21 =	smov.u32 s22;
	s24 =	sadd.s32 $0x200, s22  }
0x47: {  	[tilespmem:s14], [sflag:$0x1] =	stream.indirect.gather [hbm4b:s4+s17], $0x80, s23, s17, $0xb8;
	[tilespmem:$0x1D000] =	vst v63  }
0x48: {  	p0 =	sne.s32 s22, $0x9E00;
	_ =	swait.ge [sflag:s18], $0x4000  }
.Ltmp1:
0x49: {  	[sflag:s18] =	ssyncset.done $0x0;
	(pc) =	sbr.rel @p0 .LBB2_4-.Ltmp1, $4  }
0x4a: {  	s22 =	sadd.s32 $0x2800, s23;
	[sflag:s18] =	ssyncadd.s32 $0xFFFFC000  }
0x4b: {  	[spmem:s2] =	stream.indirect.scatter.add.f32 [tilespmem:s14], [sflag:$0x2], $0x80, s22, s17, $0xb8;
	[tilespmem:$0x1D000] =	vst v63  }
0x4c: {  	_ =	swait.ge [sflag:s15], $0x4000  }
0x4d: {  	s22 =	smov.u32 s24;
	[sflag:s15] =	ssyncset.done $0x0  }
0x4e: {  	s21 =	sshra.s32 s21, $0x2;
	[sflag:s15] =	ssyncadd.s32 $0xFFFFC000  }
0x4f: {  	[tilespmem:s14], [sflag:$0x1] =	stream.indirect.gather [hbm4b:s4+s17], $0x80, s21, s17, $0xb8;
	[tilespmem:$0x1D000] =	vst v63  }
0x50: {  	_ =	swait.ge [sflag:s18], $0x4000  }
0x51: {  	[sflag:s18] =	ssyncset.done $0x0  }
0x52: {  	s21 =	sadd.s32 $0x2800, s21;
	[sflag:s18] =	ssyncadd.s32 $0xFFFFC000  }
0x53: {  	[spmem:s2] =	stream.indirect.scatter.add.f32 [tilespmem:s14], [sflag:$0x2], $0x80, s21, s17, $0xb8;
	[tilespmem:$0x1D000] =	vst v63  }
0x54: {  	_ =	swait.ge [sflag:s15], $0x4000  }
0x55: {  	s3 =	sadd.s32 $0x1, s3;
	[sflag:s15] =	ssyncset.done $0x0  }
0x56: {  	p0 =	sne.s32 s3, s13;
	[sflag:s15] =	ssyncadd.s32 $0xFFFFC000  }
.Ltmp2:
0x57: {  	[bflag:$0x0] =	sbarrier.arrive $0xFFFF;
	(pc) =	sbr.rel @p0 .LBB2_1-.Ltmp2, $4  }
0x58: {  	[hbm:s12], [sflag:s19] =	dma.local [spmem:s20], $0x2800  }
0x59: {  	_ =	swait.ge [sflag:s15], $0x2800  }
0x5a: {  	[sflag:s15] =	ssyncset.done $0x0  }
0x5b: {  	[sflag:s15] =	ssyncadd.s32 $0xFFFFD800  }
0x5c: {  	_ =	sfence.sel $0x180000  }
0x5d: {  	[bflag:$0x0] =	sbarrier.arrive $0xFFFF  }
0x5e: {  	p0 =	sne.s32 s1, $0x0;
	_ =	strace $0x9000004D  }
0x5f: {  	s0 =	sadd.s32 @!p0 $0x100000, s0;
	[bflag:$0x2] =	sbarrier.arrive $0xFFFF  }
0x60: {  	[sflag:s0] =	ssyncadd.tile.s32 @!p0 $0x1;
	_ =	shalt  }
.Lfunc_end2:
_tile_overlayer_lowered:
.L_overlay_start_2:
0x61: {  	(tag) =	ssettag $0x2  }
0x62: {  	s0 =	rddreg [dreg:$0x0];
	s2 =	stileid.u32  }
0x63: {  	s1 =	rddreg [dreg:$0x1];
	p0 =	sne.s32 s2, $0x0  }
0x64: {  	s3 =	rddreg [dreg:$0x2];
	[bflag:$0x3] =	sbarrier.arrive $0xFFFF;
	s2 =	simm.s32 @!p0 $0x1C02  }
0x65: {  	[timem:s3], [sflag:s2] =	dma.local @!p0 [hbm:s0], s1  }
0x66: {  	s0 =	simm.s32 @!p0 $0x2  }
0x67: {  	_ =	swait.ge @!p0 [sflag:s0], s1  }
0x68: {  	s1 =	ssub.s32 @!p0 $0x0, s1;
	[sflag:s0] =	ssyncset.done @!p0 $0x0  }
0x69: {  	[sflag:s0] =	ssyncadd.s32 @!p0 s1  }
0x6a: {  	[bflag:$0x3] =	sbarrier.arrive $0xFFFF  }
0x6b: {  	_ =	shalt  }

// kernel: kernel.20.cloned.1.call-start
scs
__scs_entry_jumppad:
0x0: {  	(pc) =	sbr.rel $0x88, $3  }
0x1: {  	(tag) =	ssettag $0x0;
	lr =	simm.s32 $0x1  }
0x2: {  	[smem:$0x3F98] =	sst lr;
	_ =	strace $0xD0000000  }
0x3: {  	_ = 	snop  }
0x4: {  	_ = 	snop  }
0x5: {  	_ = 	snop  }
0x6: {  	_ = 	snop  }
0x7: {  	_ = 	snop  }
__scs_overlays_trampoline_lowered:
0x8: {  	[smem:$0x3FA7] =	sst s0  }
0x9: {  	[smem:$0x3FA8] =	sst s1  }
0xa: {  	[smem:$0x3FA9] =	sst s2  }
0xb: {  	[smem:$0x3FAA] =	sst s3  }
0xc: {  	[smem:$0x3FAB] =	sst s4  }
0xd: {  	[smem:$0x3FAC] =	sst s5  }
0xe: {  	[smem:$0x3FAD] =	sst s6  }
0xf: {  	[smem:$0x3FAE] =	sst s7  }
0x10: {  	[smem:$0x3FAF] =	sst s8  }
0x11: {  	[smem:$0x3FB0] =	sst s9;
	s0 =	simm.s32 @!p0 $0x0  }
0x12: {  	s1 =	sld [smem:$0x3F96];
	s0 =	simm.s32 @p0 $0x1  }
0x13: {  	[smem:$0x3FB1] =	sst s0;
	s0 =	simm.s32 @!p1 $0x0  }
0x14: {  	s2 =	sld [smem:$0x3F95];
	s0 =	simm.s32 @p1 $0x1  }
0x15: {  	[smem:$0x3FB2] =	sst s0;
	s0 =	simm.s32 @!p2 $0x0  }
0x16: {  	s3 =	sld [smem:$0x3FDB];
	s0 =	simm.s32 @p2 $0x1  }
0x17: {  	s4 =	simm.s32 $0x1BF5;
	[smem:$0x3FB4] =	sst s0  }
0x18: {  	s0 =	sld [smem:$0x3F97];
	_ =	swait.ge [sflag:s4], $0x0  }
0x19: {  	s7 =	sld [smem:$0x3F98]  }
0x1a: {  	s8 =	sadd.s32 $0xFFFFE003, lr  }
0x1b: {  	s9 =	sadd.s32 $0xFFFFFEF7, lr;
	s5 =	simm.s32 $0xFFFFFFFF;
	p2 =	slt.u32 s8, $0xFFFFF086  }
0x1c: {  	p1 =	slt.u32 s9, $0xF7A;
	s5 =	simm.s32 @!p2 $0x0  }
0x1d: {  	s5 =	simm.s32 @p1 $0x1;
	p0 =	seq.s32 s7, s2  }
0x1e: {  	s7 =	smul.u32 @!p0 $0xF7A, s2;
	p2 =	seq.s32 @!p0 s5, $0x0  }
0x1f: {  	s9 =	smul.u32 $0xF7A, s1;
	s8 =	simm.s32 @!p0 $0x1BF5;
	p2 =	por !p2, p0  }
0x20: {  	[sflag:s8] =	ssyncset.s32 @!p0 $0xFFFFF086;
	s6 =	sadd.s32 @!p0 s3, s7;
	s7 =	simm.s32 @!p0 $0x108  }
0x21: {  	s3 =	sadd.s32 s3, s9;
	s6 =	sadd.s32 @!p0 $0x88, s6;
	s7 =	simm.s32 @p2 $0x1082  }
0x22: {  	[simem:s7], [sflag:s8] =	dma.local @!p0 [hbm:s6], $0xF7A  }
0x23: {  	s9 =	sor.u32 $0xD0000000, s2;
	s6 =	simm.s32 $0x108;
	_ =	swait.ge @!p0 [sflag:s8], $0x0  }
0x24: {  	s3 =	sadd.s32 $0x88, s3;
	s6 =	simm.s32 @!p1 $0x1082;
	[sflag:s4] =	ssyncset.s32 $0xFFFFF086  }
0x25: {  	[simem:s6], [sflag:s4] =	dma.local [hbm:s3], $0xF7A  }
0x26: {  	[smem:$0x3F98] =	sst s1;
	(tag) =	ssettag s2;
	_ =	strace s9  }
0x27: {  	s1 =	sld [smem:$0x3FA8]  }
0x28: {  	s2 =	sld [smem:$0x3FA9]  }
0x29: {  	s4 =	sld [smem:$0x3FAB]  }
0x2a: {  	p0 =	seq.s32 s5, $0x0;
	s5 =	sld [smem:$0x3FAC]  }
0x2b: {  	s6 =	sld [smem:$0x3FAD]  }
0x2c: {  	s7 =	sld [smem:$0x3FAE]  }
0x2d: {  	s3 =	simm.s32 $0x108;
	s8 =	sld [smem:$0x3FAF]  }
0x2e: {  	s3 =	simm.s32 @!p0 $0x1082;
	s9 =	sld [smem:$0x3FB0]  }
0x2f: {  	lr =	sadd.s32 s0, s3;
	s0 =	sld [smem:$0x3FA7]  }
0x30: {  	s3 =	sld [smem:$0x3FAA]  }
0x31: {  	[smem:$0x3FB3] =	sst s10  }
0x32: {  	s10 =	sld [smem:$0x3FB1];
	_ =	sdelay $0x3  }
0x33: {  	p0 =	seq.s32 s10, $0x1;
	s10 =	sld [smem:$0x3FB3];
	_ =	sdelay $0x3  }
0x34: {  	[smem:$0x3FB3] =	sst s10  }
0x35: {  	s10 =	sld [smem:$0x3FB2];
	_ =	sdelay $0x3  }
0x36: {  	p1 =	seq.s32 s10, $0x1;
	s10 =	sld [smem:$0x3FB3];
	_ =	sdelay $0x3  }
0x37: {  	[smem:$0x3FB3] =	sst s10  }
0x38: {  	s10 =	sld [smem:$0x3FB4]  }
0x39: {  	_ = 	snop;
	(pc) =	sbr.ind lr, $3  }
0x3a: {  	_ = 	snop  }
0x3b: {  	_ = 	snop  }
0x3c: {  	p2 =	seq.s32 s10, $0x1;
	s10 =	sld [smem:$0x3FB3]  }
0x3d: {  	_ =	shalt  }
0x3e: {  	_ =	shalt  }
0x3f: {  	_ =	shalt  }
0x40: {  	_ =	shalt  }
0x41: {  	_ =	shalt  }
0x42: {  	_ =	shalt  }
0x43: {  	_ =	shalt  }
0x44: {  	_ =	shalt  }
0x45: {  	_ =	shalt  }
0x46: {  	_ =	shalt  }
0x47: {  	_ =	shalt  }
0x48: {  	_ =	shalt  }
0x49: {  	_ =	shalt  }
0x4a: {  	_ =	shalt  }
0x4b: {  	_ =	shalt  }
0x4c: {  	_ =	shalt  }
0x4d: {  	_ =	shalt  }
0x4e: {  	_ =	shalt  }
0x4f: {  	_ =	shalt  }
0x50: {  	_ =	shalt  }
0x51: {  	_ =	shalt  }
0x52: {  	_ =	shalt  }
0x53: {  	_ =	shalt  }
0x54: {  	_ =	shalt  }
0x55: {  	_ =	shalt  }
0x56: {  	_ =	shalt  }
0x57: {  	_ =	shalt  }
0x58: {  	_ =	shalt  }
0x59: {  	_ =	shalt  }
0x5a: {  	_ =	shalt  }
0x5b: {  	_ =	shalt  }
0x5c: {  	_ =	shalt  }
0x5d: {  	_ =	shalt  }
0x5e: {  	_ =	shalt  }
0x5f: {  	_ =	shalt  }
0x60: {  	_ =	shalt  }
0x61: {  	_ =	shalt  }
0x62: {  	_ =	shalt  }
0x63: {  	_ =	shalt  }
0x64: {  	_ =	shalt  }
0x65: {  	_ =	shalt  }
0x66: {  	_ =	shalt  }
0x67: {  	_ =	shalt  }
0x68: {  	_ =	shalt  }
0x69: {  	_ =	shalt  }
0x6a: {  	_ =	shalt  }
0x6b: {  	_ =	shalt  }
0x6c: {  	_ =	shalt  }
0x6d: {  	_ =	shalt  }
0x6e: {  	_ =	shalt  }
0x6f: {  	_ =	shalt  }
0x70: {  	_ =	shalt  }
0x71: {  	_ =	shalt  }
0x72: {  	_ =	shalt  }
0x73: {  	_ =	shalt  }
0x74: {  	_ =	shalt  }
0x75: {  	_ =	shalt  }
0x76: {  	_ =	shalt  }
0x77: {  	_ =	shalt  }
0x78: {  	_ =	shalt  }
0x79: {  	_ =	shalt  }
0x7a: {  	_ =	shalt  }
0x7b: {  	_ =	shalt  }
0x7c: {  	_ =	shalt  }
0x7d: {  	_ =	shalt  }
0x7e: {  	_ =	shalt  }
0x7f: {  	_ =	shalt  }
0x80: {  	_ =	shalt  }
0x81: {  	_ =	shalt  }
0x82: {  	_ =	shalt  }
0x83: {  	_ =	shalt  }
0x84: {  	_ =	shalt  }
0x85: {  	_ =	shalt  }
0x86: {  	_ =	shalt  }
0x87: {  	_ =	shalt  }
.Lfunc_end0:
.L_simem_size_0:
called_computation.3_lowered:
.L_overlay_start_0:
0x88: {  	s2 =	sld [smem:$0x3FD9]  }
0x89: {  	s3 =	sld [smem:$0x3FFE];
	_ =	sdelay $0x1  }
0x8a: {  	s1 =	srdreg.scid  }
0x8b: {  	s0 =	sand.u32 $0x1, s1  }
0x8c: {  	s14 =	sshll.u32 s0, $0xA;
	s2 =	sadd.s32 s3, s2  }
0x8d: {  	s2 =	sadd.s32 s2, s14  }
0x8e: {  	[smem:$0x3FBF] =	sst s2  }
0x8f: {  	_ = 	snop  }
0x90: {  	s2 =	sld [smem:$0x3FD0];
	_ =	sdelay $0x2  }
0x91: {  	s15 =	simm.s32 $0xA;
	s4 =	simm.s32 $0x10  }
0x92: {  	[smem:s4], [sflag:s15] =	dma.local [hbm:s2], $0x1  }
0x93: {  	_ =	swait.eq [sflag:s15], $0x1  }
0x94: {  	[sflag:s15] =	ssyncset.done $0x0  }
0x95: {  	[sflag:s15] =	ssyncadd.s32 $0xFFFFFFFF  }
0x96: {  	s16 =	sld [smem:$0x11];
	(tm) =	ssettm $0x1  }
0x97: {  	s17 =	sld [smem:$0x3FFB];
	_ =	sdelay $0x3  }
0x98: {  	_ =	strace s17  }
0x99: {  	s3 =	sld [smem:$0x3FFC];
	_ =	sdelay $0x3  }
0x9a: {  	_ =	strace s3  }
0x9b: {  	s3 =	sld [smem:$0x3FFD];
	_ =	sdelay $0x3  }
0x9c: {  	_ =	strace s3  }
0x9d: {  	_ =	strace $0x8FFFFFFF  }
0x9e: {  	s18 =	sld [smem:$0x3FDB];
	_ =	sdelay $0x1  }
0x9f: {  	s19 =	simm.s32 $_scs_section_size  }
0xa0: {  	s5 =	simm.s32 $_size__tile_overlayer_lowered;
	s6 =	simm.s32 $_tile_overlayer_lowered  }
0xa1: {  	s22 =	simm.s32 $0x1BFF;
	s21 =	sshll.u32 s6, $0x1;
	s3 =	sadd.s32 s19, s18  }
0xa2: {  	s7 =	simm.s32 $0x0;
	s20 =	sshll.u32 s5, $0x1;
	s5 =	sadd.s32 s21, s3  }
0xa3: {  	[timem:s7], [sflag:s22] =	dma.local [hbm:s5], s20  }
0xa4: {  	_ =	swait.ge [sflag:s22], s20  }
0xa5: {  	s4 =	ssub.s32 $0x0, s20;
	[sflag:s22] =	ssyncset.done $0x0  }
0xa6: {  	[sflag:s22] =	ssyncadd.s32 s4;
	_ =	sdelay $0x1  }
0xa7: {  	s23 =	simm.s32 $0x1B8B  }
0xa8: {  	_ =	swait.ge [sflag:s23], $0x1  }
0xa9: {  	[sflag:s23] =	ssyncset.done $0x0  }
0xaa: {  	s25 =	simm.s32 $0x1B8E;
	s24 =	sld [smem:$0x3FFE];
	[sflag:s23] =	ssyncadd.s32 $0xFFFFFFFF  }
0xab: {  	s26 =	simm.s32 $execute0_lowered;
	[smem:$0x3FD2] =	sst s25  }
0xac: {  	s5 =	sshll.u32 s26, $0x1;
	_ =	strace $0x8000004F;
	[dreg:$0x1] =	wrdreg $0xFFFFFFFF  }
0xad: {  	s28 =	simm.s32 $_size_execute0_lowered;
	s3 =	sadd.s32 s3, s5;
	[dreg:$0x0] =	wrdreg $0x0  }
0xae: {  	s5 =	sshll.u32 s28, $0x1;
	[dreg:$0x2] =	wrdreg s3  }
0xaf: {  	[dreg:$0x3] =	wrdreg s5  }
0xb0: {  	[dreg:$0x4] =	wrdreg $0xC0  }
0xb1: {  	_ =	task [dreg:s7], $0x5FFFF  }
0xb2: {  	[dreg:$0x1] =	wrdreg $0xFFFFFFFF  }
0xb3: {  	[dreg:$0x0] =	wrdreg $0x60  }
0xb4: {  	[dreg:$0x2] =	wrdreg s24  }
0xb5: {  	[dreg:$0x3] =	wrdreg s16  }
0xb6: {  	[dreg:$0x4] =	wrdreg $0x90000  }
0xb7: {  	[dreg:$0x5] =	wrdreg $0x9  }
0xb8: {  	_ =	task.clear_ibuf [dreg:s7], $0x6FFFF;
	_ =	strace $0x9000004F  }
0xb9: {  	s29 =	simm.s32 $0x9;
	_ =	strace $0x80000051  }
0xba: {  	_ =	swait.ge [sflag:s29], $0x1  }
0xbb: {  	[sflag:s29] =	ssyncadd.s32 $0xFFFFFFFF  }
0xbc: {  	_ =	strace $0x90000051  }
0xbd: {  	_ =	sfence  }
0xbe: {  	s30 =	sld [smem:$0x0];
	_ =	sdelay $0x2  }
0xbf: {  	s31 =	sshll.u32 s1, $0xD;
	s1 =	sshrl.u32 s1, $0x2  }
0xc0: {  	s3 =	sand.u32 $0x4000, s31;
	s1 =	sadd.s32 s1, s30  }
0xc1: {  	s0 =	sor.u32 s3, s0;
	s1 =	sshll.u32 s1, $0x11  }
0xc2: {  	s0 =	sor.u32 s1, s0  }
0xc3: {  	s0 =	sadd.s32 $0x8F2B, s0  }
0xc4: {  	[sflag:s0] =	ssyncadd.remote.s32 $0x1  }
0xc5: {  	_ =	sfence.sel $0xFFFF  }
0xc6: {  	[dreg:$0x0] =	wrdreg $0xFFFFFFFF;
	(pc) =	sbr.abs _section_cstart, $3  }
0xc7: {  	[dreg:$0x1] =	wrdreg $0xFFFFFFFF  }
0xc8: {  	_ =	task.clear_ibuf [dreg:s7], $0x2FFFF;
	_ =	strace $0x9FFFFFFF  }
0xc9: {  	(tm) =	ssettm $0x7FFFFFFF  }
tec
execute0_lowered:
.L_overlay_start_1:
0x0: {  	(tag) =	ssettag $0x1  }
0x1: {  	s5 =	rddreg [dreg:$0x0]  }
0x2: {  	s0 =	srdreg.scid;
	s12 =	rddreg [dreg:$0x1]  }
0x3: {  	s2 =	rddreg [dreg:$0x2];
	s1 =	stileid.u32  }
0x4: {  	s3 =	simm.s32 $0x0;
	s16 =	simm.s32 $0x2800;
	s17 =	simm.s32 $0x80  }
0x5: {  	s6 =	sand.u32 $0x1, s0;
	s0 =	rddreg [dreg:$0x3];
	s8 =	smul.u32 $0x50000, s1  }
0x6: {  	s18 =	simm.s32 $0x1;
	[smem:$0x7FF] =	sst s3;
	s11 =	smul.u32 $0x14000, s1  }
0x7: {  	s19 =	sshll.u32 s1, $0x6;
	s4 =	sshll.u32 s6, $0x4;
	_ =	strace $0x80000050  }
0x8: {  	s9 =	ssub.s32 $0x2, s6;
	s10 =	smul.u32 $0x140000, s6;
	s4 =	sor.u32 s1, s4  }
0x9: {  	s19 =	sor.u32 $0x1C02, s19;
	s31 =	sshrl.u32 s9, $0x1;
	s7 =	smul.u32 $0x500, s4  }
0xa: {  	s8 =	sshrl.u32 s8, $0x2;
	s4 =	sadd.s32 $0x17C00, s5;
	s10 =	sadd.s32 s11, s10  }
0xb: {  	s14 =	ssub.s32 s9, s31;
	s15 =	sshrl.u32 s10, $0x3;
	s13 =	sadd.s32 s7, s5  }
0xc: {  	s5 =	sadd.s32 s8, s2;
	s12 =	sadd.s32 s12, s15;
	s15 =	simm.s32 $0x2  }
0xd: {  	s6 =	sadd.s32 $0x4000, s5;
	s7 =	sadd.s32 $0x8000, s5;
	s8 =	sadd.s32 $0xC000, s5  }
0xe: {  	s9 =	sadd.s32 $0x10000, s5;
	s10 =	sadd.s32 $0xDC00, s13;
	s11 =	sadd.s32 $0x3C00, s13  }
0xf: {  	v0 =	vimm.f32 $0.0e+00;
	s13 =	smax.u32 s14, $0x1;
	s14 =	simm.s32 $0x5000;
	s20 =	sshrl.u32 s5, $0x3  }
.LBB2_1:
0x10: {  	s21 =	simm.s32 $0x0;
	s22 =	simm.s32 $0x200  }
.LBB2_2:
0x11: {  	p0 =	sne.s32 s22, $0xFE00;
	[tilespmem:s21+$0x5070] =	vst v0  }
0x12: {  	[tilespmem:s21+$0x5000] =	vst v0  }
0x13: {  	[tilespmem:s21+$0x5010] =	vst v0  }
.Ltmp0:
0x14: {  	[tilespmem:s21+$0x5020] =	vst v0;
	(pc) =	sbr.rel @p0 .LBB2_2-.Ltmp0, $4  }
0x15: {  	[tilespmem:s21+$0x5030] =	vst v0  }
0x16: {  	[tilespmem:s21+$0x5040] =	vst v0  }
0x17: {  	[tilespmem:s21+$0x5050] =	vst v0  }
0x18: {  	[tilespmem:s21+$0x5060] =	vst v0;
	s21 =	sshra.s32 s22, $0x2;
	s22 =	sadd.s32 $0x200, s22  }
0x19: {  	[tilespmem:s21+$0x5070] =	vst v0  }
0x1a: {  	[tilespmem:s21+$0x5000] =	vst v0  }
0x1b: {  	[tilespmem:s21+$0x5010] =	vst v0  }
0x1c: {  	[tilespmem:s21+$0x5020] =	vst v0  }
0x1d: {  	[tilespmem:s21+$0x5030] =	vst v0  }
0x1e: {  	[tilespmem:s21+$0x5040] =	vst v0  }
0x1f: {  	[tilespmem:s21+$0x5050] =	vst v0  }
0x20: {  	[tilespmem:s21+$0x5060] =	vst v0  }
0x21: {  	[spmem:s5] =	stream.linear.scatter [tilespmem:s14], [sflag:$0x2], $0x4000, $0x38;
	[tilespmem:$0x1D000] =	vst v63  }
0x22: {  	_ =	swait.ge [sflag:s15], $0x4000  }
0x23: {  	[sflag:s15] =	ssyncset.done $0x0  }
0x24: {  	[sflag:s15] =	ssyncadd.s32 $0xFFFFC000  }
0x25: {  	[spmem:s6] =	stream.linear.scatter [tilespmem:s14], [sflag:$0x2], $0x4000, $0x38;
	[tilespmem:$0x1D000] =	vst v63  }
0x26: {  	_ =	swait.ge [sflag:s15], $0x4000  }
0x27: {  	[sflag:s15] =	ssyncset.done $0x0  }
0x28: {  	[sflag:s15] =	ssyncadd.s32 $0xFFFFC000  }
0x29: {  	[spmem:s7] =	stream.linear.scatter [tilespmem:s14], [sflag:$0x2], $0x4000, $0x38;
	[tilespmem:$0x1D000] =	vst v63  }
0x2a: {  	_ =	swait.ge [sflag:s15], $0x4000  }
0x2b: {  	[sflag:s15] =	ssyncset.done $0x0  }
0x2c: {  	[sflag:s15] =	ssyncadd.s32 $0xFFFFC000  }
0x2d: {  	[spmem:s8] =	stream.linear.scatter [tilespmem:s14], [sflag:$0x2], $0x4000, $0x38;
	[tilespmem:$0x1D000] =	vst v63  }
0x2e: {  	_ =	swait.ge [sflag:s15], $0x4000  }
0x2f: {  	[sflag:s15] =	ssyncset.done $0x0  }
0x30: {  	[sflag:s15] =	ssyncadd.s32 $0xFFFFC000  }
0x31: {  	[spmem:s9] =	stream.linear.scatter [tilespmem:s14], [sflag:$0x2], $0x4000, $0x38;
	[tilespmem:$0x1D000] =	vst v63  }
0x32: {  	_ =	swait.ge [sflag:s15], $0x4000  }
0x33: {  	[sflag:s15] =	ssyncset.done $0x0  }
0x34: {  	s29 =	simm.s32 $0x0;
	[sflag:s15] =	ssyncadd.s32 $0xFFFFC000  }
0x35: {  	[tilespmem:s29], [sflag:$0x2] =	stream.linear.gather [hbm4b:s10+s29], $0x2800, $0x38;
	[tilespmem:$0x1D000] =	vst v63  }
0x36: {  	_ =	swait.ge [sflag:s15], $0x2800  }
0x37: {  	[sflag:s15] =	ssyncset.done $0x0  }
0x38: {  	[sflag:s15] =	ssyncadd.s32 $0xFFFFD800  }
0x39: {  	[tilespmem:s16], [sflag:$0x2] =	stream.linear.gather [hbm4b:s11+s29], $0x2800, $0x38;
	[tilespmem:$0x1D000] =	vst v63  }
0x3a: {  	_ =	swait.ge [sflag:s15], $0x2800  }
0x3b: {  	[sflag:s15] =	ssyncset.done $0x0  }
0x3c: {  	[sflag:s15] =	ssyncadd.s32 $0xFFFFD800  }
0x3d: {  	s30 =	simm.s32 $0x0;
	[bflag:$0x0] =	sbarrier.arrive $0xFFFF  }
0x3e: {  	[tilespmem:s14], [sflag:$0x1] =	stream.indirect.gather [hbm4b:s4+s17], $0x80, s30, s17, $0xb8;
	[tilespmem:$0x1D000] =	vst v63  }
0x3f: {  	_ =	swait.ge [sflag:s18], $0x4000  }
0x40: {  	[sflag:s18] =	ssyncset.done $0x0  }
0x41: {  	s31 =	simm.s32 $0x2800;
	[sflag:s18] =	ssyncadd.s32 $0xFFFFC000  }
0x42: {  	[spmem:s2] =	stream.indirect.scatter.add.f32 [tilespmem:s14], [sflag:$0x2], $0x80, s31, s17, $0xb8;
	[tilespmem:$0x1D000] =	vst v63  }
0x43: {  	_ =	swait.ge [sflag:s15], $0x4000  }
0x44: {  	s21 =	simm.s32 $0x200;
	s22 =	simm.s32 $0x400;
	[sflag:s15] =	ssyncset.done $0x0  }
.LBB2_4:
0x45: {  	s23 =	sshra.s32 s21, $0x2  }
0x46: {  	[sflag:s15] =	ssyncadd.s32 $0xFFFFC000;
	s21 =	smov.u32 s22;
	s24 =	sadd.s32 $0x200, s22  }
0x47: {  	[tilespmem:s14], [sflag:$0x1] =	stream.indirect.gather [hbm4b:s4+s17], $0x80, s23, s17, $0xb8;
	[tilespmem:$0x1D000] =	vst v63  }
0x48: {  	p0 =	sne.s32 s22, $0x9E00;
	_ =	swait.ge [sflag:s18], $0x4000  }
.Ltmp1:
0x49: {  	[sflag:s18] =	ssyncset.done $0x0;
	(pc) =	sbr.rel @p0 .LBB2_4-.Ltmp1, $4  }
0x4a: {  	s22 =	sadd.s32 $0x2800, s23;
	[sflag:s18] =	ssyncadd.s32 $0xFFFFC000  }
0x4b: {  	[spmem:s2] =	stream.indirect.scatter.add.f32 [tilespmem:s14], [sflag:$0x2], $0x80, s22, s17, $0xb8;
	[tilespmem:$0x1D000] =	vst v63  }
0x4c: {  	_ =	swait.ge [sflag:s15], $0x4000  }
0x4d: {  	s22 =	smov.u32 s24;
	[sflag:s15] =	ssyncset.done $0x0  }
0x4e: {  	s21 =	sshra.s32 s21, $0x2;
	[sflag:s15] =	ssyncadd.s32 $0xFFFFC000  }
0x4f: {  	[tilespmem:s14], [sflag:$0x1] =	stream.indirect.gather [hbm4b:s4+s17], $0x80, s21, s17, $0xb8;
	[tilespmem:$0x1D000] =	vst v63  }
0x50: {  	_ =	swait.ge [sflag:s18], $0x4000  }
0x51: {  	[sflag:s18] =	ssyncset.done $0x0  }
0x52: {  	s21 =	sadd.s32 $0x2800, s21;
	[sflag:s18] =	ssyncadd.s32 $0xFFFFC000  }
0x53: {  	[spmem:s2] =	stream.indirect.scatter.add.f32 [tilespmem:s14], [sflag:$0x2], $0x80, s21, s17, $0xb8;
	[tilespmem:$0x1D000] =	vst v63  }
0x54: {  	_ =	swait.ge [sflag:s15], $0x4000  }
0x55: {  	s3 =	sadd.s32 $0x1, s3;
	[sflag:s15] =	ssyncset.done $0x0  }
0x56: {  	p0 =	sne.s32 s3, s13;
	[sflag:s15] =	ssyncadd.s32 $0xFFFFC000  }
.Ltmp2:
0x57: {  	[bflag:$0x0] =	sbarrier.arrive $0xFFFF;
	(pc) =	sbr.rel @p0 .LBB2_1-.Ltmp2, $4  }
0x58: {  	[hbm:s12], [sflag:s19] =	dma.local [spmem:s20], $0x2800  }
0x59: {  	_ =	swait.ge [sflag:s15], $0x2800  }
0x5a: {  	[sflag:s15] =	ssyncset.done $0x0  }
0x5b: {  	[sflag:s15] =	ssyncadd.s32 $0xFFFFD800  }
0x5c: {  	_ =	sfence.sel $0x180000  }
0x5d: {  	[bflag:$0x0] =	sbarrier.arrive $0xFFFF  }
0x5e: {  	p0 =	sne.s32 s1, $0x0;
	_ =	strace $0x90000050  }
0x5f: {  	s0 =	sadd.s32 @!p0 $0x100000, s0;
	[bflag:$0x2] =	sbarrier.arrive $0xFFFF  }
0x60: {  	[sflag:s0] =	ssyncadd.tile.s32 @!p0 $0x1;
	_ =	shalt  }
.Lfunc_end2:
_tile_overlayer_lowered:
.L_overlay_start_2:
0x61: {  	(tag) =	ssettag $0x2  }
0x62: {  	s0 =	rddreg [dreg:$0x0];
	s2 =	stileid.u32  }
0x63: {  	s1 =	rddreg [dreg:$0x1];
	p0 =	sne.s32 s2, $0x0  }
0x64: {  	s3 =	rddreg [dreg:$0x2];
	[bflag:$0x3] =	sbarrier.arrive $0xFFFF;
	s2 =	simm.s32 @!p0 $0x1C02  }
0x65: {  	[timem:s3], [sflag:s2] =	dma.local @!p0 [hbm:s0], s1  }
0x66: {  	s0 =	simm.s32 @!p0 $0x2  }
0x67: {  	_ =	swait.ge @!p0 [sflag:s0], s1  }
0x68: {  	s1 =	ssub.s32 @!p0 $0x0, s1;
	[sflag:s0] =	ssyncset.done @!p0 $0x0  }
0x69: {  	[sflag:s0] =	ssyncadd.s32 @!p0 s1  }
0x6a: {  	[bflag:$0x3] =	sbarrier.arrive $0xFFFF  }
0x6b: {  	_ =	shalt  }

</sc_bundles>
